<compile_context>
chip_gen: v7x
topology: tpu7x:2x2x1
jax: 0.10.2.dev20260603
libtpu: 0.0.44.dev20260713+nightly
codegen_flags: <defaults>
</compile_context>

<pallas_src>
import functools

import jax
import jax.numpy as jnp
from jax import lax
from jax.experimental import pallas as pl
from jax.experimental.pallas import tpu as pltpu
from jax.experimental.pallas import tpu_sc as plsc

N = 10000
E = 320000
D = 128
H = 128
C = 40
CP = 48

NC = 2
NS = 16
K = 80
EDGES_PER_SUB = E // (NC * NS)
CHUNKS = EDGES_PER_SUB // K
NB = 8
NBS = 3

_f32 = jnp.float32


def _mesh():
    return plsc.VectorSubcoreMesh(core_axis_name="c", subcore_axis_name="s")



def _make_deg_kernel():

    NU = N // K
    NT = -(-NU // NS)

    @functools.partial(
        pl.kernel,
        out_type=jax.ShapeDtypeStruct((NC * N,), _f32),
        mesh=_mesh(),
        scratch_types=(
            [pltpu.VMEM((K,), jnp.int32) for _ in range(NB)]
            + [pltpu.VMEM((K,), _f32),
               pltpu.VMEM((K,), _f32),
               pltpu.VMEM_SHARED((N,), _f32)]
            + [pltpu.SemaphoreType.DMA for _ in range(2 * NB)]
        ),
    )
    def deg_kernel(dst_hbm, out_hbm, *refs):
        dbuf = refs[0:NB]
        ones, vbuf, table = refs[NB:NB + 3]
        isem = refs[NB + 3:2 * NB + 3]
        ssem = refs[2 * NB + 3:3 * NB + 3]
        cid = lax.axis_index("c")
        sid = lax.axis_index("s")
        base = (cid * NS + sid) * EDGES_PER_SUB
        for j in range(K // 16):
            ones[pl.ds(16 * j, 16)] = jnp.full((16,), 1.0, _f32)
            vbuf[pl.ds(16 * j, 16)] = jnp.zeros((16,), _f32)

        for b in range(NB):
            pltpu.async_copy(dst_hbm.at[pl.ds(base + b * K, K)], dbuf[b],
                             isem[b])

        @pl.loop(0, NT)
        def _(t):
            u = t * NS + sid

            @pl.when(u < NU)
            def _():
                pltpu.async_copy(vbuf, table.at[pl.ds(u * K, K)], ssem[0])

        @pl.loop(0, NT)
        def _(t):
            u = t * NS + sid

            @pl.when(u < NU)
            def _():
                pltpu.make_async_copy(vbuf, table.at[pl.ds(u * K, K)],
                                      ssem[0]).wait()

        plsc.subcore_barrier()

        @pl.loop(0, CHUNKS, step=NB)
        def _(i):
            for b in range(NB):
                c = i + b

                @pl.when(c < CHUNKS)
                def _():
                    pltpu.make_async_copy(dst_hbm.at[pl.ds(base, K)],
                                          dbuf[b], isem[b]).wait()
                    pltpu.async_copy(ones, table.at[dbuf[b]], ssem[b],
                                     add=True)

                    @pl.when(c + NB < CHUNKS)
                    def _():
                        pltpu.make_async_copy(ones, table.at[dbuf[b]],
                                              ssem[b]).wait()
                        pltpu.async_copy(
                            dst_hbm.at[pl.ds(base + (c + NB) * K, K)],
                            dbuf[b], isem[b])

        for b in range(NB):
            pltpu.make_async_copy(ones, table.at[dbuf[b]], ssem[b]).wait()

        plsc.subcore_barrier()

        @pl.loop(0, NT)
        def _(t):
            u = t * NS + sid

            @pl.when(u < NU)
            def _():
                pltpu.sync_copy(table.at[pl.ds(u * K, K)], vbuf)
                pltpu.sync_copy(vbuf, out_hbm.at[pl.ds(cid * N + u * K, K)])

    return deg_kernel


def _make_scatter_kernel(F):

    NU = N // K
    NT = -(-NU // NS)

    @functools.partial(
        pl.kernel,
        out_type=jax.ShapeDtypeStruct((NC * N, F), _f32),
        mesh=_mesh(),
        scratch_types=(
            [pltpu.VMEM((EDGES_PER_SUB,), jnp.int32)]
            + [pltpu.VMEM((K,), jnp.int32) for _ in range(NBS)]
            + [pltpu.VMEM((K, F), _f32) for _ in range(NBS)]
            + [pltpu.VMEM_SHARED((N, F), _f32)]
            + [pltpu.SemaphoreType.DMA for _ in range(3 * NBS)]
        ),
    )
    def scatter_kernel(hs_hbm, src_hbm, dst_hbm, out_hbm, *refs):
        sidx_v = refs[0]
        dbuf = refs[1:1 + NBS]
        rbuf = refs[1 + NBS:1 + 2 * NBS]
        acc = refs[1 + 2 * NBS]
        isem = refs[2 + 2 * NBS:2 + 3 * NBS]
        gsem = refs[2 + 3 * NBS:2 + 4 * NBS]
        ssem = refs[2 + 4 * NBS:2 + 5 * NBS]
        cid = lax.axis_index("c")
        sid = lax.axis_index("s")
        base = (cid * NS + sid) * EDGES_PER_SUB

        pltpu.sync_copy(src_hbm.at[pl.ds(base, EDGES_PER_SUB)], sidx_v)

        @pl.loop(0, K)
        def _(r):
            for j in range(F // 16):
                rbuf[0][r, pl.ds(16 * j, 16)] = jnp.zeros((16,), _f32)

        @pl.loop(0, NT)
        def _(t):
            u = t * NS + sid

            @pl.when(u < NU)
            def _():
                pltpu.async_copy(rbuf[0], acc.at[pl.ds(u * K, K)], gsem[0])

        @pl.loop(0, NT)
        def _(t):
            u = t * NS + sid

            @pl.when(u < NU)
            def _():
                pltpu.make_async_copy(rbuf[0], acc.at[pl.ds(u * K, K)],
                                      gsem[0]).wait()

        for b in range(NBS):
            pltpu.async_copy(dst_hbm.at[pl.ds(base + b * K, K)], dbuf[b],
                             isem[b])
            pltpu.async_copy(hs_hbm.at[sidx_v.at[pl.ds(b * K, K)]], rbuf[b],
                             gsem[b])

        plsc.subcore_barrier()

        @pl.loop(0, CHUNKS, step=NBS)
        def _(i):
            for b in range(NBS):
                c = i + b

                @pl.when(c < CHUNKS)
                def _():
                    pltpu.make_async_copy(dst_hbm.at[pl.ds(base, K)],
                                          dbuf[b], isem[b]).wait()
                    pltpu.make_async_copy(
                        hs_hbm.at[sidx_v.at[pl.ds(0, K)]], rbuf[b],
                        gsem[b]).wait()
                    pltpu.async_copy(rbuf[b], acc.at[dbuf[b]], ssem[b],
                                     add=True)

                    @pl.when(c + NBS < CHUNKS)
                    def _():
                        nxt = c + NBS
                        pltpu.make_async_copy(rbuf[b], acc.at[dbuf[b]],
                                              ssem[b]).wait()
                        pltpu.async_copy(
                            dst_hbm.at[pl.ds(base + nxt * K, K)], dbuf[b],
                            isem[b])
                        pltpu.async_copy(
                            hs_hbm.at[sidx_v.at[pl.ds(nxt * K, K)]], rbuf[b],
                            gsem[b])

        for b in range(NBS):
            pltpu.make_async_copy(rbuf[b], acc.at[dbuf[b]], ssem[b]).wait()

        plsc.subcore_barrier()

        @pl.loop(0, NT)
        def _(t):
            u = t * NS + sid

            @pl.when(u < NU)
            def _():
                pltpu.async_copy(acc.at[pl.ds(u * K, K)],
                                 out_hbm.at[pl.ds(cid * N + u * K, K)],
                                 gsem[0])

        @pl.loop(0, NT)
        def _(t):
            u = t * NS + sid

            @pl.when(u < NU)
            def _():
                pltpu.make_async_copy(acc.at[pl.ds(u * K, K)],
                                      out_hbm.at[pl.ds(cid * N + u * K, K)],
                                      gsem[0]).wait()

    return scatter_kernel


_deg_call = _make_deg_kernel()
_scatter128 = _make_scatter_kernel(D)



def _dinv_of(degp):
    return lax.rsqrt(degp[0] + degp[1] + 1.0)


def _mm1_body(degp_ref, x_ref, w_ref, o_ref):
    dinv = _dinv_of(degp_ref[...])
    h = jnp.dot(x_ref[...], w_ref[...],
                preferred_element_type=_f32,
                precision=lax.Precision.HIGHEST)
    o_ref[...] = h * dinv[:, None]


def _layer2_body(degp_ref, agg_ref, hs1_ref, b1_ref, o_ref):
    dinv = _dinv_of(degp_ref[...])
    a = agg_ref[:N] + agg_ref[N:] + hs1_ref[...]
    out1 = jnp.maximum(dinv[:, None] * a + b1_ref[...][None, :], 0.0)
    o_ref[...] = out1 * dinv[:, None]


def _final_body(degp_ref, agg_ref, os1_ref, b2_ref, w2_ref, o_ref):
    dinv = _dinv_of(degp_ref[...])
    a = agg_ref[:N] + agg_ref[N:] + os1_ref[...]
    t = jnp.dot(a, w2_ref[...],
                preferred_element_type=_f32,
                precision=lax.Precision.HIGHEST)
    z = dinv[:, None] * t + b2_ref[...][None, :]
    z = jnp.maximum(z, 0.0)
    m = jnp.max(z, axis=1, keepdims=True)
    e = z - m
    lse = jnp.log(jnp.sum(jnp.exp(e), axis=1, keepdims=True))
    o_ref[...] = e - lse


def _tc(body, out_shape):
    return pl.pallas_call(body, out_shape=jax.ShapeDtypeStruct(out_shape, _f32))



def kernel(x, edge_index, W1, b1, W2, b2):
    src = edge_index[0].astype(jnp.int32)
    dst = edge_index[1].astype(jnp.int32)

    degp = _deg_call(dst).reshape(NC, N)

    hs1 = _tc(_mm1_body, (N, D))(degp, x, W1)

    agg1 = _scatter128(hs1, src, dst)

    os1 = _tc(_layer2_body, (N, D))(degp, agg1, hs1, b1)

    agg2 = _scatter128(os1, src, dst)

    return _tc(_final_body, (N, C))(degp, agg2, os1, b2, W2)

# --- scband reference (transcript-rebuilt; emitter-appended) ---
"""Pipeline reference for scband-gcn-36215164240762 (READ-ONLY COPY).

The authoritative reference and input builder live on the scoring server;
editing this copy changes nothing except your own understanding.
"""

import jax, jax.numpy as jnp
import numpy as np

N_NODES = 10000
N_EDGES = 320000
D_FEAT = 128
HIDDEN = 128
N_CLASSES = 40


def setup_inputs(seed: int = 0) -> dict:
    key = jax.random.key(seed)
    k1, k2, k3, k4 = jax.random.split(key, 4)
    x = jax.random.normal(k1, (N_NODES, D_FEAT), dtype=jnp.float32)
    edge_index = jax.random.randint(k2, (2, N_EDGES), 0, N_NODES, dtype=jnp.int64)
    W1 = jax.random.normal(k3, (D_FEAT, HIDDEN), dtype=jnp.float32) * 0.05
    b1 = jnp.zeros((HIDDEN,), dtype=jnp.float32)
    W2 = jax.random.normal(k4, (HIDDEN, N_CLASSES), dtype=jnp.float32) * 0.05
    b2 = jnp.zeros((N_CLASSES,), dtype=jnp.float32)
    return {"x": x, "edge_index": edge_index, "W1": W1, "b1": b1, "W2": W2, "b2": b2}


def _gcn_conv(x, src, dst, norm, W, b, num_nodes):
    # GCNConv: linear transform, then normalized aggregation, then bias
    h = x @ W
    msg = jnp.take(h, src, axis=0) * norm[:, None]
    out = jax.ops.segment_sum(msg, dst, num_segments=num_nodes)
    return out + b


def reference(x, edge_index, W1, b1, W2, b2):
    n = x.shape[0]
    # add self loops
    loops = jnp.arange(n, dtype=edge_index.dtype)
    src = jnp.concatenate([edge_index[0], loops])
    dst = jnp.concatenate([edge_index[1], loops])
    # symmetric degree normalization D^{-1/2} (A+I) D^{-1/2}
    deg = jax.ops.segment_sum(jnp.ones_like(dst, dtype=x.dtype), dst, num_segments=n)
    deg_inv_sqrt = jnp.where(deg > 0, deg ** -0.5, 0.0)
    norm = jnp.take(deg_inv_sqrt, src) * jnp.take(deg_inv_sqrt, dst)
    # dropout p=0.0 (eval) -> identity
    h = jax.nn.relu(_gcn_conv(x, src, dst, norm, W1, b1, n))
    h = jax.nn.relu(_gcn_conv(h, src, dst, norm, W2, b2, n))
    return jax.nn.log_softmax(h, axis=1)

if __name__ == "__main__":
    import jax
    _d = setup_inputs()
    print(jax.jit(kernel)(*tuple(_d.values())))

</pallas_src>

<mosaic_0001>
#map = affine_map<(d0, d1) -> (0, 0)>
#map1 = affine_map<(d0, d1) -> (0)>
module attributes {stable_mosaic.version = 14 : i64} {
  func.func @scatter_kernel(%arg0: i32, %arg1: i32, %arg2: memref<10000x128xf32, #tpu.memory_space<hbm>>, %arg3: memref<320000xi32, #tpu.memory_space<hbm>>, %arg4: memref<320000xi32, #tpu.memory_space<hbm>>, %arg5: memref<20000x128xf32, #tpu.memory_space<hbm>>, %arg6: memref<10000xi32, #tpu.memory_space<vmem>>, %arg7: memref<80xi32, #tpu.memory_space<vmem>>, %arg8: memref<80xi32, #tpu.memory_space<vmem>>, %arg9: memref<80xi32, #tpu.memory_space<vmem>>, %arg10: memref<80x128xf32, #tpu.memory_space<vmem>>, %arg11: memref<80x128xf32, #tpu.memory_space<vmem>>, %arg12: memref<80x128xf32, #tpu.memory_space<vmem>>, %arg13: memref<10000x128xf32, #tpu.memory_space<vmem_shared>>, %arg14: memref<!tpu.dma_semaphore, #tpu.memory_space<semaphore_mem>>, %arg15: memref<!tpu.dma_semaphore, #tpu.memory_space<semaphore_mem>>, %arg16: memref<!tpu.dma_semaphore, #tpu.memory_space<semaphore_mem>>, %arg17: memref<!tpu.dma_semaphore, #tpu.memory_space<semaphore_mem>>, %arg18: memref<!tpu.dma_semaphore, #tpu.memory_space<semaphore_mem>>, %arg19: memref<!tpu.dma_semaphore, #tpu.memory_space<semaphore_mem>>, %arg20: memref<!tpu.dma_semaphore, #tpu.memory_space<semaphore_mem>>, %arg21: memref<!tpu.dma_semaphore, #tpu.memory_space<semaphore_mem>>, %arg22: memref<!tpu.dma_semaphore, #tpu.memory_space<semaphore_mem>>) attributes {dimension_semantics = [#tpu.dimension_semantics<core_parallel>, #tpu.dimension_semantics<subcore_parallel>], iteration_bounds = array<i64: 2, 16>, scalar_prefetch = 0 : i64, scratch_operands = 17 : i64, tpu.core_type = #tpu.core_type<sc_vector_subcore>, window_params = [{transform_indices = #map}, {transform_indices = #map1}, {transform_indices = #map1}, {transform_indices = #map}]} {
    %mul3A = arith.constant 16 : i32
    %mul3A_0 = arith.muli %arg0, %mul3A : i32
    %add3A = arith.addi %mul3A_0, %arg1 : i32
    %mul3A_1 = arith.constant 10000 : i32
    %mul3A_2 = arith.muli %add3A, %mul3A_1 : i32
    "tpu.region"() ({
      %run_scoped3A = tpu.sem_alloc : memref<!tpu.dma_semaphore, #tpu.memory_space<semaphore_mem>>
      %dma_start3A_67 = tpu.memref_slice %arg3[%mul3A_2] : memref<320000xi32, #tpu.memory_space<hbm>> -> memref<10000xi32, #tpu.memory_space<hbm>>
      %dma_start3A_68 = tpu.memref_slice %arg3[%mul3A_2] : memref<320000xi32, #tpu.memory_space<hbm>> -> memref<10000xi32, #tpu.memory_space<hbm>>
      tpu.enqueue_dma source(%dma_start3A_68 : memref<10000xi32, #tpu.memory_space<hbm>>) target(%arg6 : memref<10000xi32, #tpu.memory_space<vmem>>) target_semaphore(%run_scoped3A : memref<!tpu.dma_semaphore, #tpu.memory_space<semaphore_mem>>)
      %dma_wait3A_69 = tpu.memref_slice %arg3[%mul3A_2] : memref<320000xi32, #tpu.memory_space<hbm>> -> memref<10000xi32, #tpu.memory_space<hbm>>
      %dma_wait3A_70 = tpu.memref_slice %arg3[%mul3A_2] : memref<320000xi32, #tpu.memory_space<hbm>> -> memref<10000xi32, #tpu.memory_space<hbm>>
      tpu.wait_dma2 semaphore(%run_scoped3A : memref<!tpu.dma_semaphore, #tpu.memory_space<semaphore_mem>>) src(%dma_wait3A_70 : memref<10000xi32, #tpu.memory_space<hbm>>) dst(%arg6 : memref<10000xi32, #tpu.memory_space<vmem>>)
      tpu.yield
    }) : () -> ()
    %scan3A = arith.constant 0 : i32
    %scan3A_3 = arith.constant 80 : i32
    %scan3A_4 = arith.addi %scan3A, %scan3A_3 : i32
    %scan3A_5 = arith.constant 1 : i32
    scf.for %scan3A_67 = %scan3A to %scan3A_4 step %scan3A_5  : i32 {
      %mul3A_68 = arith.constant 1 : i32
      %mul3A_69 = arith.muli %scan3A_67, %mul3A_68 : i32
      %add3A_70 = arith.constant 0 : i32
      %add3A_71 = arith.addi %add3A_70, %mul3A_69 : i32
      %broadcast_in_dim3A = arith.constant 0.000000e+00 : f32
      %broadcast_in_dim3A_72 = vector.broadcast %broadcast_in_dim3A : f32 to vector<16xf32>
      %swap3A = arith.index_cast %add3A_71 : i32 to index
      %swap3A_73 = arith.constant 0 : index
      %swap3A_74 = tpu.vector_load %arg10[%swap3A, %swap3A_73] {strides = array<i32>} : memref<80x128xf32, #tpu.memory_space<vmem>>, vector<1x16xf32>,
      %swap3A_75 = vector.shape_cast %swap3A_74 : vector<1x16xf32> to vector<16xf32>
      %swap3A_76 = vector.shape_cast %broadcast_in_dim3A_72 : vector<16xf32> to vector<1x16xf32>
      tpu.vector_store %arg10[%swap3A, %swap3A_73], %swap3A_76 {strides = array<i32>} : memref<80x128xf32, #tpu.memory_space<vmem>>, vector<1x16xf32>,
      %broadcast_in_dim3A_77 = arith.constant 0.000000e+00 : f32
      %broadcast_in_dim3A_78 = vector.broadcast %broadcast_in_dim3A_77 : f32 to vector<16xf32>
      %swap3A_79 = arith.index_cast %add3A_71 : i32 to index
      %swap3A_80 = arith.constant 16 : index
      %swap3A_81 = tpu.vector_load %arg10[%swap3A_79, %swap3A_80] {strides = array<i32>} : memref<80x128xf32, #tpu.memory_space<vmem>>, vector<1x16xf32>,
      %swap3A_82 = vector.shape_cast %swap3A_81 : vector<1x16xf32> to vector<16xf32>
      %swap3A_83 = vector.shape_cast %broadcast_in_dim3A_78 : vector<16xf32> to vector<1x16xf32>
      tpu.vector_store %arg10[%swap3A_79, %swap3A_80], %swap3A_83 {strides = array<i32>} : memref<80x128xf32, #tpu.memory_space<vmem>>, vector<1x16xf32>,
      %broadcast_in_dim3A_84 = arith.constant 0.000000e+00 : f32
      %broadcast_in_dim3A_85 = vector.broadcast %broadcast_in_dim3A_84 : f32 to vector<16xf32>
      %swap3A_86 = arith.index_cast %add3A_71 : i32 to index
      %swap3A_87 = arith.constant 32 : index
      %swap3A_88 = tpu.vector_load %arg10[%swap3A_86, %swap3A_87] {strides = array<i32>} : memref<80x128xf32, #tpu.memory_space<vmem>>, vector<1x16xf32>,
      %swap3A_89 = vector.shape_cast %swap3A_88 : vector<1x16xf32> to vector<16xf32>
      %swap3A_90 = vector.shape_cast %broadcast_in_dim3A_85 : vector<16xf32> to vector<1x16xf32>
      tpu.vector_store %arg10[%swap3A_86, %swap3A_87], %swap3A_90 {strides = array<i32>} : memref<80x128xf32, #tpu.memory_space<vmem>>, vector<1x16xf32>,
      %broadcast_in_dim3A_91 = arith.constant 0.000000e+00 : f32
      %broadcast_in_dim3A_92 = vector.broadcast %broadcast_in_dim3A_91 : f32 to vector<16xf32>
      %swap3A_93 = arith.index_cast %add3A_71 : i32 to index
      %swap3A_94 = arith.constant 48 : index
      %swap3A_95 = tpu.vector_load %arg10[%swap3A_93, %swap3A_94] {strides = array<i32>} : memref<80x128xf32, #tpu.memory_space<vmem>>, vector<1x16xf32>,
      %swap3A_96 = vector.shape_cast %swap3A_95 : vector<1x16xf32> to vector<16xf32>
      %swap3A_97 = vector.shape_cast %broadcast_in_dim3A_92 : vector<16xf32> to vector<1x16xf32>
      tpu.vector_store %arg10[%swap3A_93, %swap3A_94], %swap3A_97 {strides = array<i32>} : memref<80x128xf32, #tpu.memory_space<vmem>>, vector<1x16xf32>,
      %broadcast_in_dim3A_98 = arith.constant 0.000000e+00 : f32
      %broadcast_in_dim3A_99 = vector.broadcast %broadcast_in_dim3A_98 : f32 to vector<16xf32>
      %swap3A_100 = arith.index_cast %add3A_71 : i32 to index
      %swap3A_101 = arith.constant 64 : index
      %swap3A_102 = tpu.vector_load %arg10[%swap3A_100, %swap3A_101] {strides = array<i32>} : memref<80x128xf32, #tpu.memory_space<vmem>>, vector<1x16xf32>,
      %swap3A_103 = vector.shape_cast %swap3A_102 : vector<1x16xf32> to vector<16xf32>
      %swap3A_104 = vector.shape_cast %broadcast_in_dim3A_99 : vector<16xf32> to vector<1x16xf32>
      tpu.vector_store %arg10[%swap3A_100, %swap3A_101], %swap3A_104 {strides = array<i32>} : memref<80x128xf32, #tpu.memory_space<vmem>>, vector<1x16xf32>,
      %broadcast_in_dim3A_105 = arith.constant 0.000000e+00 : f32
      %broadcast_in_dim3A_106 = vector.broadcast %broadcast_in_dim3A_105 : f32 to vector<16xf32>
      %swap3A_107 = arith.index_cast %add3A_71 : i32 to index
      %swap3A_108 = arith.constant 80 : index
      %swap3A_109 = tpu.vector_load %arg10[%swap3A_107, %swap3A_108] {strides = array<i32>} : memref<80x128xf32, #tpu.memory_space<vmem>>, vector<1x16xf32>,
      %swap3A_110 = vector.shape_cast %swap3A_109 : vector<1x16xf32> to vector<16xf32>
      %swap3A_111 = vector.shape_cast %broadcast_in_dim3A_106 : vector<16xf32> to vector<1x16xf32>
      tpu.vector_store %arg10[%swap3A_107, %swap3A_108], %swap3A_111 {strides = array<i32>} : memref<80x128xf32, #tpu.memory_space<vmem>>, vector<1x16xf32>,
      %broadcast_in_dim3A_112 = arith.constant 0.000000e+00 : f32
      %broadcast_in_dim3A_113 = vector.broadcast %broadcast_in_dim3A_112 : f32 to vector<16xf32>
      %swap3A_114 = arith.index_cast %add3A_71 : i32 to index
      %swap3A_115 = arith.constant 96 : index
      %swap3A_116 = tpu.vector_load %arg10[%swap3A_114, %swap3A_115] {strides = array<i32>} : memref<80x128xf32, #tpu.memory_space<vmem>>, vector<1x16xf32>,
      %swap3A_117 = vector.shape_cast %swap3A_116 : vector<1x16xf32> to vector<16xf32>
      %swap3A_118 = vector.shape_cast %broadcast_in_dim3A_113 : vector<16xf32> to vector<1x16xf32>
      tpu.vector_store %arg10[%swap3A_114, %swap3A_115], %swap3A_118 {strides = array<i32>} : memref<80x128xf32, #tpu.memory_space<vmem>>, vector<1x16xf32>,
      %broadcast_in_dim3A_119 = arith.constant 0.000000e+00 : f32
      %broadcast_in_dim3A_120 = vector.broadcast %broadcast_in_dim3A_119 : f32 to vector<16xf32>
      %swap3A_121 = arith.index_cast %add3A_71 : i32 to index
      %swap3A_122 = arith.constant 112 : index
      %swap3A_123 = tpu.vector_load %arg10[%swap3A_121, %swap3A_122] {strides = array<i32>} : memref<80x128xf32, #tpu.memory_space<vmem>>, vector<1x16xf32>,
      %swap3A_124 = vector.shape_cast %swap3A_123 : vector<1x16xf32> to vector<16xf32>
      %swap3A_125 = vector.shape_cast %broadcast_in_dim3A_120 : vector<16xf32> to vector<1x16xf32>
      tpu.vector_store %arg10[%swap3A_121, %swap3A_122], %swap3A_125 {strides = array<i32>} : memref<80x128xf32, #tpu.memory_space<vmem>>, vector<1x16xf32>,
    }
    %scan3A_6 = arith.constant 80 : i32
    %scan3A_7 = arith.constant 0 : i32
    %scan3A_8 = arith.constant 8 : i32
    %scan3A_9 = arith.addi %scan3A_7, %scan3A_8 : i32
    %scan3A_10 = arith.constant 1 : i32
    scf.for %scan3A_67 = %scan3A_7 to %scan3A_9 step %scan3A_10  : i32 {
      %mul3A_68 = arith.constant 1 : i32
      %mul3A_69 = arith.muli %scan3A_67, %mul3A_68 : i32
      %add3A_70 = arith.constant 0 : i32
      %add3A_71 = arith.addi %add3A_70, %mul3A_69 : i32
      %mul3A_72 = arith.constant 16 : i32
      %mul3A_73 = arith.muli %add3A_71, %mul3A_72 : i32
      %add3A_74 = arith.addi %mul3A_73, %arg1 : i32
      %lt3A = arith.constant 125 : i32
      %lt3A_75 = arith.cmpi slt, %add3A_74, %lt3A : i32
      %convert_element_type3A = arith.extui %lt3A_75 : i1 to i32
      %cond3A = arith.constant 0 : i32
      %cond3A_76 = arith.cmpi ne, %convert_element_type3A, %cond3A : i32
      scf.if %cond3A_76 {
        %mul3A_77 = arith.constant 80 : i32
        %mul3A_78 = arith.muli %add3A_74, %mul3A_77 : i32
        %dma_start3A_79 = arith.constant 0 : i32
        %dma_start3A_80 = tpu.memref_slice %arg13[%mul3A_78, %dma_start3A_79] : memref<10000x128xf32, #tpu.memory_space<vmem_shared>> -> memref<80x128xf32, #tpu.memory_space<vmem_shared>>
        %dma_start3A_81 = arith.constant 0 : i32
        %dma_start3A_82 = tpu.memref_slice %arg13[%mul3A_78, %dma_start3A_81] : memref<10000x128xf32, #tpu.memory_space<vmem_shared>> -> memref<80x128xf32, #tpu.memory_space<vmem_shared>>
        tpu.enqueue_dma source(%arg10 : memref<80x128xf32, #tpu.memory_space<vmem>>) target(%dma_start3A_82 : memref<80x128xf32, #tpu.memory_space<vmem_shared>>) target_semaphore(%arg17 : memref<!tpu.dma_semaphore, #tpu.memory_space<semaphore_mem>>)
      } else {
      }
    }
    %scan3A_11 = arith.constant 8 : i32
    %scan3A_12 = arith.constant 0 : i32
    %scan3A_13 = arith.constant 8 : i32
    %scan3A_14 = arith.addi %scan3A_12, %scan3A_13 : i32
    %scan3A_15 = arith.constant 1 : i32
    scf.for %scan3A_67 = %scan3A_12 to %scan3A_14 step %scan3A_15  : i32 {
      %mul3A_68 = arith.constant 1 : i32
      %mul3A_69 = arith.muli %scan3A_67, %mul3A_68 : i32
      %add3A_70 = arith.constant 0 : i32
      %add3A_71 = arith.addi %add3A_70, %mul3A_69 : i32
      %mul3A_72 = arith.constant 16 : i32
      %mul3A_73 = arith.muli %add3A_71, %mul3A_72 : i32
      %add3A_74 = arith.addi %mul3A_73, %arg1 : i32
      %lt3A = arith.constant 125 : i32
      %lt3A_75 = arith.cmpi slt, %add3A_74, %lt3A : i32
      %convert_element_type3A = arith.extui %lt3A_75 : i1 to i32
      %cond3A = arith.constant 0 : i32
      %cond3A_76 = arith.cmpi ne, %convert_element_type3A, %cond3A : i32
      scf.if %cond3A_76 {
        %mul3A_77 = arith.constant 80 : i32
        %mul3A_78 = arith.muli %add3A_74, %mul3A_77 : i32
        %dma_wait3A_79 = arith.constant 0 : i32
        %dma_wait3A_80 = tpu.memref_slice %arg13[%mul3A_78, %dma_wait3A_79] : memref<10000x128xf32, #tpu.memory_space<vmem_shared>> -> memref<80x128xf32, #tpu.memory_space<vmem_shared>>
        %dma_wait3A_81 = arith.constant 0 : i32
        %dma_wait3A_82 = tpu.memref_slice %arg13[%mul3A_78, %dma_wait3A_81] : memref<10000x128xf32, #tpu.memory_space<vmem_shared>> -> memref<80x128xf32, #tpu.memory_space<vmem_shared>>
        tpu.wait_dma2 semaphore(%arg17 : memref<!tpu.dma_semaphore, #tpu.memory_space<semaphore_mem>>) src(%arg10 : memref<80x128xf32, #tpu.memory_space<vmem>>) dst(%dma_wait3A_82 : memref<80x128xf32, #tpu.memory_space<vmem_shared>>)
      } else {
      }
    }
    %scan3A_16 = arith.constant 8 : i32
    %add3A_17 = arith.constant 0 : i32
    %add3A_18 = arith.addi %mul3A_2, %add3A_17 : i32
    %dma_start3A = tpu.memref_slice %arg4[%add3A_18] : memref<320000xi32, #tpu.memory_space<hbm>> -> memref<80xi32, #tpu.memory_space<hbm>>
    %dma_start3A_19 = tpu.memref_slice %arg4[%add3A_18] : memref<320000xi32, #tpu.memory_space<hbm>> -> memref<80xi32, #tpu.memory_space<hbm>>
    tpu.enqueue_dma source(%dma_start3A_19 : memref<80xi32, #tpu.memory_space<hbm>>) target(%arg7 : memref<80xi32, #tpu.memory_space<vmem>>) target_semaphore(%arg14 : memref<!tpu.dma_semaphore, #tpu.memory_space<semaphore_mem>>)
    %dma_start3A_20 = arith.constant 0 : i32
    %dma_start3A_21 = tpu.memref_slice %arg6[%dma_start3A_20] : memref<10000xi32, #tpu.memory_space<vmem>> -> memref<80xi32, #tpu.memory_space<vmem>>
    %dma_start3A_22 = arith.constant 0 : i32
    %dma_start3A_23 = arith.constant 0 : i32
    %dma_start3A_24 = tpu.memref_slice %arg2[%dma_start3A_22, %dma_start3A_23] : memref<10000x128xf32, #tpu.memory_space<hbm>> -> memref<10000x128xf32, #tpu.memory_space<hbm>>
    tpu.enqueue_indirect_dma source(%dma_start3A_24 : memref<10000x128xf32, #tpu.memory_space<hbm>>) target(%arg10 : memref<80x128xf32, #tpu.memory_space<vmem>>) offsets(%dma_start3A_21 : memref<80xi32, #tpu.memory_space<vmem>>) semaphore(%arg17 : memref<!tpu.dma_semaphore, #tpu.memory_space<semaphore_mem>>)
    %add3A_25 = arith.constant 80 : i32
    %add3A_26 = arith.addi %mul3A_2, %add3A_25 : i32
    %dma_start3A_27 = tpu.memref_slice %arg4[%add3A_26] : memref<320000xi32, #tpu.memory_space<hbm>> -> memref<80xi32, #tpu.memory_space<hbm>>
    %dma_start3A_28 = tpu.memref_slice %arg4[%add3A_26] : memref<320000xi32, #tpu.memory_space<hbm>> -> memref<80xi32, #tpu.memory_space<hbm>>
    tpu.enqueue_dma source(%dma_start3A_28 : memref<80xi32, #tpu.memory_space<hbm>>) target(%arg8 : memref<80xi32, #tpu.memory_space<vmem>>) target_semaphore(%arg15 : memref<!tpu.dma_semaphore, #tpu.memory_space<semaphore_mem>>)
    %dma_start3A_29 = arith.constant 80 : i32
    %dma_start3A_30 = tpu.memref_slice %arg6[%dma_start3A_29] : memref<10000xi32, #tpu.memory_space<vmem>> -> memref<80xi32, #tpu.memory_space<vmem>>
    %dma_start3A_31 = arith.constant 0 : i32
    %dma_start3A_32 = arith.constant 0 : i32
    %dma_start3A_33 = tpu.memref_slice %arg2[%dma_start3A_31, %dma_start3A_32] : memref<10000x128xf32, #tpu.memory_space<hbm>> -> memref<10000x128xf32, #tpu.memory_space<hbm>>
    tpu.enqueue_indirect_dma source(%dma_start3A_33 : memref<10000x128xf32, #tpu.memory_space<hbm>>) target(%arg11 : memref<80x128xf32, #tpu.memory_space<vmem>>) offsets(%dma_start3A_30 : memref<80xi32, #tpu.memory_space<vmem>>) semaphore(%arg18 : memref<!tpu.dma_semaphore, #tpu.memory_space<semaphore_mem>>)
    %add3A_34 = arith.constant 160 : i32
    %add3A_35 = arith.addi %mul3A_2, %add3A_34 : i32
    %dma_start3A_36 = tpu.memref_slice %arg4[%add3A_35] : memref<320000xi32, #tpu.memory_space<hbm>> -> memref<80xi32, #tpu.memory_space<hbm>>
    %dma_start3A_37 = tpu.memref_slice %arg4[%add3A_35] : memref<320000xi32, #tpu.memory_space<hbm>> -> memref<80xi32, #tpu.memory_space<hbm>>
    tpu.enqueue_dma source(%dma_start3A_37 : memref<80xi32, #tpu.memory_space<hbm>>) target(%arg9 : memref<80xi32, #tpu.memory_space<vmem>>) target_semaphore(%arg16 : memref<!tpu.dma_semaphore, #tpu.memory_space<semaphore_mem>>)
    %dma_start3A_38 = arith.constant 160 : i32
    %dma_start3A_39 = tpu.memref_slice %arg6[%dma_start3A_38] : memref<10000xi32, #tpu.memory_space<vmem>> -> memref<80xi32, #tpu.memory_space<vmem>>
    %dma_start3A_40 = arith.constant 0 : i32
    %dma_start3A_41 = arith.constant 0 : i32
    %dma_start3A_42 = tpu.memref_slice %arg2[%dma_start3A_40, %dma_start3A_41] : memref<10000x128xf32, #tpu.memory_space<hbm>> -> memref<10000x128xf32, #tpu.memory_space<hbm>>
    tpu.enqueue_indirect_dma source(%dma_start3A_42 : memref<10000x128xf32, #tpu.memory_space<hbm>>) target(%arg12 : memref<80x128xf32, #tpu.memory_space<vmem>>) offsets(%dma_start3A_39 : memref<80xi32, #tpu.memory_space<vmem>>) semaphore(%arg19 : memref<!tpu.dma_semaphore, #tpu.memory_space<semaphore_mem>>)
    %barrier3A = arith.constant 0 : index
    tpu.barrier barrier_id(%barrier3A)
    %scan3A_43 = arith.constant 0 : i32
    %scan3A_44 = arith.constant 42 : i32
    %scan3A_45 = arith.addi %scan3A_43, %scan3A_44 : i32
    %scan3A_46 = arith.constant 1 : i32
    scf.for %scan3A_67 = %scan3A_43 to %scan3A_45 step %scan3A_46  : i32 {
      %mul3A_68 = arith.constant 3 : i32
      %mul3A_69 = arith.muli %scan3A_67, %mul3A_68 : i32
      %add3A_70 = arith.constant 0 : i32
      %add3A_71 = arith.addi %add3A_70, %mul3A_69 : i32
      %add3A_72 = arith.constant 0 : i32
      %add3A_73 = arith.addi %add3A_71, %add3A_72 : i32
      %lt3A = arith.constant 125 : i32
      %lt3A_74 = arith.cmpi slt, %add3A_73, %lt3A : i32
      %convert_element_type3A = arith.extui %lt3A_74 : i1 to i32
      %cond3A = arith.constant 0 : i32
      %cond3A_75 = arith.cmpi ne, %convert_element_type3A, %cond3A : i32
      scf.if %cond3A_75 {
        %dma_wait3A_90 = tpu.memref_slice %arg4[%mul3A_2] : memref<320000xi32, #tpu.memory_space<hbm>> -> memref<80xi32, #tpu.memory_space<hbm>>
        %dma_wait3A_91 = tpu.memref_slice %arg4[%mul3A_2] : memref<320000xi32, #tpu.memory_space<hbm>> -> memref<80xi32, #tpu.memory_space<hbm>>
        tpu.wait_dma2 semaphore(%arg14 : memref<!tpu.dma_semaphore, #tpu.memory_space<semaphore_mem>>) src(%dma_wait3A_91 : memref<80xi32, #tpu.memory_space<hbm>>) dst(%arg7 : memref<80xi32, #tpu.memory_space<vmem>>)
        %dma_wait3A_92 = arith.constant 0 : i32
        %dma_wait3A_93 = tpu.memref_slice %arg6[%dma_wait3A_92] : memref<10000xi32, #tpu.memory_space<vmem>> -> memref<80xi32, #tpu.memory_space<vmem>>
        %dma_wait3A_94 = arith.constant 0 : i32
        %dma_wait3A_95 = arith.constant 0 : i32
        %dma_wait3A_96 = tpu.memref_slice %arg2[%dma_wait3A_94, %dma_wait3A_95] : memref<10000x128xf32, #tpu.memory_space<hbm>> -> memref<10000x128xf32, #tpu.memory_space<hbm>>
        tpu.wait_indirect_dma semaphore(%arg17 : memref<!tpu.dma_semaphore, #tpu.memory_space<semaphore_mem>>) src(%dma_wait3A_96 : memref<10000x128xf32, #tpu.memory_space<hbm>>) dst(%arg10 : memref<80x128xf32, #tpu.memory_space<vmem>>)
        %dma_start3A_97 = arith.constant 0 : i32
        %dma_start3A_98 = arith.constant 0 : i32
        %dma_start3A_99 = tpu.memref_slice %arg13[%dma_start3A_97, %dma_start3A_98] : memref<10000x128xf32, #tpu.memory_space<vmem_shared>> -> memref<10000x128xf32, #tpu.memory_space<vmem_shared>>
        tpu.enqueue_indirect_dma source(%arg10 : memref<80x128xf32, #tpu.memory_space<vmem>>) target(%dma_start3A_99 : memref<10000x128xf32, #tpu.memory_space<vmem_shared>>) offsets(%arg7 : memref<80xi32, #tpu.memory_space<vmem>>) semaphore(%arg20 : memref<!tpu.dma_semaphore, #tpu.memory_space<semaphore_mem>>) {add = true}
        %add3A_100 = arith.constant 3 : i32
        %add3A_101 = arith.addi %add3A_73, %add3A_100 : i32
        %lt3A_102 = arith.constant 125 : i32
        %lt3A_103 = arith.cmpi slt, %add3A_101, %lt3A_102 : i32
        %convert_element_type3A_104 = arith.extui %lt3A_103 : i1 to i32
        %cond3A_105 = arith.constant 0 : i32
        %cond3A_106 = arith.cmpi ne, %convert_element_type3A_104, %cond3A_105 : i32
        scf.if %cond3A_106 {
          %add3A_107 = arith.constant 3 : i32
          %add3A_108 = arith.addi %add3A_73, %add3A_107 : i32
          %dma_wait3A_109 = arith.constant 0 : i32
          %dma_wait3A_110 = arith.constant 0 : i32
          %dma_wait3A_111 = tpu.memref_slice %arg13[%dma_wait3A_109, %dma_wait3A_110] : memref<10000x128xf32, #tpu.memory_space<vmem_shared>> -> memref<10000x128xf32, #tpu.memory_space<vmem_shared>>
          tpu.wait_indirect_dma semaphore(%arg20 : memref<!tpu.dma_semaphore, #tpu.memory_space<semaphore_mem>>) src(%arg10 : memref<80x128xf32, #tpu.memory_space<vmem>>) dst(%dma_wait3A_111 : memref<10000x128xf32, #tpu.memory_space<vmem_shared>>)
          %mul3A_112 = arith.constant 80 : i32
          %mul3A_113 = arith.muli %add3A_108, %mul3A_112 : i32
          %add3A_114 = arith.addi %mul3A_2, %mul3A_113 : i32
          %dma_start3A_115 = tpu.memref_slice %arg4[%add3A_114] : memref<320000xi32, #tpu.memory_space<hbm>> -> memref<80xi32, #tpu.memory_space<hbm>>
          %dma_start3A_116 = tpu.memref_slice %arg4[%add3A_114] : memref<320000xi32, #tpu.memory_space<hbm>> -> memref<80xi32, #tpu.memory_space<hbm>>
          tpu.enqueue_dma source(%dma_start3A_116 : memref<80xi32, #tpu.memory_space<hbm>>) target(%arg7 : memref<80xi32, #tpu.memory_space<vmem>>) target_semaphore(%arg14 : memref<!tpu.dma_semaphore, #tpu.memory_space<semaphore_mem>>)
          %mul3A_117 = arith.constant 80 : i32
          %mul3A_118 = arith.muli %add3A_108, %mul3A_117 : i32
          %dma_start3A_119 = tpu.memref_slice %arg6[%mul3A_118] : memref<10000xi32, #tpu.memory_space<vmem>> -> memref<80xi32, #tpu.memory_space<vmem>>
          %dma_start3A_120 = arith.constant 0 : i32
          %dma_start3A_121 = arith.constant 0 : i32
          %dma_start3A_122 = tpu.memref_slice %arg2[%dma_start3A_120, %dma_start3A_121] : memref<10000x128xf32, #tpu.memory_space<hbm>> -> memref<10000x128xf32, #tpu.memory_space<hbm>>
          tpu.enqueue_indirect_dma source(%dma_start3A_122 : memref<10000x128xf32, #tpu.memory_space<hbm>>) target(%arg10 : memref<80x128xf32, #tpu.memory_space<vmem>>) offsets(%dma_start3A_119 : memref<80xi32, #tpu.memory_space<vmem>>) semaphore(%arg17 : memref<!tpu.dma_semaphore, #tpu.memory_space<semaphore_mem>>)
        } else {
        }
      } else {
      }
      %add3A_76 = arith.constant 1 : i32
      %add3A_77 = arith.addi %add3A_71, %add3A_76 : i32
      %lt3A_78 = arith.constant 125 : i32
      %lt3A_79 = arith.cmpi slt, %add3A_77, %lt3A_78 : i32
      %convert_element_type3A_80 = arith.extui %lt3A_79 : i1 to i32
      %cond3A_81 = arith.constant 0 : i32
      %cond3A_82 = arith.cmpi ne, %convert_element_type3A_80, %cond3A_81 : i32
      scf.if %cond3A_82 {
        %dma_wait3A_90 = tpu.memref_slice %arg4[%mul3A_2] : memref<320000xi32, #tpu.memory_space<hbm>> -> memref<80xi32, #tpu.memory_space<hbm>>
        %dma_wait3A_91 = tpu.memref_slice %arg4[%mul3A_2] : memref<320000xi32, #tpu.memory_space<hbm>> -> memref<80xi32, #tpu.memory_space<hbm>>
        tpu.wait_dma2 semaphore(%arg15 : memref<!tpu.dma_semaphore, #tpu.memory_space<semaphore_mem>>) src(%dma_wait3A_91 : memref<80xi32, #tpu.memory_space<hbm>>) dst(%arg8 : memref<80xi32, #tpu.memory_space<vmem>>)
        %dma_wait3A_92 = arith.constant 0 : i32
        %dma_wait3A_93 = tpu.memref_slice %arg6[%dma_wait3A_92] : memref<10000xi32, #tpu.memory_space<vmem>> -> memref<80xi32, #tpu.memory_space<vmem>>
        %dma_wait3A_94 = arith.constant 0 : i32
        %dma_wait3A_95 = arith.constant 0 : i32
        %dma_wait3A_96 = tpu.memref_slice %arg2[%dma_wait3A_94, %dma_wait3A_95] : memref<10000x128xf32, #tpu.memory_space<hbm>> -> memref<10000x128xf32, #tpu.memory_space<hbm>>
        tpu.wait_indirect_dma semaphore(%arg18 : memref<!tpu.dma_semaphore, #tpu.memory_space<semaphore_mem>>) src(%dma_wait3A_96 : memref<10000x128xf32, #tpu.memory_space<hbm>>) dst(%arg11 : memref<80x128xf32, #tpu.memory_space<vmem>>)
        %dma_start3A_97 = arith.constant 0 : i32
        %dma_start3A_98 = arith.constant 0 : i32
        %dma_start3A_99 = tpu.memref_slice %arg13[%dma_start3A_97, %dma_start3A_98] : memref<10000x128xf32, #tpu.memory_space<vmem_shared>> -> memref<10000x128xf32, #tpu.memory_space<vmem_shared>>
        tpu.enqueue_indirect_dma source(%arg11 : memref<80x128xf32, #tpu.memory_space<vmem>>) target(%dma_start3A_99 : memref<10000x128xf32, #tpu.memory_space<vmem_shared>>) offsets(%arg8 : memref<80xi32, #tpu.memory_space<vmem>>) semaphore(%arg21 : memref<!tpu.dma_semaphore, #tpu.memory_space<semaphore_mem>>) {add = true}
        %add3A_100 = arith.constant 3 : i32
        %add3A_101 = arith.addi %add3A_77, %add3A_100 : i32
        %lt3A_102 = arith.constant 125 : i32
        %lt3A_103 = arith.cmpi slt, %add3A_101, %lt3A_102 : i32
        %convert_element_type3A_104 = arith.extui %lt3A_103 : i1 to i32
        %cond3A_105 = arith.constant 0 : i32
        %cond3A_106 = arith.cmpi ne, %convert_element_type3A_104, %cond3A_105 : i32
        scf.if %cond3A_106 {
          %add3A_107 = arith.constant 3 : i32
          %add3A_108 = arith.addi %add3A_77, %add3A_107 : i32
          %dma_wait3A_109 = arith.constant 0 : i32
          %dma_wait3A_110 = arith.constant 0 : i32
          %dma_wait3A_111 = tpu.memref_slice %arg13[%dma_wait3A_109, %dma_wait3A_110] : memref<10000x128xf32, #tpu.memory_space<vmem_shared>> -> memref<10000x128xf32, #tpu.memory_space<vmem_shared>>
          tpu.wait_indirect_dma semaphore(%arg21 : memref<!tpu.dma_semaphore, #tpu.memory_space<semaphore_mem>>) src(%arg11 : memref<80x128xf32, #tpu.memory_space<vmem>>) dst(%dma_wait3A_111 : memref<10000x128xf32, #tpu.memory_space<vmem_shared>>)
          %mul3A_112 = arith.constant 80 : i32
          %mul3A_113 = arith.muli %add3A_108, %mul3A_112 : i32
          %add3A_114 = arith.addi %mul3A_2, %mul3A_113 : i32
          %dma_start3A_115 = tpu.memref_slice %arg4[%add3A_114] : memref<320000xi32, #tpu.memory_space<hbm>> -> memref<80xi32, #tpu.memory_space<hbm>>
          %dma_start3A_116 = tpu.memref_slice %arg4[%add3A_114] : memref<320000xi32, #tpu.memory_space<hbm>> -> memref<80xi32, #tpu.memory_space<hbm>>
          tpu.enqueue_dma source(%dma_start3A_116 : memref<80xi32, #tpu.memory_space<hbm>>) target(%arg8 : memref<80xi32, #tpu.memory_space<vmem>>) target_semaphore(%arg15 : memref<!tpu.dma_semaphore, #tpu.memory_space<semaphore_mem>>)
          %mul3A_117 = arith.constant 80 : i32
          %mul3A_118 = arith.muli %add3A_108, %mul3A_117 : i32
          %dma_start3A_119 = tpu.memref_slice %arg6[%mul3A_118] : memref<10000xi32, #tpu.memory_space<vmem>> -> memref<80xi32, #tpu.memory_space<vmem>>
          %dma_start3A_120 = arith.constant 0 : i32
          %dma_start3A_121 = arith.constant 0 : i32
          %dma_start3A_122 = tpu.memref_slice %arg2[%dma_start3A_120, %dma_start3A_121] : memref<10000x128xf32, #tpu.memory_space<hbm>> -> memref<10000x128xf32, #tpu.memory_space<hbm>>
          tpu.enqueue_indirect_dma source(%dma_start3A_122 : memref<10000x128xf32, #tpu.memory_space<hbm>>) target(%arg11 : memref<80x128xf32, #tpu.memory_space<vmem>>) offsets(%dma_start3A_119 : memref<80xi32, #tpu.memory_space<vmem>>) semaphore(%arg18 : memref<!tpu.dma_semaphore, #tpu.memory_space<semaphore_mem>>)
        } else {
        }
      } else {
      }
      %add3A_83 = arith.constant 2 : i32
      %add3A_84 = arith.addi %add3A_71, %add3A_83 : i32
      %lt3A_85 = arith.constant 125 : i32
      %lt3A_86 = arith.cmpi slt, %add3A_84, %lt3A_85 : i32
      %convert_element_type3A_87 = arith.extui %lt3A_86 : i1 to i32
      %cond3A_88 = arith.constant 0 : i32
      %cond3A_89 = arith.cmpi ne, %convert_element_type3A_87, %cond3A_88 : i32
      scf.if %cond3A_89 {
        %dma_wait3A_90 = tpu.memref_slice %arg4[%mul3A_2] : memref<320000xi32, #tpu.memory_space<hbm>> -> memref<80xi32, #tpu.memory_space<hbm>>
        %dma_wait3A_91 = tpu.memref_slice %arg4[%mul3A_2] : memref<320000xi32, #tpu.memory_space<hbm>> -> memref<80xi32, #tpu.memory_space<hbm>>
        tpu.wait_dma2 semaphore(%arg16 : memref<!tpu.dma_semaphore, #tpu.memory_space<semaphore_mem>>) src(%dma_wait3A_91 : memref<80xi32, #tpu.memory_space<hbm>>) dst(%arg9 : memref<80xi32, #tpu.memory_space<vmem>>)
        %dma_wait3A_92 = arith.constant 0 : i32
        %dma_wait3A_93 = tpu.memref_slice %arg6[%dma_wait3A_92] : memref<10000xi32, #tpu.memory_space<vmem>> -> memref<80xi32, #tpu.memory_space<vmem>>
        %dma_wait3A_94 = arith.constant 0 : i32
        %dma_wait3A_95 = arith.constant 0 : i32
        %dma_wait3A_96 = tpu.memref_slice %arg2[%dma_wait3A_94, %dma_wait3A_95] : memref<10000x128xf32, #tpu.memory_space<hbm>> -> memref<10000x128xf32, #tpu.memory_space<hbm>>
        tpu.wait_indirect_dma semaphore(%arg19 : memref<!tpu.dma_semaphore, #tpu.memory_space<semaphore_mem>>) src(%dma_wait3A_96 : memref<10000x128xf32, #tpu.memory_space<hbm>>) dst(%arg12 : memref<80x128xf32, #tpu.memory_space<vmem>>)
        %dma_start3A_97 = arith.constant 0 : i32
        %dma_start3A_98 = arith.constant 0 : i32
        %dma_start3A_99 = tpu.memref_slice %arg13[%dma_start3A_97, %dma_start3A_98] : memref<10000x128xf32, #tpu.memory_space<vmem_shared>> -> memref<10000x128xf32, #tpu.memory_space<vmem_shared>>
        tpu.enqueue_indirect_dma source(%arg12 : memref<80x128xf32, #tpu.memory_space<vmem>>) target(%dma_start3A_99 : memref<10000x128xf32, #tpu.memory_space<vmem_shared>>) offsets(%arg9 : memref<80xi32, #tpu.memory_space<vmem>>) semaphore(%arg22 : memref<!tpu.dma_semaphore, #tpu.memory_space<semaphore_mem>>) {add = true}
        %add3A_100 = arith.constant 3 : i32
        %add3A_101 = arith.addi %add3A_84, %add3A_100 : i32
        %lt3A_102 = arith.constant 125 : i32
        %lt3A_103 = arith.cmpi slt, %add3A_101, %lt3A_102 : i32
        %convert_element_type3A_104 = arith.extui %lt3A_103 : i1 to i32
        %cond3A_105 = arith.constant 0 : i32
        %cond3A_106 = arith.cmpi ne, %convert_element_type3A_104, %cond3A_105 : i32
        scf.if %cond3A_106 {
          %add3A_107 = arith.constant 3 : i32
          %add3A_108 = arith.addi %add3A_84, %add3A_107 : i32
          %dma_wait3A_109 = arith.constant 0 : i32
          %dma_wait3A_110 = arith.constant 0 : i32
          %dma_wait3A_111 = tpu.memref_slice %arg13[%dma_wait3A_109, %dma_wait3A_110] : memref<10000x128xf32, #tpu.memory_space<vmem_shared>> -> memref<10000x128xf32, #tpu.memory_space<vmem_shared>>
          tpu.wait_indirect_dma semaphore(%arg22 : memref<!tpu.dma_semaphore, #tpu.memory_space<semaphore_mem>>) src(%arg12 : memref<80x128xf32, #tpu.memory_space<vmem>>) dst(%dma_wait3A_111 : memref<10000x128xf32, #tpu.memory_space<vmem_shared>>)
          %mul3A_112 = arith.constant 80 : i32
          %mul3A_113 = arith.muli %add3A_108, %mul3A_112 : i32
          %add3A_114 = arith.addi %mul3A_2, %mul3A_113 : i32
          %dma_start3A_115 = tpu.memref_slice %arg4[%add3A_114] : memref<320000xi32, #tpu.memory_space<hbm>> -> memref<80xi32, #tpu.memory_space<hbm>>
          %dma_start3A_116 = tpu.memref_slice %arg4[%add3A_114] : memref<320000xi32, #tpu.memory_space<hbm>> -> memref<80xi32, #tpu.memory_space<hbm>>
          tpu.enqueue_dma source(%dma_start3A_116 : memref<80xi32, #tpu.memory_space<hbm>>) target(%arg9 : memref<80xi32, #tpu.memory_space<vmem>>) target_semaphore(%arg16 : memref<!tpu.dma_semaphore, #tpu.memory_space<semaphore_mem>>)
          %mul3A_117 = arith.constant 80 : i32
          %mul3A_118 = arith.muli %add3A_108, %mul3A_117 : i32
          %dma_start3A_119 = tpu.memref_slice %arg6[%mul3A_118] : memref<10000xi32, #tpu.memory_space<vmem>> -> memref<80xi32, #tpu.memory_space<vmem>>
          %dma_start3A_120 = arith.constant 0 : i32
          %dma_start3A_121 = arith.constant 0 : i32
          %dma_start3A_122 = tpu.memref_slice %arg2[%dma_start3A_120, %dma_start3A_121] : memref<10000x128xf32, #tpu.memory_space<hbm>> -> memref<10000x128xf32, #tpu.memory_space<hbm>>
          tpu.enqueue_indirect_dma source(%dma_start3A_122 : memref<10000x128xf32, #tpu.memory_space<hbm>>) target(%arg12 : memref<80x128xf32, #tpu.memory_space<vmem>>) offsets(%dma_start3A_119 : memref<80xi32, #tpu.memory_space<vmem>>) semaphore(%arg19 : memref<!tpu.dma_semaphore, #tpu.memory_space<semaphore_mem>>)
        } else {
        }
      } else {
      }
    }
    %scan3A_47 = arith.constant 42 : i32
    %dma_wait3A = arith.constant 0 : i32
    %dma_wait3A_48 = arith.constant 0 : i32
    %dma_wait3A_49 = tpu.memref_slice %arg13[%dma_wait3A, %dma_wait3A_48] : memref<10000x128xf32, #tpu.memory_space<vmem_shared>> -> memref<10000x128xf32, #tpu.memory_space<vmem_shared>>
    tpu.wait_indirect_dma semaphore(%arg20 : memref<!tpu.dma_semaphore, #tpu.memory_space<semaphore_mem>>) src(%arg10 : memref<80x128xf32, #tpu.memory_space<vmem>>) dst(%dma_wait3A_49 : memref<10000x128xf32, #tpu.memory_space<vmem_shared>>)
    %dma_wait3A_50 = arith.constant 0 : i32
    %dma_wait3A_51 = arith.constant 0 : i32
    %dma_wait3A_52 = tpu.memref_slice %arg13[%dma_wait3A_50, %dma_wait3A_51] : memref<10000x128xf32, #tpu.memory_space<vmem_shared>> -> memref<10000x128xf32, #tpu.memory_space<vmem_shared>>
    tpu.wait_indirect_dma semaphore(%arg21 : memref<!tpu.dma_semaphore, #tpu.memory_space<semaphore_mem>>) src(%arg11 : memref<80x128xf32, #tpu.memory_space<vmem>>) dst(%dma_wait3A_52 : memref<10000x128xf32, #tpu.memory_space<vmem_shared>>)
    %dma_wait3A_53 = arith.constant 0 : i32
    %dma_wait3A_54 = arith.constant 0 : i32
    %dma_wait3A_55 = tpu.memref_slice %arg13[%dma_wait3A_53, %dma_wait3A_54] : memref<10000x128xf32, #tpu.memory_space<vmem_shared>> -> memref<10000x128xf32, #tpu.memory_space<vmem_shared>>
    tpu.wait_indirect_dma semaphore(%arg22 : memref<!tpu.dma_semaphore, #tpu.memory_space<semaphore_mem>>) src(%arg12 : memref<80x128xf32, #tpu.memory_space<vmem>>) dst(%dma_wait3A_55 : memref<10000x128xf32, #tpu.memory_space<vmem_shared>>)
    %barrier3A_56 = arith.constant 0 : index
    tpu.barrier barrier_id(%barrier3A_56)
    %scan3A_57 = arith.constant 0 : i32
    %scan3A_58 = arith.constant 8 : i32
    %scan3A_59 = arith.addi %scan3A_57, %scan3A_58 : i32
    %scan3A_60 = arith.constant 1 : i32
    scf.for %scan3A_67 = %scan3A_57 to %scan3A_59 step %scan3A_60  : i32 {
      %mul3A_68 = arith.constant 1 : i32
      %mul3A_69 = arith.muli %scan3A_67, %mul3A_68 : i32
      %add3A_70 = arith.constant 0 : i32
      %add3A_71 = arith.addi %add3A_70, %mul3A_69 : i32
      %mul3A_72 = arith.constant 16 : i32
      %mul3A_73 = arith.muli %add3A_71, %mul3A_72 : i32
      %add3A_74 = arith.addi %mul3A_73, %arg1 : i32
      %lt3A = arith.constant 125 : i32
      %lt3A_75 = arith.cmpi slt, %add3A_74, %lt3A : i32
      %convert_element_type3A = arith.extui %lt3A_75 : i1 to i32
      %cond3A = arith.constant 0 : i32
      %cond3A_76 = arith.cmpi ne, %convert_element_type3A, %cond3A : i32
      scf.if %cond3A_76 {
        %mul3A_77 = arith.constant 80 : i32
        %mul3A_78 = arith.muli %add3A_74, %mul3A_77 : i32
        %mul3A_79 = arith.constant 10000 : i32
        %mul3A_80 = arith.muli %arg0, %mul3A_79 : i32
        %mul3A_81 = arith.constant 80 : i32
        %mul3A_82 = arith.muli %add3A_74, %mul3A_81 : i32
        %add3A_83 = arith.addi %mul3A_80, %mul3A_82 : i32
        %dma_start3A_84 = arith.constant 0 : i32
        %dma_start3A_85 = tpu.memref_slice %arg5[%add3A_83, %dma_start3A_84] : memref<20000x128xf32, #tpu.memory_space<hbm>> -> memref<80x128xf32, #tpu.memory_space<hbm>>
        %dma_start3A_86 = arith.constant 0 : i32
        %dma_start3A_87 = tpu.memref_slice %arg13[%mul3A_78, %dma_start3A_86] : memref<10000x128xf32, #tpu.memory_space<vmem_shared>> -> memref<80x128xf32, #tpu.memory_space<vmem_shared>>
        tpu.enqueue_dma source(%dma_start3A_87 : memref<80x128xf32, #tpu.memory_space<vmem_shared>>) target(%dma_start3A_85 : memref<80x128xf32, #tpu.memory_space<hbm>>) target_semaphore(%arg17 : memref<!tpu.dma_semaphore, #tpu.memory_space<semaphore_mem>>)
      } else {
      }
    }
    %scan3A_61 = arith.constant 8 : i32
    %scan3A_62 = arith.constant 0 : i32
    %scan3A_63 = arith.constant 8 : i32
    %scan3A_64 = arith.addi %scan3A_62, %scan3A_63 : i32
    %scan3A_65 = arith.constant 1 : i32
    scf.for %scan3A_67 = %scan3A_62 to %scan3A_64 step %scan3A_65  : i32 {
      %mul3A_68 = arith.constant 1 : i32
      %mul3A_69 = arith.muli %scan3A_67, %mul3A_68 : i32
      %add3A_70 = arith.constant 0 : i32
      %add3A_71 = arith.addi %add3A_70, %mul3A_69 : i32
      %mul3A_72 = arith.constant 16 : i32
      %mul3A_73 = arith.muli %add3A_71, %mul3A_72 : i32
      %add3A_74 = arith.addi %mul3A_73, %arg1 : i32
      %lt3A = arith.constant 125 : i32
      %lt3A_75 = arith.cmpi slt, %add3A_74, %lt3A : i32
      %convert_element_type3A = arith.extui %lt3A_75 : i1 to i32
      %cond3A = arith.constant 0 : i32
      %cond3A_76 = arith.cmpi ne, %convert_element_type3A, %cond3A : i32
      scf.if %cond3A_76 {
        %mul3A_77 = arith.constant 80 : i32
        %mul3A_78 = arith.muli %add3A_74, %mul3A_77 : i32
        %mul3A_79 = arith.constant 10000 : i32
        %mul3A_80 = arith.muli %arg0, %mul3A_79 : i32
        %mul3A_81 = arith.constant 80 : i32
        %mul3A_82 = arith.muli %add3A_74, %mul3A_81 : i32
        %add3A_83 = arith.addi %mul3A_80, %mul3A_82 : i32
        %dma_wait3A_84 = arith.constant 0 : i32
        %dma_wait3A_85 = tpu.memref_slice %arg5[%add3A_83, %dma_wait3A_84] : memref<20000x128xf32, #tpu.memory_space<hbm>> -> memref<80x128xf32, #tpu.memory_space<hbm>>
        %dma_wait3A_86 = arith.constant 0 : i32
        %dma_wait3A_87 = tpu.memref_slice %arg13[%mul3A_78, %dma_wait3A_86] : memref<10000x128xf32, #tpu.memory_space<vmem_shared>> -> memref<80x128xf32, #tpu.memory_space<vmem_shared>>
        tpu.wait_dma2 semaphore(%arg17 : memref<!tpu.dma_semaphore, #tpu.memory_space<semaphore_mem>>) src(%dma_wait3A_87 : memref<80x128xf32, #tpu.memory_space<vmem_shared>>) dst(%dma_wait3A_85 : memref<80x128xf32, #tpu.memory_space<hbm>>)
      } else {
      }
    }
    %scan3A_66 = arith.constant 8 : i32
    return
  }
}

#map = affine_map<(d0, d1) -> (0)>
module attributes {stable_mosaic.version = 14 : i64} {
  func.func @deg_kernel(%arg0: i32, %arg1: i32, %arg2: memref<320000xi32, #tpu.memory_space<hbm>>, %arg3: memref<20000xf32, #tpu.memory_space<hbm>>, %arg4: memref<80xi32, #tpu.memory_space<vmem>>, %arg5: memref<80xi32, #tpu.memory_space<vmem>>, %arg6: memref<80xi32, #tpu.memory_space<vmem>>, %arg7: memref<80xi32, #tpu.memory_space<vmem>>, %arg8: memref<80xi32, #tpu.memory_space<vmem>>, %arg9: memref<80xi32, #tpu.memory_space<vmem>>, %arg10: memref<80xi32, #tpu.memory_space<vmem>>, %arg11: memref<80xi32, #tpu.memory_space<vmem>>, %arg12: memref<80xf32, #tpu.memory_space<vmem>>, %arg13: memref<80xf32, #tpu.memory_space<vmem>>, %arg14: memref<10000xf32, #tpu.memory_space<vmem_shared>>, %arg15: memref<!tpu.dma_semaphore, #tpu.memory_space<semaphore_mem>>, %arg16: memref<!tpu.dma_semaphore, #tpu.memory_space<semaphore_mem>>, %arg17: memref<!tpu.dma_semaphore, #tpu.memory_space<semaphore_mem>>, %arg18: memref<!tpu.dma_semaphore, #tpu.memory_space<semaphore_mem>>, %arg19: memref<!tpu.dma_semaphore, #tpu.memory_space<semaphore_mem>>, %arg20: memref<!tpu.dma_semaphore, #tpu.memory_space<semaphore_mem>>, %arg21: memref<!tpu.dma_semaphore, #tpu.memory_space<semaphore_mem>>, %arg22: memref<!tpu.dma_semaphore, #tpu.memory_space<semaphore_mem>>, %arg23: memref<!tpu.dma_semaphore, #tpu.memory_space<semaphore_mem>>, %arg24: memref<!tpu.dma_semaphore, #tpu.memory_space<semaphore_mem>>, %arg25: memref<!tpu.dma_semaphore, #tpu.memory_space<semaphore_mem>>, %arg26: memref<!tpu.dma_semaphore, #tpu.memory_space<semaphore_mem>>, %arg27: memref<!tpu.dma_semaphore, #tpu.memory_space<semaphore_mem>>, %arg28: memref<!tpu.dma_semaphore, #tpu.memory_space<semaphore_mem>>, %arg29: memref<!tpu.dma_semaphore, #tpu.memory_space<semaphore_mem>>, %arg30: memref<!tpu.dma_semaphore, #tpu.memory_space<semaphore_mem>>) attributes {dimension_semantics = [#tpu.dimension_semantics<core_parallel>, #tpu.dimension_semantics<subcore_parallel>], iteration_bounds = array<i64: 2, 16>, scalar_prefetch = 0 : i64, scratch_operands = 27 : i64, tpu.core_type = #tpu.core_type<sc_vector_subcore>, window_params = [{transform_indices = #map}, {transform_indices = #map}]} {
    %mul3A = arith.constant 16 : i32
    %mul3A_0 = arith.muli %arg0, %mul3A : i32
    %add3A = arith.addi %mul3A_0, %arg1 : i32
    %mul3A_1 = arith.constant 10000 : i32
    %mul3A_2 = arith.muli %add3A, %mul3A_1 : i32
    %broadcast_in_dim3A = arith.constant 1.000000e+00 : f32
    %broadcast_in_dim3A_3 = vector.broadcast %broadcast_in_dim3A : f32 to vector<16xf32>
    %swap3A = arith.constant 0 : index
    %swap3A_4 = tpu.vector_load %arg12[%swap3A] {strides = array<i32>} : memref<80xf32, #tpu.memory_space<vmem>>, vector<16xf32>,
    %swap3A_5 = vector.shape_cast %swap3A_4 : vector<16xf32> to vector<16xf32>
    %swap3A_6 = vector.shape_cast %broadcast_in_dim3A_3 : vector<16xf32> to vector<16xf32>
    tpu.vector_store %arg12[%swap3A], %swap3A_6 {strides = array<i32>} : memref<80xf32, #tpu.memory_space<vmem>>, vector<16xf32>,
    %broadcast_in_dim3A_7 = arith.constant 0.000000e+00 : f32
    %broadcast_in_dim3A_8 = vector.broadcast %broadcast_in_dim3A_7 : f32 to vector<16xf32>
    %swap3A_9 = arith.constant 0 : index
    %swap3A_10 = tpu.vector_load %arg13[%swap3A_9] {strides = array<i32>} : memref<80xf32, #tpu.memory_space<vmem>>, vector<16xf32>,
    %swap3A_11 = vector.shape_cast %swap3A_10 : vector<16xf32> to vector<16xf32>
    %swap3A_12 = vector.shape_cast %broadcast_in_dim3A_8 : vector<16xf32> to vector<16xf32>
    tpu.vector_store %arg13[%swap3A_9], %swap3A_12 {strides = array<i32>} : memref<80xf32, #tpu.memory_space<vmem>>, vector<16xf32>,
    %broadcast_in_dim3A_13 = arith.constant 1.000000e+00 : f32
    %broadcast_in_dim3A_14 = vector.broadcast %broadcast_in_dim3A_13 : f32 to vector<16xf32>
    %swap3A_15 = arith.constant 16 : index
    %swap3A_16 = tpu.vector_load %arg12[%swap3A_15] {strides = array<i32>} : memref<80xf32, #tpu.memory_space<vmem>>, vector<16xf32>,
    %swap3A_17 = vector.shape_cast %swap3A_16 : vector<16xf32> to vector<16xf32>
    %swap3A_18 = vector.shape_cast %broadcast_in_dim3A_14 : vector<16xf32> to vector<16xf32>
    tpu.vector_store %arg12[%swap3A_15], %swap3A_18 {strides = array<i32>} : memref<80xf32, #tpu.memory_space<vmem>>, vector<16xf32>,
    %broadcast_in_dim3A_19 = arith.constant 0.000000e+00 : f32
    %broadcast_in_dim3A_20 = vector.broadcast %broadcast_in_dim3A_19 : f32 to vector<16xf32>
    %swap3A_21 = arith.constant 16 : index
    %swap3A_22 = tpu.vector_load %arg13[%swap3A_21] {strides = array<i32>} : memref<80xf32, #tpu.memory_space<vmem>>, vector<16xf32>,
    %swap3A_23 = vector.shape_cast %swap3A_22 : vector<16xf32> to vector<16xf32>
    %swap3A_24 = vector.shape_cast %broadcast_in_dim3A_20 : vector<16xf32> to vector<16xf32>
    tpu.vector_store %arg13[%swap3A_21], %swap3A_24 {strides = array<i32>} : memref<80xf32, #tpu.memory_space<vmem>>, vector<16xf32>,
    %broadcast_in_dim3A_25 = arith.constant 1.000000e+00 : f32
    %broadcast_in_dim3A_26 = vector.broadcast %broadcast_in_dim3A_25 : f32 to vector<16xf32>
    %swap3A_27 = arith.constant 32 : index
    %swap3A_28 = tpu.vector_load %arg12[%swap3A_27] {strides = array<i32>} : memref<80xf32, #tpu.memory_space<vmem>>, vector<16xf32>,
    %swap3A_29 = vector.shape_cast %swap3A_28 : vector<16xf32> to vector<16xf32>
    %swap3A_30 = vector.shape_cast %broadcast_in_dim3A_26 : vector<16xf32> to vector<16xf32>
    tpu.vector_store %arg12[%swap3A_27], %swap3A_30 {strides = array<i32>} : memref<80xf32, #tpu.memory_space<vmem>>, vector<16xf32>,
    %broadcast_in_dim3A_31 = arith.constant 0.000000e+00 : f32
    %broadcast_in_dim3A_32 = vector.broadcast %broadcast_in_dim3A_31 : f32 to vector<16xf32>
    %swap3A_33 = arith.constant 32 : index
    %swap3A_34 = tpu.vector_load %arg13[%swap3A_33] {strides = array<i32>} : memref<80xf32, #tpu.memory_space<vmem>>, vector<16xf32>,
    %swap3A_35 = vector.shape_cast %swap3A_34 : vector<16xf32> to vector<16xf32>
    %swap3A_36 = vector.shape_cast %broadcast_in_dim3A_32 : vector<16xf32> to vector<16xf32>
    tpu.vector_store %arg13[%swap3A_33], %swap3A_36 {strides = array<i32>} : memref<80xf32, #tpu.memory_space<vmem>>, vector<16xf32>,
    %broadcast_in_dim3A_37 = arith.constant 1.000000e+00 : f32
    %broadcast_in_dim3A_38 = vector.broadcast %broadcast_in_dim3A_37 : f32 to vector<16xf32>
    %swap3A_39 = arith.constant 48 : index
    %swap3A_40 = tpu.vector_load %arg12[%swap3A_39] {strides = array<i32>} : memref<80xf32, #tpu.memory_space<vmem>>, vector<16xf32>,
    %swap3A_41 = vector.shape_cast %swap3A_40 : vector<16xf32> to vector<16xf32>
    %swap3A_42 = vector.shape_cast %broadcast_in_dim3A_38 : vector<16xf32> to vector<16xf32>
    tpu.vector_store %arg12[%swap3A_39], %swap3A_42 {strides = array<i32>} : memref<80xf32, #tpu.memory_space<vmem>>, vector<16xf32>,
    %broadcast_in_dim3A_43 = arith.constant 0.000000e+00 : f32
    %broadcast_in_dim3A_44 = vector.broadcast %broadcast_in_dim3A_43 : f32 to vector<16xf32>
    %swap3A_45 = arith.constant 48 : index
    %swap3A_46 = tpu.vector_load %arg13[%swap3A_45] {strides = array<i32>} : memref<80xf32, #tpu.memory_space<vmem>>, vector<16xf32>,
    %swap3A_47 = vector.shape_cast %swap3A_46 : vector<16xf32> to vector<16xf32>
    %swap3A_48 = vector.shape_cast %broadcast_in_dim3A_44 : vector<16xf32> to vector<16xf32>
    tpu.vector_store %arg13[%swap3A_45], %swap3A_48 {strides = array<i32>} : memref<80xf32, #tpu.memory_space<vmem>>, vector<16xf32>,
    %broadcast_in_dim3A_49 = arith.constant 1.000000e+00 : f32
    %broadcast_in_dim3A_50 = vector.broadcast %broadcast_in_dim3A_49 : f32 to vector<16xf32>
    %swap3A_51 = arith.constant 64 : index
    %swap3A_52 = tpu.vector_load %arg12[%swap3A_51] {strides = array<i32>} : memref<80xf32, #tpu.memory_space<vmem>>, vector<16xf32>,
    %swap3A_53 = vector.shape_cast %swap3A_52 : vector<16xf32> to vector<16xf32>
    %swap3A_54 = vector.shape_cast %broadcast_in_dim3A_50 : vector<16xf32> to vector<16xf32>
    tpu.vector_store %arg12[%swap3A_51], %swap3A_54 {strides = array<i32>} : memref<80xf32, #tpu.memory_space<vmem>>, vector<16xf32>,
    %broadcast_in_dim3A_55 = arith.constant 0.000000e+00 : f32
    %broadcast_in_dim3A_56 = vector.broadcast %broadcast_in_dim3A_55 : f32 to vector<16xf32>
    %swap3A_57 = arith.constant 64 : index
    %swap3A_58 = tpu.vector_load %arg13[%swap3A_57] {strides = array<i32>} : memref<80xf32, #tpu.memory_space<vmem>>, vector<16xf32>,
    %swap3A_59 = vector.shape_cast %swap3A_58 : vector<16xf32> to vector<16xf32>
    %swap3A_60 = vector.shape_cast %broadcast_in_dim3A_56 : vector<16xf32> to vector<16xf32>
    tpu.vector_store %arg13[%swap3A_57], %swap3A_60 {strides = array<i32>} : memref<80xf32, #tpu.memory_space<vmem>>, vector<16xf32>,
    %add3A_61 = arith.constant 0 : i32
    %add3A_62 = arith.addi %mul3A_2, %add3A_61 : i32
    %dma_start3A = tpu.memref_slice %arg2[%add3A_62] : memref<320000xi32, #tpu.memory_space<hbm>> -> memref<80xi32, #tpu.memory_space<hbm>>
    %dma_start3A_63 = tpu.memref_slice %arg2[%add3A_62] : memref<320000xi32, #tpu.memory_space<hbm>> -> memref<80xi32, #tpu.memory_space<hbm>>
    tpu.enqueue_dma source(%dma_start3A_63 : memref<80xi32, #tpu.memory_space<hbm>>) target(%arg4 : memref<80xi32, #tpu.memory_space<vmem>>) target_semaphore(%arg15 : memref<!tpu.dma_semaphore, #tpu.memory_space<semaphore_mem>>)
    %add3A_64 = arith.constant 80 : i32
    %add3A_65 = arith.addi %mul3A_2, %add3A_64 : i32
    %dma_start3A_66 = tpu.memref_slice %arg2[%add3A_65] : memref<320000xi32, #tpu.memory_space<hbm>> -> memref<80xi32, #tpu.memory_space<hbm>>
    %dma_start3A_67 = tpu.memref_slice %arg2[%add3A_65] : memref<320000xi32, #tpu.memory_space<hbm>> -> memref<80xi32, #tpu.memory_space<hbm>>
    tpu.enqueue_dma source(%dma_start3A_67 : memref<80xi32, #tpu.memory_space<hbm>>) target(%arg5 : memref<80xi32, #tpu.memory_space<vmem>>) target_semaphore(%arg16 : memref<!tpu.dma_semaphore, #tpu.memory_space<semaphore_mem>>)
    %add3A_68 = arith.constant 160 : i32
    %add3A_69 = arith.addi %mul3A_2, %add3A_68 : i32
    %dma_start3A_70 = tpu.memref_slice %arg2[%add3A_69] : memref<320000xi32, #tpu.memory_space<hbm>> -> memref<80xi32, #tpu.memory_space<hbm>>
    %dma_start3A_71 = tpu.memref_slice %arg2[%add3A_69] : memref<320000xi32, #tpu.memory_space<hbm>> -> memref<80xi32, #tpu.memory_space<hbm>>
    tpu.enqueue_dma source(%dma_start3A_71 : memref<80xi32, #tpu.memory_space<hbm>>) target(%arg6 : memref<80xi32, #tpu.memory_space<vmem>>) target_semaphore(%arg17 : memref<!tpu.dma_semaphore, #tpu.memory_space<semaphore_mem>>)
    %add3A_72 = arith.constant 240 : i32
    %add3A_73 = arith.addi %mul3A_2, %add3A_72 : i32
    %dma_start3A_74 = tpu.memref_slice %arg2[%add3A_73] : memref<320000xi32, #tpu.memory_space<hbm>> -> memref<80xi32, #tpu.memory_space<hbm>>
    %dma_start3A_75 = tpu.memref_slice %arg2[%add3A_73] : memref<320000xi32, #tpu.memory_space<hbm>> -> memref<80xi32, #tpu.memory_space<hbm>>
    tpu.enqueue_dma source(%dma_start3A_75 : memref<80xi32, #tpu.memory_space<hbm>>) target(%arg7 : memref<80xi32, #tpu.memory_space<vmem>>) target_semaphore(%arg18 : memref<!tpu.dma_semaphore, #tpu.memory_space<semaphore_mem>>)
    %add3A_76 = arith.constant 320 : i32
    %add3A_77 = arith.addi %mul3A_2, %add3A_76 : i32
    %dma_start3A_78 = tpu.memref_slice %arg2[%add3A_77] : memref<320000xi32, #tpu.memory_space<hbm>> -> memref<80xi32, #tpu.memory_space<hbm>>
    %dma_start3A_79 = tpu.memref_slice %arg2[%add3A_77] : memref<320000xi32, #tpu.memory_space<hbm>> -> memref<80xi32, #tpu.memory_space<hbm>>
    tpu.enqueue_dma source(%dma_start3A_79 : memref<80xi32, #tpu.memory_space<hbm>>) target(%arg8 : memref<80xi32, #tpu.memory_space<vmem>>) target_semaphore(%arg19 : memref<!tpu.dma_semaphore, #tpu.memory_space<semaphore_mem>>)
    %add3A_80 = arith.constant 400 : i32
    %add3A_81 = arith.addi %mul3A_2, %add3A_80 : i32
    %dma_start3A_82 = tpu.memref_slice %arg2[%add3A_81] : memref<320000xi32, #tpu.memory_space<hbm>> -> memref<80xi32, #tpu.memory_space<hbm>>
    %dma_start3A_83 = tpu.memref_slice %arg2[%add3A_81] : memref<320000xi32, #tpu.memory_space<hbm>> -> memref<80xi32, #tpu.memory_space<hbm>>
    tpu.enqueue_dma source(%dma_start3A_83 : memref<80xi32, #tpu.memory_space<hbm>>) target(%arg9 : memref<80xi32, #tpu.memory_space<vmem>>) target_semaphore(%arg20 : memref<!tpu.dma_semaphore, #tpu.memory_space<semaphore_mem>>)
    %add3A_84 = arith.constant 480 : i32
    %add3A_85 = arith.addi %mul3A_2, %add3A_84 : i32
    %dma_start3A_86 = tpu.memref_slice %arg2[%add3A_85] : memref<320000xi32, #tpu.memory_space<hbm>> -> memref<80xi32, #tpu.memory_space<hbm>>
    %dma_start3A_87 = tpu.memref_slice %arg2[%add3A_85] : memref<320000xi32, #tpu.memory_space<hbm>> -> memref<80xi32, #tpu.memory_space<hbm>>
    tpu.enqueue_dma source(%dma_start3A_87 : memref<80xi32, #tpu.memory_space<hbm>>) target(%arg10 : memref<80xi32, #tpu.memory_space<vmem>>) target_semaphore(%arg21 : memref<!tpu.dma_semaphore, #tpu.memory_space<semaphore_mem>>)
    %add3A_88 = arith.constant 560 : i32
    %add3A_89 = arith.addi %mul3A_2, %add3A_88 : i32
    %dma_start3A_90 = tpu.memref_slice %arg2[%add3A_89] : memref<320000xi32, #tpu.memory_space<hbm>> -> memref<80xi32, #tpu.memory_space<hbm>>
    %dma_start3A_91 = tpu.memref_slice %arg2[%add3A_89] : memref<320000xi32, #tpu.memory_space<hbm>> -> memref<80xi32, #tpu.memory_space<hbm>>
    tpu.enqueue_dma source(%dma_start3A_91 : memref<80xi32, #tpu.memory_space<hbm>>) target(%arg11 : memref<80xi32, #tpu.memory_space<vmem>>) target_semaphore(%arg22 : memref<!tpu.dma_semaphore, #tpu.memory_space<semaphore_mem>>)
    %scan3A = arith.constant 0 : i32
    %scan3A_92 = arith.constant 8 : i32
    %scan3A_93 = arith.addi %scan3A, %scan3A_92 : i32
    %scan3A_94 = arith.constant 1 : i32
    scf.for %scan3A_127 = %scan3A to %scan3A_93 step %scan3A_94  : i32 {
      %mul3A_128 = arith.constant 1 : i32
      %mul3A_129 = arith.muli %scan3A_127, %mul3A_128 : i32
      %add3A_130 = arith.constant 0 : i32
      %add3A_131 = arith.addi %add3A_130, %mul3A_129 : i32
      %mul3A_132 = arith.constant 16 : i32
      %mul3A_133 = arith.muli %add3A_131, %mul3A_132 : i32
      %add3A_134 = arith.addi %mul3A_133, %arg1 : i32
      %lt3A = arith.constant 125 : i32
      %lt3A_135 = arith.cmpi slt, %add3A_134, %lt3A : i32
      %convert_element_type3A = arith.extui %lt3A_135 : i1 to i32
      %cond3A = arith.constant 0 : i32
      %cond3A_136 = arith.cmpi ne, %convert_element_type3A, %cond3A : i32
      scf.if %cond3A_136 {
        %mul3A_137 = arith.constant 80 : i32
        %mul3A_138 = arith.muli %add3A_134, %mul3A_137 : i32
        %dma_start3A_139 = tpu.memref_slice %arg14[%mul3A_138] : memref<10000xf32, #tpu.memory_space<vmem_shared>> -> memref<80xf32, #tpu.memory_space<vmem_shared>>
        %dma_start3A_140 = tpu.memref_slice %arg14[%mul3A_138] : memref<10000xf32, #tpu.memory_space<vmem_shared>> -> memref<80xf32, #tpu.memory_space<vmem_shared>>
        tpu.enqueue_dma source(%arg13 : memref<80xf32, #tpu.memory_space<vmem>>) target(%dma_start3A_140 : memref<80xf32, #tpu.memory_space<vmem_shared>>) target_semaphore(%arg23 : memref<!tpu.dma_semaphore, #tpu.memory_space<semaphore_mem>>)
      } else {
      }
    }
    %scan3A_95 = arith.constant 8 : i32
    %scan3A_96 = arith.constant 0 : i32
    %scan3A_97 = arith.constant 8 : i32
    %scan3A_98 = arith.addi %scan3A_96, %scan3A_97 : i32
    %scan3A_99 = arith.constant 1 : i32
    scf.for %scan3A_127 = %scan3A_96 to %scan3A_98 step %scan3A_99  : i32 {
      %mul3A_128 = arith.constant 1 : i32
      %mul3A_129 = arith.muli %scan3A_127, %mul3A_128 : i32
      %add3A_130 = arith.constant 0 : i32
      %add3A_131 = arith.addi %add3A_130, %mul3A_129 : i32
      %mul3A_132 = arith.constant 16 : i32
      %mul3A_133 = arith.muli %add3A_131, %mul3A_132 : i32
      %add3A_134 = arith.addi %mul3A_133, %arg1 : i32
      %lt3A = arith.constant 125 : i32
      %lt3A_135 = arith.cmpi slt, %add3A_134, %lt3A : i32
      %convert_element_type3A = arith.extui %lt3A_135 : i1 to i32
      %cond3A = arith.constant 0 : i32
      %cond3A_136 = arith.cmpi ne, %convert_element_type3A, %cond3A : i32
      scf.if %cond3A_136 {
        %mul3A_137 = arith.constant 80 : i32
        %mul3A_138 = arith.muli %add3A_134, %mul3A_137 : i32
        %dma_wait3A_139 = tpu.memref_slice %arg14[%mul3A_138] : memref<10000xf32, #tpu.memory_space<vmem_shared>> -> memref<80xf32, #tpu.memory_space<vmem_shared>>
        %dma_wait3A_140 = tpu.memref_slice %arg14[%mul3A_138] : memref<10000xf32, #tpu.memory_space<vmem_shared>> -> memref<80xf32, #tpu.memory_space<vmem_shared>>
        tpu.wait_dma2 semaphore(%arg23 : memref<!tpu.dma_semaphore, #tpu.memory_space<semaphore_mem>>) src(%arg13 : memref<80xf32, #tpu.memory_space<vmem>>) dst(%dma_wait3A_140 : memref<80xf32, #tpu.memory_space<vmem_shared>>)
      } else {
      }
    }
    %scan3A_100 = arith.constant 8 : i32
    %barrier3A = arith.constant 0 : index
    tpu.barrier barrier_id(%barrier3A)
    %scan3A_101 = arith.constant 0 : i32
    %scan3A_102 = arith.constant 16 : i32
    %scan3A_103 = arith.addi %scan3A_101, %scan3A_102 : i32
    %scan3A_104 = arith.constant 1 : i32
    scf.for %scan3A_127 = %scan3A_101 to %scan3A_103 step %scan3A_104  : i32 {
      %mul3A_128 = arith.constant 8 : i32
      %mul3A_129 = arith.muli %scan3A_127, %mul3A_128 : i32
      %add3A_130 = arith.constant 0 : i32
      %add3A_131 = arith.addi %add3A_130, %mul3A_129 : i32
      %add3A_132 = arith.constant 0 : i32
      %add3A_133 = arith.addi %add3A_131, %add3A_132 : i32
      %lt3A = arith.constant 125 : i32
      %lt3A_134 = arith.cmpi slt, %add3A_133, %lt3A : i32
      %convert_element_type3A = arith.extui %lt3A_134 : i1 to i32
      %cond3A = arith.constant 0 : i32
      %cond3A_135 = arith.cmpi ne, %convert_element_type3A, %cond3A : i32
      scf.if %cond3A_135 {
        %dma_wait3A_185 = tpu.memref_slice %arg2[%mul3A_2] : memref<320000xi32, #tpu.memory_space<hbm>> -> memref<80xi32, #tpu.memory_space<hbm>>
        %dma_wait3A_186 = tpu.memref_slice %arg2[%mul3A_2] : memref<320000xi32, #tpu.memory_space<hbm>> -> memref<80xi32, #tpu.memory_space<hbm>>
        tpu.wait_dma2 semaphore(%arg15 : memref<!tpu.dma_semaphore, #tpu.memory_space<semaphore_mem>>) src(%dma_wait3A_186 : memref<80xi32, #tpu.memory_space<hbm>>) dst(%arg4 : memref<80xi32, #tpu.memory_space<vmem>>)
        %dma_start3A_187 = arith.constant 0 : i32
        %dma_start3A_188 = tpu.memref_slice %arg14[%dma_start3A_187] : memref<10000xf32, #tpu.memory_space<vmem_shared>> -> memref<10000xf32, #tpu.memory_space<vmem_shared>>
        tpu.enqueue_indirect_dma source(%arg12 : memref<80xf32, #tpu.memory_space<vmem>>) target(%dma_start3A_188 : memref<10000xf32, #tpu.memory_space<vmem_shared>>) offsets(%arg4 : memref<80xi32, #tpu.memory_space<vmem>>) semaphore(%arg23 : memref<!tpu.dma_semaphore, #tpu.memory_space<semaphore_mem>>) {add = true}
        %add3A_189 = arith.constant 8 : i32
        %add3A_190 = arith.addi %add3A_133, %add3A_189 : i32
        %lt3A_191 = arith.constant 125 : i32
        %lt3A_192 = arith.cmpi slt, %add3A_190, %lt3A_191 : i32
        %convert_element_type3A_193 = arith.extui %lt3A_192 : i1 to i32
        %cond3A_194 = arith.constant 0 : i32
        %cond3A_195 = arith.cmpi ne, %convert_element_type3A_193, %cond3A_194 : i32
        scf.if %cond3A_195 {
          %dma_wait3A_196 = arith.constant 0 : i32
          %dma_wait3A_197 = tpu.memref_slice %arg14[%dma_wait3A_196] : memref<10000xf32, #tpu.memory_space<vmem_shared>> -> memref<10000xf32, #tpu.memory_space<vmem_shared>>
          tpu.wait_indirect_dma semaphore(%arg23 : memref<!tpu.dma_semaphore, #tpu.memory_space<semaphore_mem>>) src(%arg12 : memref<80xf32, #tpu.memory_space<vmem>>) dst(%dma_wait3A_197 : memref<10000xf32, #tpu.memory_space<vmem_shared>>)
          %add3A_198 = arith.constant 8 : i32
          %add3A_199 = arith.addi %add3A_133, %add3A_198 : i32
          %mul3A_200 = arith.constant 80 : i32
          %mul3A_201 = arith.muli %add3A_199, %mul3A_200 : i32
          %add3A_202 = arith.addi %mul3A_2, %mul3A_201 : i32
          %dma_start3A_203 = tpu.memref_slice %arg2[%add3A_202] : memref<320000xi32, #tpu.memory_space<hbm>> -> memref<80xi32, #tpu.memory_space<hbm>>
          %dma_start3A_204 = tpu.memref_slice %arg2[%add3A_202] : memref<320000xi32, #tpu.memory_space<hbm>> -> memref<80xi32, #tpu.memory_space<hbm>>
          tpu.enqueue_dma source(%dma_start3A_204 : memref<80xi32, #tpu.memory_space<hbm>>) target(%arg4 : memref<80xi32, #tpu.memory_space<vmem>>) target_semaphore(%arg15 : memref<!tpu.dma_semaphore, #tpu.memory_space<semaphore_mem>>)
        } else {
        }
      } else {
      }
      %add3A_136 = arith.constant 1 : i32
      %add3A_137 = arith.addi %add3A_131, %add3A_136 : i32
      %lt3A_138 = arith.constant 125 : i32
      %lt3A_139 = arith.cmpi slt, %add3A_137, %lt3A_138 : i32
      %convert_element_type3A_140 = arith.extui %lt3A_139 : i1 to i32
      %cond3A_141 = arith.constant 0 : i32
      %cond3A_142 = arith.cmpi ne, %convert_element_type3A_140, %cond3A_141 : i32
      scf.if %cond3A_142 {
        %dma_wait3A_185 = tpu.memref_slice %arg2[%mul3A_2] : memref<320000xi32, #tpu.memory_space<hbm>> -> memref<80xi32, #tpu.memory_space<hbm>>
        %dma_wait3A_186 = tpu.memref_slice %arg2[%mul3A_2] : memref<320000xi32, #tpu.memory_space<hbm>> -> memref<80xi32, #tpu.memory_space<hbm>>
        tpu.wait_dma2 semaphore(%arg16 : memref<!tpu.dma_semaphore, #tpu.memory_space<semaphore_mem>>) src(%dma_wait3A_186 : memref<80xi32, #tpu.memory_space<hbm>>) dst(%arg5 : memref<80xi32, #tpu.memory_space<vmem>>)
        %dma_start3A_187 = arith.constant 0 : i32
        %dma_start3A_188 = tpu.memref_slice %arg14[%dma_start3A_187] : memref<10000xf32, #tpu.memory_space<vmem_shared>> -> memref<10000xf32, #tpu.memory_space<vmem_shared>>
        tpu.enqueue_indirect_dma source(%arg12 : memref<80xf32, #tpu.memory_space<vmem>>) target(%dma_start3A_188 : memref<10000xf32, #tpu.memory_space<vmem_shared>>) offsets(%arg5 : memref<80xi32, #tpu.memory_space<vmem>>) semaphore(%arg24 : memref<!tpu.dma_semaphore, #tpu.memory_space<semaphore_mem>>) {add = true}
        %add3A_189 = arith.constant 8 : i32
        %add3A_190 = arith.addi %add3A_137, %add3A_189 : i32
        %lt3A_191 = arith.constant 125 : i32
        %lt3A_192 = arith.cmpi slt, %add3A_190, %lt3A_191 : i32
        %convert_element_type3A_193 = arith.extui %lt3A_192 : i1 to i32
        %cond3A_194 = arith.constant 0 : i32
        %cond3A_195 = arith.cmpi ne, %convert_element_type3A_193, %cond3A_194 : i32
        scf.if %cond3A_195 {
          %dma_wait3A_196 = arith.constant 0 : i32
          %dma_wait3A_197 = tpu.memref_slice %arg14[%dma_wait3A_196] : memref<10000xf32, #tpu.memory_space<vmem_shared>> -> memref<10000xf32, #tpu.memory_space<vmem_shared>>
          tpu.wait_indirect_dma semaphore(%arg24 : memref<!tpu.dma_semaphore, #tpu.memory_space<semaphore_mem>>) src(%arg12 : memref<80xf32, #tpu.memory_space<vmem>>) dst(%dma_wait3A_197 : memref<10000xf32, #tpu.memory_space<vmem_shared>>)
          %add3A_198 = arith.constant 8 : i32
          %add3A_199 = arith.addi %add3A_137, %add3A_198 : i32
          %mul3A_200 = arith.constant 80 : i32
          %mul3A_201 = arith.muli %add3A_199, %mul3A_200 : i32
          %add3A_202 = arith.addi %mul3A_2, %mul3A_201 : i32
          %dma_start3A_203 = tpu.memref_slice %arg2[%add3A_202] : memref<320000xi32, #tpu.memory_space<hbm>> -> memref<80xi32, #tpu.memory_space<hbm>>
          %dma_start3A_204 = tpu.memref_slice %arg2[%add3A_202] : memref<320000xi32, #tpu.memory_space<hbm>> -> memref<80xi32, #tpu.memory_space<hbm>>
          tpu.enqueue_dma source(%dma_start3A_204 : memref<80xi32, #tpu.memory_space<hbm>>) target(%arg5 : memref<80xi32, #tpu.memory_space<vmem>>) target_semaphore(%arg16 : memref<!tpu.dma_semaphore, #tpu.memory_space<semaphore_mem>>)
        } else {
        }
      } else {
      }
      %add3A_143 = arith.constant 2 : i32
      %add3A_144 = arith.addi %add3A_131, %add3A_143 : i32
      %lt3A_145 = arith.constant 125 : i32
      %lt3A_146 = arith.cmpi slt, %add3A_144, %lt3A_145 : i32
      %convert_element_type3A_147 = arith.extui %lt3A_146 : i1 to i32
      %cond3A_148 = arith.constant 0 : i32
      %cond3A_149 = arith.cmpi ne, %convert_element_type3A_147, %cond3A_148 : i32
      scf.if %cond3A_149 {
        %dma_wait3A_185 = tpu.memref_slice %arg2[%mul3A_2] : memref<320000xi32, #tpu.memory_space<hbm>> -> memref<80xi32, #tpu.memory_space<hbm>>
        %dma_wait3A_186 = tpu.memref_slice %arg2[%mul3A_2] : memref<320000xi32, #tpu.memory_space<hbm>> -> memref<80xi32, #tpu.memory_space<hbm>>
        tpu.wait_dma2 semaphore(%arg17 : memref<!tpu.dma_semaphore, #tpu.memory_space<semaphore_mem>>) src(%dma_wait3A_186 : memref<80xi32, #tpu.memory_space<hbm>>) dst(%arg6 : memref<80xi32, #tpu.memory_space<vmem>>)
        %dma_start3A_187 = arith.constant 0 : i32
        %dma_start3A_188 = tpu.memref_slice %arg14[%dma_start3A_187] : memref<10000xf32, #tpu.memory_space<vmem_shared>> -> memref<10000xf32, #tpu.memory_space<vmem_shared>>
        tpu.enqueue_indirect_dma source(%arg12 : memref<80xf32, #tpu.memory_space<vmem>>) target(%dma_start3A_188 : memref<10000xf32, #tpu.memory_space<vmem_shared>>) offsets(%arg6 : memref<80xi32, #tpu.memory_space<vmem>>) semaphore(%arg25 : memref<!tpu.dma_semaphore, #tpu.memory_space<semaphore_mem>>) {add = true}
        %add3A_189 = arith.constant 8 : i32
        %add3A_190 = arith.addi %add3A_144, %add3A_189 : i32
        %lt3A_191 = arith.constant 125 : i32
        %lt3A_192 = arith.cmpi slt, %add3A_190, %lt3A_191 : i32
        %convert_element_type3A_193 = arith.extui %lt3A_192 : i1 to i32
        %cond3A_194 = arith.constant 0 : i32
        %cond3A_195 = arith.cmpi ne, %convert_element_type3A_193, %cond3A_194 : i32
        scf.if %cond3A_195 {
          %dma_wait3A_196 = arith.constant 0 : i32
          %dma_wait3A_197 = tpu.memref_slice %arg14[%dma_wait3A_196] : memref<10000xf32, #tpu.memory_space<vmem_shared>> -> memref<10000xf32, #tpu.memory_space<vmem_shared>>
          tpu.wait_indirect_dma semaphore(%arg25 : memref<!tpu.dma_semaphore, #tpu.memory_space<semaphore_mem>>) src(%arg12 : memref<80xf32, #tpu.memory_space<vmem>>) dst(%dma_wait3A_197 : memref<10000xf32, #tpu.memory_space<vmem_shared>>)
          %add3A_198 = arith.constant 8 : i32
          %add3A_199 = arith.addi %add3A_144, %add3A_198 : i32
          %mul3A_200 = arith.constant 80 : i32
          %mul3A_201 = arith.muli %add3A_199, %mul3A_200 : i32
          %add3A_202 = arith.addi %mul3A_2, %mul3A_201 : i32
          %dma_start3A_203 = tpu.memref_slice %arg2[%add3A_202] : memref<320000xi32, #tpu.memory_space<hbm>> -> memref<80xi32, #tpu.memory_space<hbm>>
          %dma_start3A_204 = tpu.memref_slice %arg2[%add3A_202] : memref<320000xi32, #tpu.memory_space<hbm>> -> memref<80xi32, #tpu.memory_space<hbm>>
          tpu.enqueue_dma source(%dma_start3A_204 : memref<80xi32, #tpu.memory_space<hbm>>) target(%arg6 : memref<80xi32, #tpu.memory_space<vmem>>) target_semaphore(%arg17 : memref<!tpu.dma_semaphore, #tpu.memory_space<semaphore_mem>>)
        } else {
        }
      } else {
      }
      %add3A_150 = arith.constant 3 : i32
      %add3A_151 = arith.addi %add3A_131, %add3A_150 : i32
      %lt3A_152 = arith.constant 125 : i32
      %lt3A_153 = arith.cmpi slt, %add3A_151, %lt3A_152 : i32
      %convert_element_type3A_154 = arith.extui %lt3A_153 : i1 to i32
      %cond3A_155 = arith.constant 0 : i32
      %cond3A_156 = arith.cmpi ne, %convert_element_type3A_154, %cond3A_155 : i32
      scf.if %cond3A_156 {
        %dma_wait3A_185 = tpu.memref_slice %arg2[%mul3A_2] : memref<320000xi32, #tpu.memory_space<hbm>> -> memref<80xi32, #tpu.memory_space<hbm>>
        %dma_wait3A_186 = tpu.memref_slice %arg2[%mul3A_2] : memref<320000xi32, #tpu.memory_space<hbm>> -> memref<80xi32, #tpu.memory_space<hbm>>
        tpu.wait_dma2 semaphore(%arg18 : memref<!tpu.dma_semaphore, #tpu.memory_space<semaphore_mem>>) src(%dma_wait3A_186 : memref<80xi32, #tpu.memory_space<hbm>>) dst(%arg7 : memref<80xi32, #tpu.memory_space<vmem>>)
        %dma_start3A_187 = arith.constant 0 : i32
        %dma_start3A_188 = tpu.memref_slice %arg14[%dma_start3A_187] : memref<10000xf32, #tpu.memory_space<vmem_shared>> -> memref<10000xf32, #tpu.memory_space<vmem_shared>>
        tpu.enqueue_indirect_dma source(%arg12 : memref<80xf32, #tpu.memory_space<vmem>>) target(%dma_start3A_188 : memref<10000xf32, #tpu.memory_space<vmem_shared>>) offsets(%arg7 : memref<80xi32, #tpu.memory_space<vmem>>) semaphore(%arg26 : memref<!tpu.dma_semaphore, #tpu.memory_space<semaphore_mem>>) {add = true}
        %add3A_189 = arith.constant 8 : i32
        %add3A_190 = arith.addi %add3A_151, %add3A_189 : i32
        %lt3A_191 = arith.constant 125 : i32
        %lt3A_192 = arith.cmpi slt, %add3A_190, %lt3A_191 : i32
        %convert_element_type3A_193 = arith.extui %lt3A_192 : i1 to i32
        %cond3A_194 = arith.constant 0 : i32
        %cond3A_195 = arith.cmpi ne, %convert_element_type3A_193, %cond3A_194 : i32
        scf.if %cond3A_195 {
          %dma_wait3A_196 = arith.constant 0 : i32
          %dma_wait3A_197 = tpu.memref_slice %arg14[%dma_wait3A_196] : memref<10000xf32, #tpu.memory_space<vmem_shared>> -> memref<10000xf32, #tpu.memory_space<vmem_shared>>
          tpu.wait_indirect_dma semaphore(%arg26 : memref<!tpu.dma_semaphore, #tpu.memory_space<semaphore_mem>>) src(%arg12 : memref<80xf32, #tpu.memory_space<vmem>>) dst(%dma_wait3A_197 : memref<10000xf32, #tpu.memory_space<vmem_shared>>)
          %add3A_198 = arith.constant 8 : i32
          %add3A_199 = arith.addi %add3A_151, %add3A_198 : i32
          %mul3A_200 = arith.constant 80 : i32
          %mul3A_201 = arith.muli %add3A_199, %mul3A_200 : i32
          %add3A_202 = arith.addi %mul3A_2, %mul3A_201 : i32
          %dma_start3A_203 = tpu.memref_slice %arg2[%add3A_202] : memref<320000xi32, #tpu.memory_space<hbm>> -> memref<80xi32, #tpu.memory_space<hbm>>
          %dma_start3A_204 = tpu.memref_slice %arg2[%add3A_202] : memref<320000xi32, #tpu.memory_space<hbm>> -> memref<80xi32, #tpu.memory_space<hbm>>
          tpu.enqueue_dma source(%dma_start3A_204 : memref<80xi32, #tpu.memory_space<hbm>>) target(%arg7 : memref<80xi32, #tpu.memory_space<vmem>>) target_semaphore(%arg18 : memref<!tpu.dma_semaphore, #tpu.memory_space<semaphore_mem>>)
        } else {
        }
      } else {
      }
      %add3A_157 = arith.constant 4 : i32
      %add3A_158 = arith.addi %add3A_131, %add3A_157 : i32
      %lt3A_159 = arith.constant 125 : i32
      %lt3A_160 = arith.cmpi slt, %add3A_158, %lt3A_159 : i32
      %convert_element_type3A_161 = arith.extui %lt3A_160 : i1 to i32
      %cond3A_162 = arith.constant 0 : i32
      %cond3A_163 = arith.cmpi ne, %convert_element_type3A_161, %cond3A_162 : i32
      scf.if %cond3A_163 {
        %dma_wait3A_185 = tpu.memref_slice %arg2[%mul3A_2] : memref<320000xi32, #tpu.memory_space<hbm>> -> memref<80xi32, #tpu.memory_space<hbm>>
        %dma_wait3A_186 = tpu.memref_slice %arg2[%mul3A_2] : memref<320000xi32, #tpu.memory_space<hbm>> -> memref<80xi32, #tpu.memory_space<hbm>>
        tpu.wait_dma2 semaphore(%arg19 : memref<!tpu.dma_semaphore, #tpu.memory_space<semaphore_mem>>) src(%dma_wait3A_186 : memref<80xi32, #tpu.memory_space<hbm>>) dst(%arg8 : memref<80xi32, #tpu.memory_space<vmem>>)
        %dma_start3A_187 = arith.constant 0 : i32
        %dma_start3A_188 = tpu.memref_slice %arg14[%dma_start3A_187] : memref<10000xf32, #tpu.memory_space<vmem_shared>> -> memref<10000xf32, #tpu.memory_space<vmem_shared>>
        tpu.enqueue_indirect_dma source(%arg12 : memref<80xf32, #tpu.memory_space<vmem>>) target(%dma_start3A_188 : memref<10000xf32, #tpu.memory_space<vmem_shared>>) offsets(%arg8 : memref<80xi32, #tpu.memory_space<vmem>>) semaphore(%arg27 : memref<!tpu.dma_semaphore, #tpu.memory_space<semaphore_mem>>) {add = true}
        %add3A_189 = arith.constant 8 : i32
        %add3A_190 = arith.addi %add3A_158, %add3A_189 : i32
        %lt3A_191 = arith.constant 125 : i32
        %lt3A_192 = arith.cmpi slt, %add3A_190, %lt3A_191 : i32
        %convert_element_type3A_193 = arith.extui %lt3A_192 : i1 to i32
        %cond3A_194 = arith.constant 0 : i32
        %cond3A_195 = arith.cmpi ne, %convert_element_type3A_193, %cond3A_194 : i32
        scf.if %cond3A_195 {
          %dma_wait3A_196 = arith.constant 0 : i32
          %dma_wait3A_197 = tpu.memref_slice %arg14[%dma_wait3A_196] : memref<10000xf32, #tpu.memory_space<vmem_shared>> -> memref<10000xf32, #tpu.memory_space<vmem_shared>>
          tpu.wait_indirect_dma semaphore(%arg27 : memref<!tpu.dma_semaphore, #tpu.memory_space<semaphore_mem>>) src(%arg12 : memref<80xf32, #tpu.memory_space<vmem>>) dst(%dma_wait3A_197 : memref<10000xf32, #tpu.memory_space<vmem_shared>>)
          %add3A_198 = arith.constant 8 : i32
          %add3A_199 = arith.addi %add3A_158, %add3A_198 : i32
          %mul3A_200 = arith.constant 80 : i32
          %mul3A_201 = arith.muli %add3A_199, %mul3A_200 : i32
          %add3A_202 = arith.addi %mul3A_2, %mul3A_201 : i32
          %dma_start3A_203 = tpu.memref_slice %arg2[%add3A_202] : memref<320000xi32, #tpu.memory_space<hbm>> -> memref<80xi32, #tpu.memory_space<hbm>>
          %dma_start3A_204 = tpu.memref_slice %arg2[%add3A_202] : memref<320000xi32, #tpu.memory_space<hbm>> -> memref<80xi32, #tpu.memory_space<hbm>>
          tpu.enqueue_dma source(%dma_start3A_204 : memref<80xi32, #tpu.memory_space<hbm>>) target(%arg8 : memref<80xi32, #tpu.memory_space<vmem>>) target_semaphore(%arg19 : memref<!tpu.dma_semaphore, #tpu.memory_space<semaphore_mem>>)
        } else {
        }
      } else {
      }
      %add3A_164 = arith.constant 5 : i32
      %add3A_165 = arith.addi %add3A_131, %add3A_164 : i32
      %lt3A_166 = arith.constant 125 : i32
      %lt3A_167 = arith.cmpi slt, %add3A_165, %lt3A_166 : i32
      %convert_element_type3A_168 = arith.extui %lt3A_167 : i1 to i32
      %cond3A_169 = arith.constant 0 : i32
      %cond3A_170 = arith.cmpi ne, %convert_element_type3A_168, %cond3A_169 : i32
      scf.if %cond3A_170 {
        %dma_wait3A_185 = tpu.memref_slice %arg2[%mul3A_2] : memref<320000xi32, #tpu.memory_space<hbm>> -> memref<80xi32, #tpu.memory_space<hbm>>
        %dma_wait3A_186 = tpu.memref_slice %arg2[%mul3A_2] : memref<320000xi32, #tpu.memory_space<hbm>> -> memref<80xi32, #tpu.memory_space<hbm>>
        tpu.wait_dma2 semaphore(%arg20 : memref<!tpu.dma_semaphore, #tpu.memory_space<semaphore_mem>>) src(%dma_wait3A_186 : memref<80xi32, #tpu.memory_space<hbm>>) dst(%arg9 : memref<80xi32, #tpu.memory_space<vmem>>)
        %dma_start3A_187 = arith.constant 0 : i32
        %dma_start3A_188 = tpu.memref_slice %arg14[%dma_start3A_187] : memref<10000xf32, #tpu.memory_space<vmem_shared>> -> memref<10000xf32, #tpu.memory_space<vmem_shared>>
        tpu.enqueue_indirect_dma source(%arg12 : memref<80xf32, #tpu.memory_space<vmem>>) target(%dma_start3A_188 : memref<10000xf32, #tpu.memory_space<vmem_shared>>) offsets(%arg9 : memref<80xi32, #tpu.memory_space<vmem>>) semaphore(%arg28 : memref<!tpu.dma_semaphore, #tpu.memory_space<semaphore_mem>>) {add = true}
        %add3A_189 = arith.constant 8 : i32
        %add3A_190 = arith.addi %add3A_165, %add3A_189 : i32
        %lt3A_191 = arith.constant 125 : i32
        %lt3A_192 = arith.cmpi slt, %add3A_190, %lt3A_191 : i32
        %convert_element_type3A_193 = arith.extui %lt3A_192 : i1 to i32
        %cond3A_194 = arith.constant 0 : i32
        %cond3A_195 = arith.cmpi ne, %convert_element_type3A_193, %cond3A_194 : i32
        scf.if %cond3A_195 {
          %dma_wait3A_196 = arith.constant 0 : i32
          %dma_wait3A_197 = tpu.memref_slice %arg14[%dma_wait3A_196] : memref<10000xf32, #tpu.memory_space<vmem_shared>> -> memref<10000xf32, #tpu.memory_space<vmem_shared>>
          tpu.wait_indirect_dma semaphore(%arg28 : memref<!tpu.dma_semaphore, #tpu.memory_space<semaphore_mem>>) src(%arg12 : memref<80xf32, #tpu.memory_space<vmem>>) dst(%dma_wait3A_197 : memref<10000xf32, #tpu.memory_space<vmem_shared>>)
          %add3A_198 = arith.constant 8 : i32
          %add3A_199 = arith.addi %add3A_165, %add3A_198 : i32
          %mul3A_200 = arith.constant 80 : i32
          %mul3A_201 = arith.muli %add3A_199, %mul3A_200 : i32
          %add3A_202 = arith.addi %mul3A_2, %mul3A_201 : i32
          %dma_start3A_203 = tpu.memref_slice %arg2[%add3A_202] : memref<320000xi32, #tpu.memory_space<hbm>> -> memref<80xi32, #tpu.memory_space<hbm>>
          %dma_start3A_204 = tpu.memref_slice %arg2[%add3A_202] : memref<320000xi32, #tpu.memory_space<hbm>> -> memref<80xi32, #tpu.memory_space<hbm>>
          tpu.enqueue_dma source(%dma_start3A_204 : memref<80xi32, #tpu.memory_space<hbm>>) target(%arg9 : memref<80xi32, #tpu.memory_space<vmem>>) target_semaphore(%arg20 : memref<!tpu.dma_semaphore, #tpu.memory_space<semaphore_mem>>)
        } else {
        }
      } else {
      }
      %add3A_171 = arith.constant 6 : i32
      %add3A_172 = arith.addi %add3A_131, %add3A_171 : i32
      %lt3A_173 = arith.constant 125 : i32
      %lt3A_174 = arith.cmpi slt, %add3A_172, %lt3A_173 : i32
      %convert_element_type3A_175 = arith.extui %lt3A_174 : i1 to i32
      %cond3A_176 = arith.constant 0 : i32
      %cond3A_177 = arith.cmpi ne, %convert_element_type3A_175, %cond3A_176 : i32
      scf.if %cond3A_177 {
        %dma_wait3A_185 = tpu.memref_slice %arg2[%mul3A_2] : memref<320000xi32, #tpu.memory_space<hbm>> -> memref<80xi32, #tpu.memory_space<hbm>>
        %dma_wait3A_186 = tpu.memref_slice %arg2[%mul3A_2] : memref<320000xi32, #tpu.memory_space<hbm>> -> memref<80xi32, #tpu.memory_space<hbm>>
        tpu.wait_dma2 semaphore(%arg21 : memref<!tpu.dma_semaphore, #tpu.memory_space<semaphore_mem>>) src(%dma_wait3A_186 : memref<80xi32, #tpu.memory_space<hbm>>) dst(%arg10 : memref<80xi32, #tpu.memory_space<vmem>>)
        %dma_start3A_187 = arith.constant 0 : i32
        %dma_start3A_188 = tpu.memref_slice %arg14[%dma_start3A_187] : memref<10000xf32, #tpu.memory_space<vmem_shared>> -> memref<10000xf32, #tpu.memory_space<vmem_shared>>
        tpu.enqueue_indirect_dma source(%arg12 : memref<80xf32, #tpu.memory_space<vmem>>) target(%dma_start3A_188 : memref<10000xf32, #tpu.memory_space<vmem_shared>>) offsets(%arg10 : memref<80xi32, #tpu.memory_space<vmem>>) semaphore(%arg29 : memref<!tpu.dma_semaphore, #tpu.memory_space<semaphore_mem>>) {add = true}
        %add3A_189 = arith.constant 8 : i32
        %add3A_190 = arith.addi %add3A_172, %add3A_189 : i32
        %lt3A_191 = arith.constant 125 : i32
        %lt3A_192 = arith.cmpi slt, %add3A_190, %lt3A_191 : i32
        %convert_element_type3A_193 = arith.extui %lt3A_192 : i1 to i32
        %cond3A_194 = arith.constant 0 : i32
        %cond3A_195 = arith.cmpi ne, %convert_element_type3A_193, %cond3A_194 : i32
        scf.if %cond3A_195 {
          %dma_wait3A_196 = arith.constant 0 : i32
          %dma_wait3A_197 = tpu.memref_slice %arg14[%dma_wait3A_196] : memref<10000xf32, #tpu.memory_space<vmem_shared>> -> memref<10000xf32, #tpu.memory_space<vmem_shared>>
          tpu.wait_indirect_dma semaphore(%arg29 : memref<!tpu.dma_semaphore, #tpu.memory_space<semaphore_mem>>) src(%arg12 : memref<80xf32, #tpu.memory_space<vmem>>) dst(%dma_wait3A_197 : memref<10000xf32, #tpu.memory_space<vmem_shared>>)
          %add3A_198 = arith.constant 8 : i32
          %add3A_199 = arith.addi %add3A_172, %add3A_198 : i32
          %mul3A_200 = arith.constant 80 : i32
          %mul3A_201 = arith.muli %add3A_199, %mul3A_200 : i32
          %add3A_202 = arith.addi %mul3A_2, %mul3A_201 : i32
          %dma_start3A_203 = tpu.memref_slice %arg2[%add3A_202] : memref<320000xi32, #tpu.memory_space<hbm>> -> memref<80xi32, #tpu.memory_space<hbm>>
          %dma_start3A_204 = tpu.memref_slice %arg2[%add3A_202] : memref<320000xi32, #tpu.memory_space<hbm>> -> memref<80xi32, #tpu.memory_space<hbm>>
          tpu.enqueue_dma source(%dma_start3A_204 : memref<80xi32, #tpu.memory_space<hbm>>) target(%arg10 : memref<80xi32, #tpu.memory_space<vmem>>) target_semaphore(%arg21 : memref<!tpu.dma_semaphore, #tpu.memory_space<semaphore_mem>>)
        } else {
        }
      } else {
      }
      %add3A_178 = arith.constant 7 : i32
      %add3A_179 = arith.addi %add3A_131, %add3A_178 : i32
      %lt3A_180 = arith.constant 125 : i32
      %lt3A_181 = arith.cmpi slt, %add3A_179, %lt3A_180 : i32
      %convert_element_type3A_182 = arith.extui %lt3A_181 : i1 to i32
      %cond3A_183 = arith.constant 0 : i32
      %cond3A_184 = arith.cmpi ne, %convert_element_type3A_182, %cond3A_183 : i32
      scf.if %cond3A_184 {
        %dma_wait3A_185 = tpu.memref_slice %arg2[%mul3A_2] : memref<320000xi32, #tpu.memory_space<hbm>> -> memref<80xi32, #tpu.memory_space<hbm>>
        %dma_wait3A_186 = tpu.memref_slice %arg2[%mul3A_2] : memref<320000xi32, #tpu.memory_space<hbm>> -> memref<80xi32, #tpu.memory_space<hbm>>
        tpu.wait_dma2 semaphore(%arg22 : memref<!tpu.dma_semaphore, #tpu.memory_space<semaphore_mem>>) src(%dma_wait3A_186 : memref<80xi32, #tpu.memory_space<hbm>>) dst(%arg11 : memref<80xi32, #tpu.memory_space<vmem>>)
        %dma_start3A_187 = arith.constant 0 : i32
        %dma_start3A_188 = tpu.memref_slice %arg14[%dma_start3A_187] : memref<10000xf32, #tpu.memory_space<vmem_shared>> -> memref<10000xf32, #tpu.memory_space<vmem_shared>>
        tpu.enqueue_indirect_dma source(%arg12 : memref<80xf32, #tpu.memory_space<vmem>>) target(%dma_start3A_188 : memref<10000xf32, #tpu.memory_space<vmem_shared>>) offsets(%arg11 : memref<80xi32, #tpu.memory_space<vmem>>) semaphore(%arg30 : memref<!tpu.dma_semaphore, #tpu.memory_space<semaphore_mem>>) {add = true}
        %add3A_189 = arith.constant 8 : i32
        %add3A_190 = arith.addi %add3A_179, %add3A_189 : i32
        %lt3A_191 = arith.constant 125 : i32
        %lt3A_192 = arith.cmpi slt, %add3A_190, %lt3A_191 : i32
        %convert_element_type3A_193 = arith.extui %lt3A_192 : i1 to i32
        %cond3A_194 = arith.constant 0 : i32
        %cond3A_195 = arith.cmpi ne, %convert_element_type3A_193, %cond3A_194 : i32
        scf.if %cond3A_195 {
          %dma_wait3A_196 = arith.constant 0 : i32
          %dma_wait3A_197 = tpu.memref_slice %arg14[%dma_wait3A_196] : memref<10000xf32, #tpu.memory_space<vmem_shared>> -> memref<10000xf32, #tpu.memory_space<vmem_shared>>
          tpu.wait_indirect_dma semaphore(%arg30 : memref<!tpu.dma_semaphore, #tpu.memory_space<semaphore_mem>>) src(%arg12 : memref<80xf32, #tpu.memory_space<vmem>>) dst(%dma_wait3A_197 : memref<10000xf32, #tpu.memory_space<vmem_shared>>)
          %add3A_198 = arith.constant 8 : i32
          %add3A_199 = arith.addi %add3A_179, %add3A_198 : i32
          %mul3A_200 = arith.constant 80 : i32
          %mul3A_201 = arith.muli %add3A_199, %mul3A_200 : i32
          %add3A_202 = arith.addi %mul3A_2, %mul3A_201 : i32
          %dma_start3A_203 = tpu.memref_slice %arg2[%add3A_202] : memref<320000xi32, #tpu.memory_space<hbm>> -> memref<80xi32, #tpu.memory_space<hbm>>
          %dma_start3A_204 = tpu.memref_slice %arg2[%add3A_202] : memref<320000xi32, #tpu.memory_space<hbm>> -> memref<80xi32, #tpu.memory_space<hbm>>
          tpu.enqueue_dma source(%dma_start3A_204 : memref<80xi32, #tpu.memory_space<hbm>>) target(%arg11 : memref<80xi32, #tpu.memory_space<vmem>>) target_semaphore(%arg22 : memref<!tpu.dma_semaphore, #tpu.memory_space<semaphore_mem>>)
        } else {
        }
      } else {
      }
    }
    %scan3A_105 = arith.constant 16 : i32
    %dma_wait3A = arith.constant 0 : i32
    %dma_wait3A_106 = tpu.memref_slice %arg14[%dma_wait3A] : memref<10000xf32, #tpu.memory_space<vmem_shared>> -> memref<10000xf32, #tpu.memory_space<vmem_shared>>
    tpu.wait_indirect_dma semaphore(%arg23 : memref<!tpu.dma_semaphore, #tpu.memory_space<semaphore_mem>>) src(%arg12 : memref<80xf32, #tpu.memory_space<vmem>>) dst(%dma_wait3A_106 : memref<10000xf32, #tpu.memory_space<vmem_shared>>)
    %dma_wait3A_107 = arith.constant 0 : i32
    %dma_wait3A_108 = tpu.memref_slice %arg14[%dma_wait3A_107] : memref<10000xf32, #tpu.memory_space<vmem_shared>> -> memref<10000xf32, #tpu.memory_space<vmem_shared>>
    tpu.wait_indirect_dma semaphore(%arg24 : memref<!tpu.dma_semaphore, #tpu.memory_space<semaphore_mem>>) src(%arg12 : memref<80xf32, #tpu.memory_space<vmem>>) dst(%dma_wait3A_108 : memref<10000xf32, #tpu.memory_space<vmem_shared>>)
    %dma_wait3A_109 = arith.constant 0 : i32
    %dma_wait3A_110 = tpu.memref_slice %arg14[%dma_wait3A_109] : memref<10000xf32, #tpu.memory_space<vmem_shared>> -> memref<10000xf32, #tpu.memory_space<vmem_shared>>
    tpu.wait_indirect_dma semaphore(%arg25 : memref<!tpu.dma_semaphore, #tpu.memory_space<semaphore_mem>>) src(%arg12 : memref<80xf32, #tpu.memory_space<vmem>>) dst(%dma_wait3A_110 : memref<10000xf32, #tpu.memory_space<vmem_shared>>)
    %dma_wait3A_111 = arith.constant 0 : i32
    %dma_wait3A_112 = tpu.memref_slice %arg14[%dma_wait3A_111] : memref<10000xf32, #tpu.memory_space<vmem_shared>> -> memref<10000xf32, #tpu.memory_space<vmem_shared>>
    tpu.wait_indirect_dma semaphore(%arg26 : memref<!tpu.dma_semaphore, #tpu.memory_space<semaphore_mem>>) src(%arg12 : memref<80xf32, #tpu.memory_space<vmem>>) dst(%dma_wait3A_112 : memref<10000xf32, #tpu.memory_space<vmem_shared>>)
    %dma_wait3A_113 = arith.constant 0 : i32
    %dma_wait3A_114 = tpu.memref_slice %arg14[%dma_wait3A_113] : memref<10000xf32, #tpu.memory_space<vmem_shared>> -> memref<10000xf32, #tpu.memory_space<vmem_shared>>
    tpu.wait_indirect_dma semaphore(%arg27 : memref<!tpu.dma_semaphore, #tpu.memory_space<semaphore_mem>>) src(%arg12 : memref<80xf32, #tpu.memory_space<vmem>>) dst(%dma_wait3A_114 : memref<10000xf32, #tpu.memory_space<vmem_shared>>)
    %dma_wait3A_115 = arith.constant 0 : i32
    %dma_wait3A_116 = tpu.memref_slice %arg14[%dma_wait3A_115] : memref<10000xf32, #tpu.memory_space<vmem_shared>> -> memref<10000xf32, #tpu.memory_space<vmem_shared>>
    tpu.wait_indirect_dma semaphore(%arg28 : memref<!tpu.dma_semaphore, #tpu.memory_space<semaphore_mem>>) src(%arg12 : memref<80xf32, #tpu.memory_space<vmem>>) dst(%dma_wait3A_116 : memref<10000xf32, #tpu.memory_space<vmem_shared>>)
    %dma_wait3A_117 = arith.constant 0 : i32
    %dma_wait3A_118 = tpu.memref_slice %arg14[%dma_wait3A_117] : memref<10000xf32, #tpu.memory_space<vmem_shared>> -> memref<10000xf32, #tpu.memory_space<vmem_shared>>
    tpu.wait_indirect_dma semaphore(%arg29 : memref<!tpu.dma_semaphore, #tpu.memory_space<semaphore_mem>>) src(%arg12 : memref<80xf32, #tpu.memory_space<vmem>>) dst(%dma_wait3A_118 : memref<10000xf32, #tpu.memory_space<vmem_shared>>)
    %dma_wait3A_119 = arith.constant 0 : i32
    %dma_wait3A_120 = tpu.memref_slice %arg14[%dma_wait3A_119] : memref<10000xf32, #tpu.memory_space<vmem_shared>> -> memref<10000xf32, #tpu.memory_space<vmem_shared>>
    tpu.wait_indirect_dma semaphore(%arg30 : memref<!tpu.dma_semaphore, #tpu.memory_space<semaphore_mem>>) src(%arg12 : memref<80xf32, #tpu.memory_space<vmem>>) dst(%dma_wait3A_120 : memref<10000xf32, #tpu.memory_space<vmem_shared>>)
    %barrier3A_121 = arith.constant 0 : index
    tpu.barrier barrier_id(%barrier3A_121)
    %scan3A_122 = arith.constant 0 : i32
    %scan3A_123 = arith.constant 8 : i32
    %scan3A_124 = arith.addi %scan3A_122, %scan3A_123 : i32
    %scan3A_125 = arith.constant 1 : i32
    scf.for %scan3A_127 = %scan3A_122 to %scan3A_124 step %scan3A_125  : i32 {
      %mul3A_128 = arith.constant 1 : i32
      %mul3A_129 = arith.muli %scan3A_127, %mul3A_128 : i32
      %add3A_130 = arith.constant 0 : i32
      %add3A_131 = arith.addi %add3A_130, %mul3A_129 : i32
      %mul3A_132 = arith.constant 16 : i32
      %mul3A_133 = arith.muli %add3A_131, %mul3A_132 : i32
      %add3A_134 = arith.addi %mul3A_133, %arg1 : i32
      %lt3A = arith.constant 125 : i32
      %lt3A_135 = arith.cmpi slt, %add3A_134, %lt3A : i32
      %convert_element_type3A = arith.extui %lt3A_135 : i1 to i32
      %cond3A = arith.constant 0 : i32
      %cond3A_136 = arith.cmpi ne, %convert_element_type3A, %cond3A : i32
      scf.if %cond3A_136 {
        %mul3A_137 = arith.constant 80 : i32
        %mul3A_138 = arith.muli %add3A_134, %mul3A_137 : i32
        "tpu.region"() ({
          %run_scoped3A = tpu.sem_alloc : memref<!tpu.dma_semaphore, #tpu.memory_space<semaphore_mem>>
          %dma_start3A_144 = tpu.memref_slice %arg14[%mul3A_138] : memref<10000xf32, #tpu.memory_space<vmem_shared>> -> memref<80xf32, #tpu.memory_space<vmem_shared>>
          %dma_start3A_145 = tpu.memref_slice %arg14[%mul3A_138] : memref<10000xf32, #tpu.memory_space<vmem_shared>> -> memref<80xf32, #tpu.memory_space<vmem_shared>>
          tpu.enqueue_dma source(%dma_start3A_145 : memref<80xf32, #tpu.memory_space<vmem_shared>>) target(%arg13 : memref<80xf32, #tpu.memory_space<vmem>>) target_semaphore(%run_scoped3A : memref<!tpu.dma_semaphore, #tpu.memory_space<semaphore_mem>>)
          %dma_wait3A_146 = tpu.memref_slice %arg14[%mul3A_138] : memref<10000xf32, #tpu.memory_space<vmem_shared>> -> memref<80xf32, #tpu.memory_space<vmem_shared>>
          %dma_wait3A_147 = tpu.memref_slice %arg14[%mul3A_138] : memref<10000xf32, #tpu.memory_space<vmem_shared>> -> memref<80xf32, #tpu.memory_space<vmem_shared>>
          tpu.wait_dma2 semaphore(%run_scoped3A : memref<!tpu.dma_semaphore, #tpu.memory_space<semaphore_mem>>) src(%dma_wait3A_147 : memref<80xf32, #tpu.memory_space<vmem_shared>>) dst(%arg13 : memref<80xf32, #tpu.memory_space<vmem>>)
          tpu.yield
        }) : () -> ()
        %mul3A_139 = arith.constant 10000 : i32
        %mul3A_140 = arith.muli %arg0, %mul3A_139 : i32
        %mul3A_141 = arith.constant 80 : i32
        %mul3A_142 = arith.muli %add3A_134, %mul3A_141 : i32
        %add3A_143 = arith.addi %mul3A_140, %mul3A_142 : i32
        "tpu.region"() ({
          %run_scoped3A = tpu.sem_alloc : memref<!tpu.dma_semaphore, #tpu.memory_space<semaphore_mem>>
          %dma_start3A_144 = tpu.memref_slice %arg3[%add3A_143] : memref<20000xf32, #tpu.memory_space<hbm>> -> memref<80xf32, #tpu.memory_space<hbm>>
          %dma_start3A_145 = tpu.memref_slice %arg3[%add3A_143] : memref<20000xf32, #tpu.memory_space<hbm>> -> memref<80xf32, #tpu.memory_space<hbm>>
          tpu.enqueue_dma source(%arg13 : memref<80xf32, #tpu.memory_space<vmem>>) target(%dma_start3A_145 : memref<80xf32, #tpu.memory_space<hbm>>) target_semaphore(%run_scoped3A : memref<!tpu.dma_semaphore, #tpu.memory_space<semaphore_mem>>)
          %dma_wait3A_146 = tpu.memref_slice %arg3[%add3A_143] : memref<20000xf32, #tpu.memory_space<hbm>> -> memref<80xf32, #tpu.memory_space<hbm>>
          %dma_wait3A_147 = tpu.memref_slice %arg3[%add3A_143] : memref<20000xf32, #tpu.memory_space<hbm>> -> memref<80xf32, #tpu.memory_space<hbm>>
          tpu.wait_dma2 semaphore(%run_scoped3A : memref<!tpu.dma_semaphore, #tpu.memory_space<semaphore_mem>>) src(%arg13 : memref<80xf32, #tpu.memory_space<vmem>>) dst(%dma_wait3A_147 : memref<80xf32, #tpu.memory_space<hbm>>)
          tpu.yield
        }) : () -> ()
      } else {
      }
    }
    %scan3A_126 = arith.constant 8 : i32
    return
  }
}

#map = affine_map<(d0, d1) -> (0, 0)>
#map1 = affine_map<(d0, d1) -> (0)>
module attributes {stable_mosaic.version = 14 : i64} {
  func.func @scatter_kernel(%arg0: i32, %arg1: i32, %arg2: memref<10000x128xf32, #tpu.memory_space<hbm>>, %arg3: memref<320000xi32, #tpu.memory_space<hbm>>, %arg4: memref<320000xi32, #tpu.memory_space<hbm>>, %arg5: memref<20000x128xf32, #tpu.memory_space<hbm>>, %arg6: memref<10000xi32, #tpu.memory_space<vmem>>, %arg7: memref<80xi32, #tpu.memory_space<vmem>>, %arg8: memref<80xi32, #tpu.memory_space<vmem>>, %arg9: memref<80xi32, #tpu.memory_space<vmem>>, %arg10: memref<80x128xf32, #tpu.memory_space<vmem>>, %arg11: memref<80x128xf32, #tpu.memory_space<vmem>>, %arg12: memref<80x128xf32, #tpu.memory_space<vmem>>, %arg13: memref<10000x128xf32, #tpu.memory_space<vmem_shared>>, %arg14: memref<!tpu.dma_semaphore, #tpu.memory_space<semaphore_mem>>, %arg15: memref<!tpu.dma_semaphore, #tpu.memory_space<semaphore_mem>>, %arg16: memref<!tpu.dma_semaphore, #tpu.memory_space<semaphore_mem>>, %arg17: memref<!tpu.dma_semaphore, #tpu.memory_space<semaphore_mem>>, %arg18: memref<!tpu.dma_semaphore, #tpu.memory_space<semaphore_mem>>, %arg19: memref<!tpu.dma_semaphore, #tpu.memory_space<semaphore_mem>>, %arg20: memref<!tpu.dma_semaphore, #tpu.memory_space<semaphore_mem>>, %arg21: memref<!tpu.dma_semaphore, #tpu.memory_space<semaphore_mem>>, %arg22: memref<!tpu.dma_semaphore, #tpu.memory_space<semaphore_mem>>) attributes {dimension_semantics = [#tpu.dimension_semantics<core_parallel>, #tpu.dimension_semantics<subcore_parallel>], iteration_bounds = array<i64: 2, 16>, scalar_prefetch = 0 : i64, scratch_operands = 17 : i64, tpu.core_type = #tpu.core_type<sc_vector_subcore>, window_params = [{transform_indices = #map}, {transform_indices = #map1}, {transform_indices = #map1}, {transform_indices = #map}]} {
    %mul3A = arith.constant 16 : i32
    %mul3A_0 = arith.muli %arg0, %mul3A : i32
    %add3A = arith.addi %mul3A_0, %arg1 : i32
    %mul3A_1 = arith.constant 10000 : i32
    %mul3A_2 = arith.muli %add3A, %mul3A_1 : i32
    "tpu.region"() ({
      %run_scoped3A = tpu.sem_alloc : memref<!tpu.dma_semaphore, #tpu.memory_space<semaphore_mem>>
      %dma_start3A_67 = tpu.memref_slice %arg3[%mul3A_2] : memref<320000xi32, #tpu.memory_space<hbm>> -> memref<10000xi32, #tpu.memory_space<hbm>>
      %dma_start3A_68 = tpu.memref_slice %arg3[%mul3A_2] : memref<320000xi32, #tpu.memory_space<hbm>> -> memref<10000xi32, #tpu.memory_space<hbm>>
      tpu.enqueue_dma source(%dma_start3A_68 : memref<10000xi32, #tpu.memory_space<hbm>>) target(%arg6 : memref<10000xi32, #tpu.memory_space<vmem>>) target_semaphore(%run_scoped3A : memref<!tpu.dma_semaphore, #tpu.memory_space<semaphore_mem>>)
      %dma_wait3A_69 = tpu.memref_slice %arg3[%mul3A_2] : memref<320000xi32, #tpu.memory_space<hbm>> -> memref<10000xi32, #tpu.memory_space<hbm>>
      %dma_wait3A_70 = tpu.memref_slice %arg3[%mul3A_2] : memref<320000xi32, #tpu.memory_space<hbm>> -> memref<10000xi32, #tpu.memory_space<hbm>>
      tpu.wait_dma2 semaphore(%run_scoped3A : memref<!tpu.dma_semaphore, #tpu.memory_space<semaphore_mem>>) src(%dma_wait3A_70 : memref<10000xi32, #tpu.memory_space<hbm>>) dst(%arg6 : memref<10000xi32, #tpu.memory_space<vmem>>)
      tpu.yield
    }) : () -> ()
    %scan3A = arith.constant 0 : i32
    %scan3A_3 = arith.constant 80 : i32
    %scan3A_4 = arith.addi %scan3A, %scan3A_3 : i32
    %scan3A_5 = arith.constant 1 : i32
    scf.for %scan3A_67 = %scan3A to %scan3A_4 step %scan3A_5  : i32 {
      %mul3A_68 = arith.constant 1 : i32
      %mul3A_69 = arith.muli %scan3A_67, %mul3A_68 : i32
      %add3A_70 = arith.constant 0 : i32
      %add3A_71 = arith.addi %add3A_70, %mul3A_69 : i32
      %broadcast_in_dim3A = arith.constant 0.000000e+00 : f32
      %broadcast_in_dim3A_72 = vector.broadcast %broadcast_in_dim3A : f32 to vector<16xf32>
      %swap3A = arith.index_cast %add3A_71 : i32 to index
      %swap3A_73 = arith.constant 0 : index
      %swap3A_74 = tpu.vector_load %arg10[%swap3A, %swap3A_73] {strides = array<i32>} : memref<80x128xf32, #tpu.memory_space<vmem>>, vector<1x16xf32>,
      %swap3A_75 = vector.shape_cast %swap3A_74 : vector<1x16xf32> to vector<16xf32>
      %swap3A_76 = vector.shape_cast %broadcast_in_dim3A_72 : vector<16xf32> to vector<1x16xf32>
      tpu.vector_store %arg10[%swap3A, %swap3A_73], %swap3A_76 {strides = array<i32>} : memref<80x128xf32, #tpu.memory_space<vmem>>, vector<1x16xf32>,
      %broadcast_in_dim3A_77 = arith.constant 0.000000e+00 : f32
      %broadcast_in_dim3A_78 = vector.broadcast %broadcast_in_dim3A_77 : f32 to vector<16xf32>
      %swap3A_79 = arith.index_cast %add3A_71 : i32 to index
      %swap3A_80 = arith.constant 16 : index
      %swap3A_81 = tpu.vector_load %arg10[%swap3A_79, %swap3A_80] {strides = array<i32>} : memref<80x128xf32, #tpu.memory_space<vmem>>, vector<1x16xf32>,
      %swap3A_82 = vector.shape_cast %swap3A_81 : vector<1x16xf32> to vector<16xf32>
      %swap3A_83 = vector.shape_cast %broadcast_in_dim3A_78 : vector<16xf32> to vector<1x16xf32>
      tpu.vector_store %arg10[%swap3A_79, %swap3A_80], %swap3A_83 {strides = array<i32>} : memref<80x128xf32, #tpu.memory_space<vmem>>, vector<1x16xf32>,
      %broadcast_in_dim3A_84 = arith.constant 0.000000e+00 : f32
      %broadcast_in_dim3A_85 = vector.broadcast %broadcast_in_dim3A_84 : f32 to vector<16xf32>
      %swap3A_86 = arith.index_cast %add3A_71 : i32 to index
      %swap3A_87 = arith.constant 32 : index
      %swap3A_88 = tpu.vector_load %arg10[%swap3A_86, %swap3A_87] {strides = array<i32>} : memref<80x128xf32, #tpu.memory_space<vmem>>, vector<1x16xf32>,
      %swap3A_89 = vector.shape_cast %swap3A_88 : vector<1x16xf32> to vector<16xf32>
      %swap3A_90 = vector.shape_cast %broadcast_in_dim3A_85 : vector<16xf32> to vector<1x16xf32>
      tpu.vector_store %arg10[%swap3A_86, %swap3A_87], %swap3A_90 {strides = array<i32>} : memref<80x128xf32, #tpu.memory_space<vmem>>, vector<1x16xf32>,
      %broadcast_in_dim3A_91 = arith.constant 0.000000e+00 : f32
      %broadcast_in_dim3A_92 = vector.broadcast %broadcast_in_dim3A_91 : f32 to vector<16xf32>
      %swap3A_93 = arith.index_cast %add3A_71 : i32 to index
      %swap3A_94 = arith.constant 48 : index
      %swap3A_95 = tpu.vector_load %arg10[%swap3A_93, %swap3A_94] {strides = array<i32>} : memref<80x128xf32, #tpu.memory_space<vmem>>, vector<1x16xf32>,
      %swap3A_96 = vector.shape_cast %swap3A_95 : vector<1x16xf32> to vector<16xf32>
      %swap3A_97 = vector.shape_cast %broadcast_in_dim3A_92 : vector<16xf32> to vector<1x16xf32>
      tpu.vector_store %arg10[%swap3A_93, %swap3A_94], %swap3A_97 {strides = array<i32>} : memref<80x128xf32, #tpu.memory_space<vmem>>, vector<1x16xf32>,
      %broadcast_in_dim3A_98 = arith.constant 0.000000e+00 : f32
      %broadcast_in_dim3A_99 = vector.broadcast %broadcast_in_dim3A_98 : f32 to vector<16xf32>
      %swap3A_100 = arith.index_cast %add3A_71 : i32 to index
      %swap3A_101 = arith.constant 64 : index
      %swap3A_102 = tpu.vector_load %arg10[%swap3A_100, %swap3A_101] {strides = array<i32>} : memref<80x128xf32, #tpu.memory_space<vmem>>, vector<1x16xf32>,
      %swap3A_103 = vector.shape_cast %swap3A_102 : vector<1x16xf32> to vector<16xf32>
      %swap3A_104 = vector.shape_cast %broadcast_in_dim3A_99 : vector<16xf32> to vector<1x16xf32>
      tpu.vector_store %arg10[%swap3A_100, %swap3A_101], %swap3A_104 {strides = array<i32>} : memref<80x128xf32, #tpu.memory_space<vmem>>, vector<1x16xf32>,
      %broadcast_in_dim3A_105 = arith.constant 0.000000e+00 : f32
      %broadcast_in_dim3A_106 = vector.broadcast %broadcast_in_dim3A_105 : f32 to vector<16xf32>
      %swap3A_107 = arith.index_cast %add3A_71 : i32 to index
      %swap3A_108 = arith.constant 80 : index
      %swap3A_109 = tpu.vector_load %arg10[%swap3A_107, %swap3A_108] {strides = array<i32>} : memref<80x128xf32, #tpu.memory_space<vmem>>, vector<1x16xf32>,
      %swap3A_110 = vector.shape_cast %swap3A_109 : vector<1x16xf32> to vector<16xf32>
      %swap3A_111 = vector.shape_cast %broadcast_in_dim3A_106 : vector<16xf32> to vector<1x16xf32>
      tpu.vector_store %arg10[%swap3A_107, %swap3A_108], %swap3A_111 {strides = array<i32>} : memref<80x128xf32, #tpu.memory_space<vmem>>, vector<1x16xf32>,
      %broadcast_in_dim3A_112 = arith.constant 0.000000e+00 : f32
      %broadcast_in_dim3A_113 = vector.broadcast %broadcast_in_dim3A_112 : f32 to vector<16xf32>
      %swap3A_114 = arith.index_cast %add3A_71 : i32 to index
      %swap3A_115 = arith.constant 96 : index
      %swap3A_116 = tpu.vector_load %arg10[%swap3A_114, %swap3A_115] {strides = array<i32>} : memref<80x128xf32, #tpu.memory_space<vmem>>, vector<1x16xf32>,
      %swap3A_117 = vector.shape_cast %swap3A_116 : vector<1x16xf32> to vector<16xf32>
      %swap3A_118 = vector.shape_cast %broadcast_in_dim3A_113 : vector<16xf32> to vector<1x16xf32>
      tpu.vector_store %arg10[%swap3A_114, %swap3A_115], %swap3A_118 {strides = array<i32>} : memref<80x128xf32, #tpu.memory_space<vmem>>, vector<1x16xf32>,
      %broadcast_in_dim3A_119 = arith.constant 0.000000e+00 : f32
      %broadcast_in_dim3A_120 = vector.broadcast %broadcast_in_dim3A_119 : f32 to vector<16xf32>
      %swap3A_121 = arith.index_cast %add3A_71 : i32 to index
      %swap3A_122 = arith.constant 112 : index
      %swap3A_123 = tpu.vector_load %arg10[%swap3A_121, %swap3A_122] {strides = array<i32>} : memref<80x128xf32, #tpu.memory_space<vmem>>, vector<1x16xf32>,
      %swap3A_124 = vector.shape_cast %swap3A_123 : vector<1x16xf32> to vector<16xf32>
      %swap3A_125 = vector.shape_cast %broadcast_in_dim3A_120 : vector<16xf32> to vector<1x16xf32>
      tpu.vector_store %arg10[%swap3A_121, %swap3A_122], %swap3A_125 {strides = array<i32>} : memref<80x128xf32, #tpu.memory_space<vmem>>, vector<1x16xf32>,
    }
    %scan3A_6 = arith.constant 80 : i32
    %scan3A_7 = arith.constant 0 : i32
    %scan3A_8 = arith.constant 8 : i32
    %scan3A_9 = arith.addi %scan3A_7, %scan3A_8 : i32
    %scan3A_10 = arith.constant 1 : i32
    scf.for %scan3A_67 = %scan3A_7 to %scan3A_9 step %scan3A_10  : i32 {
      %mul3A_68 = arith.constant 1 : i32
      %mul3A_69 = arith.muli %scan3A_67, %mul3A_68 : i32
      %add3A_70 = arith.constant 0 : i32
      %add3A_71 = arith.addi %add3A_70, %mul3A_69 : i32
      %mul3A_72 = arith.constant 16 : i32
      %mul3A_73 = arith.muli %add3A_71, %mul3A_72 : i32
      %add3A_74 = arith.addi %mul3A_73, %arg1 : i32
      %lt3A = arith.constant 125 : i32
      %lt3A_75 = arith.cmpi slt, %add3A_74, %lt3A : i32
      %convert_element_type3A = arith.extui %lt3A_75 : i1 to i32
      %cond3A = arith.constant 0 : i32
      %cond3A_76 = arith.cmpi ne, %convert_element_type3A, %cond3A : i32
      scf.if %cond3A_76 {
        %mul3A_77 = arith.constant 80 : i32
        %mul3A_78 = arith.muli %add3A_74, %mul3A_77 : i32
        %dma_start3A_79 = arith.constant 0 : i32
        %dma_start3A_80 = tpu.memref_slice %arg13[%mul3A_78, %dma_start3A_79] : memref<10000x128xf32, #tpu.memory_space<vmem_shared>> -> memref<80x128xf32, #tpu.memory_space<vmem_shared>>
        %dma_start3A_81 = arith.constant 0 : i32
        %dma_start3A_82 = tpu.memref_slice %arg13[%mul3A_78, %dma_start3A_81] : memref<10000x128xf32, #tpu.memory_space<vmem_shared>> -> memref<80x128xf32, #tpu.memory_space<vmem_shared>>
        tpu.enqueue_dma source(%arg10 : memref<80x128xf32, #tpu.memory_space<vmem>>) target(%dma_start3A_82 : memref<80x128xf32, #tpu.memory_space<vmem_shared>>) target_semaphore(%arg17 : memref<!tpu.dma_semaphore, #tpu.memory_space<semaphore_mem>>)
      } else {
      }
    }
    %scan3A_11 = arith.constant 8 : i32
    %scan3A_12 = arith.constant 0 : i32
    %scan3A_13 = arith.constant 8 : i32
    %scan3A_14 = arith.addi %scan3A_12, %scan3A_13 : i32
    %scan3A_15 = arith.constant 1 : i32
    scf.for %scan3A_67 = %scan3A_12 to %scan3A_14 step %scan3A_15  : i32 {
      %mul3A_68 = arith.constant 1 : i32
      %mul3A_69 = arith.muli %scan3A_67, %mul3A_68 : i32
      %add3A_70 = arith.constant 0 : i32
      %add3A_71 = arith.addi %add3A_70, %mul3A_69 : i32
      %mul3A_72 = arith.constant 16 : i32
      %mul3A_73 = arith.muli %add3A_71, %mul3A_72 : i32
      %add3A_74 = arith.addi %mul3A_73, %arg1 : i32
      %lt3A = arith.constant 125 : i32
      %lt3A_75 = arith.cmpi slt, %add3A_74, %lt3A : i32
      %convert_element_type3A = arith.extui %lt3A_75 : i1 to i32
      %cond3A = arith.constant 0 : i32
      %cond3A_76 = arith.cmpi ne, %convert_element_type3A, %cond3A : i32
      scf.if %cond3A_76 {
        %mul3A_77 = arith.constant 80 : i32
        %mul3A_78 = arith.muli %add3A_74, %mul3A_77 : i32
        %dma_wait3A_79 = arith.constant 0 : i32
        %dma_wait3A_80 = tpu.memref_slice %arg13[%mul3A_78, %dma_wait3A_79] : memref<10000x128xf32, #tpu.memory_space<vmem_shared>> -> memref<80x128xf32, #tpu.memory_space<vmem_shared>>
        %dma_wait3A_81 = arith.constant 0 : i32
        %dma_wait3A_82 = tpu.memref_slice %arg13[%mul3A_78, %dma_wait3A_81] : memref<10000x128xf32, #tpu.memory_space<vmem_shared>> -> memref<80x128xf32, #tpu.memory_space<vmem_shared>>
        tpu.wait_dma2 semaphore(%arg17 : memref<!tpu.dma_semaphore, #tpu.memory_space<semaphore_mem>>) src(%arg10 : memref<80x128xf32, #tpu.memory_space<vmem>>) dst(%dma_wait3A_82 : memref<80x128xf32, #tpu.memory_space<vmem_shared>>)
      } else {
      }
    }
    %scan3A_16 = arith.constant 8 : i32
    %add3A_17 = arith.constant 0 : i32
    %add3A_18 = arith.addi %mul3A_2, %add3A_17 : i32
    %dma_start3A = tpu.memref_slice %arg4[%add3A_18] : memref<320000xi32, #tpu.memory_space<hbm>> -> memref<80xi32, #tpu.memory_space<hbm>>
    %dma_start3A_19 = tpu.memref_slice %arg4[%add3A_18] : memref<320000xi32, #tpu.memory_space<hbm>> -> memref<80xi32, #tpu.memory_space<hbm>>
    tpu.enqueue_dma source(%dma_start3A_19 : memref<80xi32, #tpu.memory_space<hbm>>) target(%arg7 : memref<80xi32, #tpu.memory_space<vmem>>) target_semaphore(%arg14 : memref<!tpu.dma_semaphore, #tpu.memory_space<semaphore_mem>>)
    %dma_start3A_20 = arith.constant 0 : i32
    %dma_start3A_21 = tpu.memref_slice %arg6[%dma_start3A_20] : memref<10000xi32, #tpu.memory_space<vmem>> -> memref<80xi32, #tpu.memory_space<vmem>>
    %dma_start3A_22 = arith.constant 0 : i32
    %dma_start3A_23 = arith.constant 0 : i32
    %dma_start3A_24 = tpu.memref_slice %arg2[%dma_start3A_22, %dma_start3A_23] : memref<10000x128xf32, #tpu.memory_space<hbm>> -> memref<10000x128xf32, #tpu.memory_space<hbm>>
    tpu.enqueue_indirect_dma source(%dma_start3A_24 : memref<10000x128xf32, #tpu.memory_space<hbm>>) target(%arg10 : memref<80x128xf32, #tpu.memory_space<vmem>>) offsets(%dma_start3A_21 : memref<80xi32, #tpu.memory_space<vmem>>) semaphore(%arg17 : memref<!tpu.dma_semaphore, #tpu.memory_space<semaphore_mem>>)
    %add3A_25 = arith.constant 80 : i32
    %add3A_26 = arith.addi %mul3A_2, %add3A_25 : i32
    %dma_start3A_27 = tpu.memref_slice %arg4[%add3A_26] : memref<320000xi32, #tpu.memory_space<hbm>> -> memref<80xi32, #tpu.memory_space<hbm>>
    %dma_start3A_28 = tpu.memref_slice %arg4[%add3A_26] : memref<320000xi32, #tpu.memory_space<hbm>> -> memref<80xi32, #tpu.memory_space<hbm>>
    tpu.enqueue_dma source(%dma_start3A_28 : memref<80xi32, #tpu.memory_space<hbm>>) target(%arg8 : memref<80xi32, #tpu.memory_space<vmem>>) target_semaphore(%arg15 : memref<!tpu.dma_semaphore, #tpu.memory_space<semaphore_mem>>)
    %dma_start3A_29 = arith.constant 80 : i32
    %dma_start3A_30 = tpu.memref_slice %arg6[%dma_start3A_29] : memref<10000xi32, #tpu.memory_space<vmem>> -> memref<80xi32, #tpu.memory_space<vmem>>
    %dma_start3A_31 = arith.constant 0 : i32
    %dma_start3A_32 = arith.constant 0 : i32
    %dma_start3A_33 = tpu.memref_slice %arg2[%dma_start3A_31, %dma_start3A_32] : memref<10000x128xf32, #tpu.memory_space<hbm>> -> memref<10000x128xf32, #tpu.memory_space<hbm>>
    tpu.enqueue_indirect_dma source(%dma_start3A_33 : memref<10000x128xf32, #tpu.memory_space<hbm>>) target(%arg11 : memref<80x128xf32, #tpu.memory_space<vmem>>) offsets(%dma_start3A_30 : memref<80xi32, #tpu.memory_space<vmem>>) semaphore(%arg18 : memref<!tpu.dma_semaphore, #tpu.memory_space<semaphore_mem>>)
    %add3A_34 = arith.constant 160 : i32
    %add3A_35 = arith.addi %mul3A_2, %add3A_34 : i32
    %dma_start3A_36 = tpu.memref_slice %arg4[%add3A_35] : memref<320000xi32, #tpu.memory_space<hbm>> -> memref<80xi32, #tpu.memory_space<hbm>>
    %dma_start3A_37 = tpu.memref_slice %arg4[%add3A_35] : memref<320000xi32, #tpu.memory_space<hbm>> -> memref<80xi32, #tpu.memory_space<hbm>>
    tpu.enqueue_dma source(%dma_start3A_37 : memref<80xi32, #tpu.memory_space<hbm>>) target(%arg9 : memref<80xi32, #tpu.memory_space<vmem>>) target_semaphore(%arg16 : memref<!tpu.dma_semaphore, #tpu.memory_space<semaphore_mem>>)
    %dma_start3A_38 = arith.constant 160 : i32
    %dma_start3A_39 = tpu.memref_slice %arg6[%dma_start3A_38] : memref<10000xi32, #tpu.memory_space<vmem>> -> memref<80xi32, #tpu.memory_space<vmem>>
    %dma_start3A_40 = arith.constant 0 : i32
    %dma_start3A_41 = arith.constant 0 : i32
    %dma_start3A_42 = tpu.memref_slice %arg2[%dma_start3A_40, %dma_start3A_41] : memref<10000x128xf32, #tpu.memory_space<hbm>> -> memref<10000x128xf32, #tpu.memory_space<hbm>>
    tpu.enqueue_indirect_dma source(%dma_start3A_42 : memref<10000x128xf32, #tpu.memory_space<hbm>>) target(%arg12 : memref<80x128xf32, #tpu.memory_space<vmem>>) offsets(%dma_start3A_39 : memref<80xi32, #tpu.memory_space<vmem>>) semaphore(%arg19 : memref<!tpu.dma_semaphore, #tpu.memory_space<semaphore_mem>>)
    %barrier3A = arith.constant 0 : index
    tpu.barrier barrier_id(%barrier3A)
    %scan3A_43 = arith.constant 0 : i32
    %scan3A_44 = arith.constant 42 : i32
    %scan3A_45 = arith.addi %scan3A_43, %scan3A_44 : i32
    %scan3A_46 = arith.constant 1 : i32
    scf.for %scan3A_67 = %scan3A_43 to %scan3A_45 step %scan3A_46  : i32 {
      %mul3A_68 = arith.constant 3 : i32
      %mul3A_69 = arith.muli %scan3A_67, %mul3A_68 : i32
      %add3A_70 = arith.constant 0 : i32
      %add3A_71 = arith.addi %add3A_70, %mul3A_69 : i32
      %add3A_72 = arith.constant 0 : i32
      %add3A_73 = arith.addi %add3A_71, %add3A_72 : i32
      %lt3A = arith.constant 125 : i32
      %lt3A_74 = arith.cmpi slt, %add3A_73, %lt3A : i32
      %convert_element_type3A = arith.extui %lt3A_74 : i1 to i32
      %cond3A = arith.constant 0 : i32
      %cond3A_75 = arith.cmpi ne, %convert_element_type3A, %cond3A : i32
      scf.if %cond3A_75 {
        %dma_wait3A_90 = tpu.memref_slice %arg4[%mul3A_2] : memref<320000xi32, #tpu.memory_space<hbm>> -> memref<80xi32, #tpu.memory_space<hbm>>
        %dma_wait3A_91 = tpu.memref_slice %arg4[%mul3A_2] : memref<320000xi32, #tpu.memory_space<hbm>> -> memref<80xi32, #tpu.memory_space<hbm>>
        tpu.wait_dma2 semaphore(%arg14 : memref<!tpu.dma_semaphore, #tpu.memory_space<semaphore_mem>>) src(%dma_wait3A_91 : memref<80xi32, #tpu.memory_space<hbm>>) dst(%arg7 : memref<80xi32, #tpu.memory_space<vmem>>)
        %dma_wait3A_92 = arith.constant 0 : i32
        %dma_wait3A_93 = tpu.memref_slice %arg6[%dma_wait3A_92] : memref<10000xi32, #tpu.memory_space<vmem>> -> memref<80xi32, #tpu.memory_space<vmem>>
        %dma_wait3A_94 = arith.constant 0 : i32
        %dma_wait3A_95 = arith.constant 0 : i32
        %dma_wait3A_96 = tpu.memref_slice %arg2[%dma_wait3A_94, %dma_wait3A_95] : memref<10000x128xf32, #tpu.memory_space<hbm>> -> memref<10000x128xf32, #tpu.memory_space<hbm>>
        tpu.wait_indirect_dma semaphore(%arg17 : memref<!tpu.dma_semaphore, #tpu.memory_space<semaphore_mem>>) src(%dma_wait3A_96 : memref<10000x128xf32, #tpu.memory_space<hbm>>) dst(%arg10 : memref<80x128xf32, #tpu.memory_space<vmem>>)
        %dma_start3A_97 = arith.constant 0 : i32
        %dma_start3A_98 = arith.constant 0 : i32
        %dma_start3A_99 = tpu.memref_slice %arg13[%dma_start3A_97, %dma_start3A_98] : memref<10000x128xf32, #tpu.memory_space<vmem_shared>> -> memref<10000x128xf32, #tpu.memory_space<vmem_shared>>
        tpu.enqueue_indirect_dma source(%arg10 : memref<80x128xf32, #tpu.memory_space<vmem>>) target(%dma_start3A_99 : memref<10000x128xf32, #tpu.memory_space<vmem_shared>>) offsets(%arg7 : memref<80xi32, #tpu.memory_space<vmem>>) semaphore(%arg20 : memref<!tpu.dma_semaphore, #tpu.memory_space<semaphore_mem>>) {add = true}
        %add3A_100 = arith.constant 3 : i32
        %add3A_101 = arith.addi %add3A_73, %add3A_100 : i32
        %lt3A_102 = arith.constant 125 : i32
        %lt3A_103 = arith.cmpi slt, %add3A_101, %lt3A_102 : i32
        %convert_element_type3A_104 = arith.extui %lt3A_103 : i1 to i32
        %cond3A_105 = arith.constant 0 : i32
        %cond3A_106 = arith.cmpi ne, %convert_element_type3A_104, %cond3A_105 : i32
        scf.if %cond3A_106 {
          %add3A_107 = arith.constant 3 : i32
          %add3A_108 = arith.addi %add3A_73, %add3A_107 : i32
          %dma_wait3A_109 = arith.constant 0 : i32
          %dma_wait3A_110 = arith.constant 0 : i32
          %dma_wait3A_111 = tpu.memref_slice %arg13[%dma_wait3A_109, %dma_wait3A_110] : memref<10000x128xf32, #tpu.memory_space<vmem_shared>> -> memref<10000x128xf32, #tpu.memory_space<vmem_shared>>
          tpu.wait_indirect_dma semaphore(%arg20 : memref<!tpu.dma_semaphore, #tpu.memory_space<semaphore_mem>>) src(%arg10 : memref<80x128xf32, #tpu.memory_space<vmem>>) dst(%dma_wait3A_111 : memref<10000x128xf32, #tpu.memory_space<vmem_shared>>)
          %mul3A_112 = arith.constant 80 : i32
          %mul3A_113 = arith.muli %add3A_108, %mul3A_112 : i32
          %add3A_114 = arith.addi %mul3A_2, %mul3A_113 : i32
          %dma_start3A_115 = tpu.memref_slice %arg4[%add3A_114] : memref<320000xi32, #tpu.memory_space<hbm>> -> memref<80xi32, #tpu.memory_space<hbm>>
          %dma_start3A_116 = tpu.memref_slice %arg4[%add3A_114] : memref<320000xi32, #tpu.memory_space<hbm>> -> memref<80xi32, #tpu.memory_space<hbm>>
          tpu.enqueue_dma source(%dma_start3A_116 : memref<80xi32, #tpu.memory_space<hbm>>) target(%arg7 : memref<80xi32, #tpu.memory_space<vmem>>) target_semaphore(%arg14 : memref<!tpu.dma_semaphore, #tpu.memory_space<semaphore_mem>>)
          %mul3A_117 = arith.constant 80 : i32
          %mul3A_118 = arith.muli %add3A_108, %mul3A_117 : i32
          %dma_start3A_119 = tpu.memref_slice %arg6[%mul3A_118] : memref<10000xi32, #tpu.memory_space<vmem>> -> memref<80xi32, #tpu.memory_space<vmem>>
          %dma_start3A_120 = arith.constant 0 : i32
          %dma_start3A_121 = arith.constant 0 : i32
          %dma_start3A_122 = tpu.memref_slice %arg2[%dma_start3A_120, %dma_start3A_121] : memref<10000x128xf32, #tpu.memory_space<hbm>> -> memref<10000x128xf32, #tpu.memory_space<hbm>>
          tpu.enqueue_indirect_dma source(%dma_start3A_122 : memref<10000x128xf32, #tpu.memory_space<hbm>>) target(%arg10 : memref<80x128xf32, #tpu.memory_space<vmem>>) offsets(%dma_start3A_119 : memref<80xi32, #tpu.memory_space<vmem>>) semaphore(%arg17 : memref<!tpu.dma_semaphore, #tpu.memory_space<semaphore_mem>>)
        } else {
        }
      } else {
      }
      %add3A_76 = arith.constant 1 : i32
      %add3A_77 = arith.addi %add3A_71, %add3A_76 : i32
      %lt3A_78 = arith.constant 125 : i32
      %lt3A_79 = arith.cmpi slt, %add3A_77, %lt3A_78 : i32
      %convert_element_type3A_80 = arith.extui %lt3A_79 : i1 to i32
      %cond3A_81 = arith.constant 0 : i32
      %cond3A_82 = arith.cmpi ne, %convert_element_type3A_80, %cond3A_81 : i32
      scf.if %cond3A_82 {
        %dma_wait3A_90 = tpu.memref_slice %arg4[%mul3A_2] : memref<320000xi32, #tpu.memory_space<hbm>> -> memref<80xi32, #tpu.memory_space<hbm>>
        %dma_wait3A_91 = tpu.memref_slice %arg4[%mul3A_2] : memref<320000xi32, #tpu.memory_space<hbm>> -> memref<80xi32, #tpu.memory_space<hbm>>
        tpu.wait_dma2 semaphore(%arg15 : memref<!tpu.dma_semaphore, #tpu.memory_space<semaphore_mem>>) src(%dma_wait3A_91 : memref<80xi32, #tpu.memory_space<hbm>>) dst(%arg8 : memref<80xi32, #tpu.memory_space<vmem>>)
        %dma_wait3A_92 = arith.constant 0 : i32
        %dma_wait3A_93 = tpu.memref_slice %arg6[%dma_wait3A_92] : memref<10000xi32, #tpu.memory_space<vmem>> -> memref<80xi32, #tpu.memory_space<vmem>>
        %dma_wait3A_94 = arith.constant 0 : i32
        %dma_wait3A_95 = arith.constant 0 : i32
        %dma_wait3A_96 = tpu.memref_slice %arg2[%dma_wait3A_94, %dma_wait3A_95] : memref<10000x128xf32, #tpu.memory_space<hbm>> -> memref<10000x128xf32, #tpu.memory_space<hbm>>
        tpu.wait_indirect_dma semaphore(%arg18 : memref<!tpu.dma_semaphore, #tpu.memory_space<semaphore_mem>>) src(%dma_wait3A_96 : memref<10000x128xf32, #tpu.memory_space<hbm>>) dst(%arg11 : memref<80x128xf32, #tpu.memory_space<vmem>>)
        %dma_start3A_97 = arith.constant 0 : i32
        %dma_start3A_98 = arith.constant 0 : i32
        %dma_start3A_99 = tpu.memref_slice %arg13[%dma_start3A_97, %dma_start3A_98] : memref<10000x128xf32, #tpu.memory_space<vmem_shared>> -> memref<10000x128xf32, #tpu.memory_space<vmem_shared>>
        tpu.enqueue_indirect_dma source(%arg11 : memref<80x128xf32, #tpu.memory_space<vmem>>) target(%dma_start3A_99 : memref<10000x128xf32, #tpu.memory_space<vmem_shared>>) offsets(%arg8 : memref<80xi32, #tpu.memory_space<vmem>>) semaphore(%arg21 : memref<!tpu.dma_semaphore, #tpu.memory_space<semaphore_mem>>) {add = true}
        %add3A_100 = arith.constant 3 : i32
        %add3A_101 = arith.addi %add3A_77, %add3A_100 : i32
        %lt3A_102 = arith.constant 125 : i32
        %lt3A_103 = arith.cmpi slt, %add3A_101, %lt3A_102 : i32
        %convert_element_type3A_104 = arith.extui %lt3A_103 : i1 to i32
        %cond3A_105 = arith.constant 0 : i32
        %cond3A_106 = arith.cmpi ne, %convert_element_type3A_104, %cond3A_105 : i32
        scf.if %cond3A_106 {
          %add3A_107 = arith.constant 3 : i32
          %add3A_108 = arith.addi %add3A_77, %add3A_107 : i32
          %dma_wait3A_109 = arith.constant 0 : i32
          %dma_wait3A_110 = arith.constant 0 : i32
          %dma_wait3A_111 = tpu.memref_slice %arg13[%dma_wait3A_109, %dma_wait3A_110] : memref<10000x128xf32, #tpu.memory_space<vmem_shared>> -> memref<10000x128xf32, #tpu.memory_space<vmem_shared>>
          tpu.wait_indirect_dma semaphore(%arg21 : memref<!tpu.dma_semaphore, #tpu.memory_space<semaphore_mem>>) src(%arg11 : memref<80x128xf32, #tpu.memory_space<vmem>>) dst(%dma_wait3A_111 : memref<10000x128xf32, #tpu.memory_space<vmem_shared>>)
          %mul3A_112 = arith.constant 80 : i32
          %mul3A_113 = arith.muli %add3A_108, %mul3A_112 : i32
          %add3A_114 = arith.addi %mul3A_2, %mul3A_113 : i32
          %dma_start3A_115 = tpu.memref_slice %arg4[%add3A_114] : memref<320000xi32, #tpu.memory_space<hbm>> -> memref<80xi32, #tpu.memory_space<hbm>>
          %dma_start3A_116 = tpu.memref_slice %arg4[%add3A_114] : memref<320000xi32, #tpu.memory_space<hbm>> -> memref<80xi32, #tpu.memory_space<hbm>>
          tpu.enqueue_dma source(%dma_start3A_116 : memref<80xi32, #tpu.memory_space<hbm>>) target(%arg8 : memref<80xi32, #tpu.memory_space<vmem>>) target_semaphore(%arg15 : memref<!tpu.dma_semaphore, #tpu.memory_space<semaphore_mem>>)
          %mul3A_117 = arith.constant 80 : i32
          %mul3A_118 = arith.muli %add3A_108, %mul3A_117 : i32
          %dma_start3A_119 = tpu.memref_slice %arg6[%mul3A_118] : memref<10000xi32, #tpu.memory_space<vmem>> -> memref<80xi32, #tpu.memory_space<vmem>>
          %dma_start3A_120 = arith.constant 0 : i32
          %dma_start3A_121 = arith.constant 0 : i32
          %dma_start3A_122 = tpu.memref_slice %arg2[%dma_start3A_120, %dma_start3A_121] : memref<10000x128xf32, #tpu.memory_space<hbm>> -> memref<10000x128xf32, #tpu.memory_space<hbm>>
          tpu.enqueue_indirect_dma source(%dma_start3A_122 : memref<10000x128xf32, #tpu.memory_space<hbm>>) target(%arg11 : memref<80x128xf32, #tpu.memory_space<vmem>>) offsets(%dma_start3A_119 : memref<80xi32, #tpu.memory_space<vmem>>) semaphore(%arg18 : memref<!tpu.dma_semaphore, #tpu.memory_space<semaphore_mem>>)
        } else {
        }
      } else {
      }
      %add3A_83 = arith.constant 2 : i32
      %add3A_84 = arith.addi %add3A_71, %add3A_83 : i32
      %lt3A_85 = arith.constant 125 : i32
      %lt3A_86 = arith.cmpi slt, %add3A_84, %lt3A_85 : i32
      %convert_element_type3A_87 = arith.extui %lt3A_86 : i1 to i32
      %cond3A_88 = arith.constant 0 : i32
      %cond3A_89 = arith.cmpi ne, %convert_element_type3A_87, %cond3A_88 : i32
      scf.if %cond3A_89 {
        %dma_wait3A_90 = tpu.memref_slice %arg4[%mul3A_2] : memref<320000xi32, #tpu.memory_space<hbm>> -> memref<80xi32, #tpu.memory_space<hbm>>
        %dma_wait3A_91 = tpu.memref_slice %arg4[%mul3A_2] : memref<320000xi32, #tpu.memory_space<hbm>> -> memref<80xi32, #tpu.memory_space<hbm>>
        tpu.wait_dma2 semaphore(%arg16 : memref<!tpu.dma_semaphore, #tpu.memory_space<semaphore_mem>>) src(%dma_wait3A_91 : memref<80xi32, #tpu.memory_space<hbm>>) dst(%arg9 : memref<80xi32, #tpu.memory_space<vmem>>)
        %dma_wait3A_92 = arith.constant 0 : i32
        %dma_wait3A_93 = tpu.memref_slice %arg6[%dma_wait3A_92] : memref<10000xi32, #tpu.memory_space<vmem>> -> memref<80xi32, #tpu.memory_space<vmem>>
        %dma_wait3A_94 = arith.constant 0 : i32
        %dma_wait3A_95 = arith.constant 0 : i32
        %dma_wait3A_96 = tpu.memref_slice %arg2[%dma_wait3A_94, %dma_wait3A_95] : memref<10000x128xf32, #tpu.memory_space<hbm>> -> memref<10000x128xf32, #tpu.memory_space<hbm>>
        tpu.wait_indirect_dma semaphore(%arg19 : memref<!tpu.dma_semaphore, #tpu.memory_space<semaphore_mem>>) src(%dma_wait3A_96 : memref<10000x128xf32, #tpu.memory_space<hbm>>) dst(%arg12 : memref<80x128xf32, #tpu.memory_space<vmem>>)
        %dma_start3A_97 = arith.constant 0 : i32
        %dma_start3A_98 = arith.constant 0 : i32
        %dma_start3A_99 = tpu.memref_slice %arg13[%dma_start3A_97, %dma_start3A_98] : memref<10000x128xf32, #tpu.memory_space<vmem_shared>> -> memref<10000x128xf32, #tpu.memory_space<vmem_shared>>
        tpu.enqueue_indirect_dma source(%arg12 : memref<80x128xf32, #tpu.memory_space<vmem>>) target(%dma_start3A_99 : memref<10000x128xf32, #tpu.memory_space<vmem_shared>>) offsets(%arg9 : memref<80xi32, #tpu.memory_space<vmem>>) semaphore(%arg22 : memref<!tpu.dma_semaphore, #tpu.memory_space<semaphore_mem>>) {add = true}
        %add3A_100 = arith.constant 3 : i32
        %add3A_101 = arith.addi %add3A_84, %add3A_100 : i32
        %lt3A_102 = arith.constant 125 : i32
        %lt3A_103 = arith.cmpi slt, %add3A_101, %lt3A_102 : i32
        %convert_element_type3A_104 = arith.extui %lt3A_103 : i1 to i32
        %cond3A_105 = arith.constant 0 : i32
        %cond3A_106 = arith.cmpi ne, %convert_element_type3A_104, %cond3A_105 : i32
        scf.if %cond3A_106 {
          %add3A_107 = arith.constant 3 : i32
          %add3A_108 = arith.addi %add3A_84, %add3A_107 : i32
          %dma_wait3A_109 = arith.constant 0 : i32
          %dma_wait3A_110 = arith.constant 0 : i32
          %dma_wait3A_111 = tpu.memref_slice %arg13[%dma_wait3A_109, %dma_wait3A_110] : memref<10000x128xf32, #tpu.memory_space<vmem_shared>> -> memref<10000x128xf32, #tpu.memory_space<vmem_shared>>
          tpu.wait_indirect_dma semaphore(%arg22 : memref<!tpu.dma_semaphore, #tpu.memory_space<semaphore_mem>>) src(%arg12 : memref<80x128xf32, #tpu.memory_space<vmem>>) dst(%dma_wait3A_111 : memref<10000x128xf32, #tpu.memory_space<vmem_shared>>)
          %mul3A_112 = arith.constant 80 : i32
          %mul3A_113 = arith.muli %add3A_108, %mul3A_112 : i32
          %add3A_114 = arith.addi %mul3A_2, %mul3A_113 : i32
          %dma_start3A_115 = tpu.memref_slice %arg4[%add3A_114] : memref<320000xi32, #tpu.memory_space<hbm>> -> memref<80xi32, #tpu.memory_space<hbm>>
          %dma_start3A_116 = tpu.memref_slice %arg4[%add3A_114] : memref<320000xi32, #tpu.memory_space<hbm>> -> memref<80xi32, #tpu.memory_space<hbm>>
          tpu.enqueue_dma source(%dma_start3A_116 : memref<80xi32, #tpu.memory_space<hbm>>) target(%arg9 : memref<80xi32, #tpu.memory_space<vmem>>) target_semaphore(%arg16 : memref<!tpu.dma_semaphore, #tpu.memory_space<semaphore_mem>>)
          %mul3A_117 = arith.constant 80 : i32
          %mul3A_118 = arith.muli %add3A_108, %mul3A_117 : i32
          %dma_start3A_119 = tpu.memref_slice %arg6[%mul3A_118] : memref<10000xi32, #tpu.memory_space<vmem>> -> memref<80xi32, #tpu.memory_space<vmem>>
          %dma_start3A_120 = arith.constant 0 : i32
          %dma_start3A_121 = arith.constant 0 : i32
          %dma_start3A_122 = tpu.memref_slice %arg2[%dma_start3A_120, %dma_start3A_121] : memref<10000x128xf32, #tpu.memory_space<hbm>> -> memref<10000x128xf32, #tpu.memory_space<hbm>>
          tpu.enqueue_indirect_dma source(%dma_start3A_122 : memref<10000x128xf32, #tpu.memory_space<hbm>>) target(%arg12 : memref<80x128xf32, #tpu.memory_space<vmem>>) offsets(%dma_start3A_119 : memref<80xi32, #tpu.memory_space<vmem>>) semaphore(%arg19 : memref<!tpu.dma_semaphore, #tpu.memory_space<semaphore_mem>>)
        } else {
        }
      } else {
      }
    }
    %scan3A_47 = arith.constant 42 : i32
    %dma_wait3A = arith.constant 0 : i32
    %dma_wait3A_48 = arith.constant 0 : i32
    %dma_wait3A_49 = tpu.memref_slice %arg13[%dma_wait3A, %dma_wait3A_48] : memref<10000x128xf32, #tpu.memory_space<vmem_shared>> -> memref<10000x128xf32, #tpu.memory_space<vmem_shared>>
    tpu.wait_indirect_dma semaphore(%arg20 : memref<!tpu.dma_semaphore, #tpu.memory_space<semaphore_mem>>) src(%arg10 : memref<80x128xf32, #tpu.memory_space<vmem>>) dst(%dma_wait3A_49 : memref<10000x128xf32, #tpu.memory_space<vmem_shared>>)
    %dma_wait3A_50 = arith.constant 0 : i32
    %dma_wait3A_51 = arith.constant 0 : i32
    %dma_wait3A_52 = tpu.memref_slice %arg13[%dma_wait3A_50, %dma_wait3A_51] : memref<10000x128xf32, #tpu.memory_space<vmem_shared>> -> memref<10000x128xf32, #tpu.memory_space<vmem_shared>>
    tpu.wait_indirect_dma semaphore(%arg21 : memref<!tpu.dma_semaphore, #tpu.memory_space<semaphore_mem>>) src(%arg11 : memref<80x128xf32, #tpu.memory_space<vmem>>) dst(%dma_wait3A_52 : memref<10000x128xf32, #tpu.memory_space<vmem_shared>>)
    %dma_wait3A_53 = arith.constant 0 : i32
    %dma_wait3A_54 = arith.constant 0 : i32
    %dma_wait3A_55 = tpu.memref_slice %arg13[%dma_wait3A_53, %dma_wait3A_54] : memref<10000x128xf32, #tpu.memory_space<vmem_shared>> -> memref<10000x128xf32, #tpu.memory_space<vmem_shared>>
    tpu.wait_indirect_dma semaphore(%arg22 : memref<!tpu.dma_semaphore, #tpu.memory_space<semaphore_mem>>) src(%arg12 : memref<80x128xf32, #tpu.memory_space<vmem>>) dst(%dma_wait3A_55 : memref<10000x128xf32, #tpu.memory_space<vmem_shared>>)
    %barrier3A_56 = arith.constant 0 : index
    tpu.barrier barrier_id(%barrier3A_56)
    %scan3A_57 = arith.constant 0 : i32
    %scan3A_58 = arith.constant 8 : i32
    %scan3A_59 = arith.addi %scan3A_57, %scan3A_58 : i32
    %scan3A_60 = arith.constant 1 : i32
    scf.for %scan3A_67 = %scan3A_57 to %scan3A_59 step %scan3A_60  : i32 {
      %mul3A_68 = arith.constant 1 : i32
      %mul3A_69 = arith.muli %scan3A_67, %mul3A_68 : i32
      %add3A_70 = arith.constant 0 : i32
      %add3A_71 = arith.addi %add3A_70, %mul3A_69 : i32
      %mul3A_72 = arith.constant 16 : i32
      %mul3A_73 = arith.muli %add3A_71, %mul3A_72 : i32
      %add3A_74 = arith.addi %mul3A_73, %arg1 : i32
      %lt3A = arith.constant 125 : i32
      %lt3A_75 = arith.cmpi slt, %add3A_74, %lt3A : i32
      %convert_element_type3A = arith.extui %lt3A_75 : i1 to i32
      %cond3A = arith.constant 0 : i32
      %cond3A_76 = arith.cmpi ne, %convert_element_type3A, %cond3A : i32
      scf.if %cond3A_76 {
        %mul3A_77 = arith.constant 80 : i32
        %mul3A_78 = arith.muli %add3A_74, %mul3A_77 : i32
        %mul3A_79 = arith.constant 10000 : i32
        %mul3A_80 = arith.muli %arg0, %mul3A_79 : i32
        %mul3A_81 = arith.constant 80 : i32
        %mul3A_82 = arith.muli %add3A_74, %mul3A_81 : i32
        %add3A_83 = arith.addi %mul3A_80, %mul3A_82 : i32
        %dma_start3A_84 = arith.constant 0 : i32
        %dma_start3A_85 = tpu.memref_slice %arg5[%add3A_83, %dma_start3A_84] : memref<20000x128xf32, #tpu.memory_space<hbm>> -> memref<80x128xf32, #tpu.memory_space<hbm>>
        %dma_start3A_86 = arith.constant 0 : i32
        %dma_start3A_87 = tpu.memref_slice %arg13[%mul3A_78, %dma_start3A_86] : memref<10000x128xf32, #tpu.memory_space<vmem_shared>> -> memref<80x128xf32, #tpu.memory_space<vmem_shared>>
        tpu.enqueue_dma source(%dma_start3A_87 : memref<80x128xf32, #tpu.memory_space<vmem_shared>>) target(%dma_start3A_85 : memref<80x128xf32, #tpu.memory_space<hbm>>) target_semaphore(%arg17 : memref<!tpu.dma_semaphore, #tpu.memory_space<semaphore_mem>>)
      } else {
      }
    }
    %scan3A_61 = arith.constant 8 : i32
    %scan3A_62 = arith.constant 0 : i32
    %scan3A_63 = arith.constant 8 : i32
    %scan3A_64 = arith.addi %scan3A_62, %scan3A_63 : i32
    %scan3A_65 = arith.constant 1 : i32
    scf.for %scan3A_67 = %scan3A_62 to %scan3A_64 step %scan3A_65  : i32 {
      %mul3A_68 = arith.constant 1 : i32
      %mul3A_69 = arith.muli %scan3A_67, %mul3A_68 : i32
      %add3A_70 = arith.constant 0 : i32
      %add3A_71 = arith.addi %add3A_70, %mul3A_69 : i32
      %mul3A_72 = arith.constant 16 : i32
      %mul3A_73 = arith.muli %add3A_71, %mul3A_72 : i32
      %add3A_74 = arith.addi %mul3A_73, %arg1 : i32
      %lt3A = arith.constant 125 : i32
      %lt3A_75 = arith.cmpi slt, %add3A_74, %lt3A : i32
      %convert_element_type3A = arith.extui %lt3A_75 : i1 to i32
      %cond3A = arith.constant 0 : i32
      %cond3A_76 = arith.cmpi ne, %convert_element_type3A, %cond3A : i32
      scf.if %cond3A_76 {
        %mul3A_77 = arith.constant 80 : i32
        %mul3A_78 = arith.muli %add3A_74, %mul3A_77 : i32
        %mul3A_79 = arith.constant 10000 : i32
        %mul3A_80 = arith.muli %arg0, %mul3A_79 : i32
        %mul3A_81 = arith.constant 80 : i32
        %mul3A_82 = arith.muli %add3A_74, %mul3A_81 : i32
        %add3A_83 = arith.addi %mul3A_80, %mul3A_82 : i32
        %dma_wait3A_84 = arith.constant 0 : i32
        %dma_wait3A_85 = tpu.memref_slice %arg5[%add3A_83, %dma_wait3A_84] : memref<20000x128xf32, #tpu.memory_space<hbm>> -> memref<80x128xf32, #tpu.memory_space<hbm>>
        %dma_wait3A_86 = arith.constant 0 : i32
        %dma_wait3A_87 = tpu.memref_slice %arg13[%mul3A_78, %dma_wait3A_86] : memref<10000x128xf32, #tpu.memory_space<vmem_shared>> -> memref<80x128xf32, #tpu.memory_space<vmem_shared>>
        tpu.wait_dma2 semaphore(%arg17 : memref<!tpu.dma_semaphore, #tpu.memory_space<semaphore_mem>>) src(%dma_wait3A_87 : memref<80x128xf32, #tpu.memory_space<vmem_shared>>) dst(%dma_wait3A_85 : memref<80x128xf32, #tpu.memory_space<hbm>>)
      } else {
      }
    }
    %scan3A_66 = arith.constant 8 : i32
    return
  }
}

module attributes {stable_mosaic.version = 14 : i64} {
  func.func @_mm1_body(%arg0: memref<2x10000xf32, #tpu.memory_space<vmem>>, %arg1: memref<10000x128xf32, #tpu.memory_space<vmem>>, %arg2: memref<128x128xf32, #tpu.memory_space<vmem>>, %arg3: memref<10000x128xf32, #tpu.memory_space<vmem>>) attributes {dimension_semantics = [], scalar_prefetch = 0 : i64, scratch_operands = 0 : i64, tpu.core_type = #tpu.core_type<tc>} {
    %get3A = arith.constant 0 : index
    %get3A_0 = arith.constant 0 : index
    %get3A_1 = vector.load %arg0[%get3A, %get3A_0] : memref<2x10000xf32, #tpu.memory_space<vmem>>, vector<2x10000xf32>
    %slice3A = vector.extract_strided_slice %get3A_1 {offsets = [0, 0], sizes = [1, 10000], strides = [1, 1]} : vector<2x10000xf32> to vector<1x10000xf32>
    %squeeze3A = vector.shape_cast %slice3A : vector<1x10000xf32> to vector<10000xf32>
    %slice3A_2 = vector.extract_strided_slice %get3A_1 {offsets = [1, 0], sizes = [1, 10000], strides = [1, 1]} : vector<2x10000xf32> to vector<1x10000xf32>
    %squeeze3A_3 = vector.shape_cast %slice3A_2 : vector<1x10000xf32> to vector<10000xf32>
    %add3A = arith.addf %squeeze3A, %squeeze3A_3 : vector<10000xf32>
    %add3A_4 = arith.constant 1.000000e+00 : f32
    %add3A_5 = vector.broadcast %add3A_4 : f32 to vector<10000xf32>
    %add3A_6 = arith.addf %add3A, %add3A_5 : vector<10000xf32>
    %rsqrt3A = math.rsqrt %add3A_6 : vector<10000xf32>
    %get3A_7 = arith.constant 0 : index
    %get3A_8 = arith.constant 0 : index
    %get3A_9 = vector.load %arg1[%get3A_7, %get3A_8] : memref<10000x128xf32, #tpu.memory_space<vmem>>, vector<10000x128xf32>
    %get3A_10 = arith.constant 0 : index
    %get3A_11 = arith.constant 0 : index
    %get3A_12 = vector.load %arg2[%get3A_10, %get3A_11] : memref<128x128xf32, #tpu.memory_space<vmem>>, vector<128x128xf32>
    %dot_general3A = arith.constant dense<0.000000e+00> : vector<10000x128xf32>
    %dot_general3A_13 = tpu.matmul %get3A_9, %get3A_12, %dot_general3A {dimension_numbers = #tpu.dot_dimension_numbers<[1], [0], [0], [1], [0, 0, 1, 1], [], []>, precision = #tpu.contract_precision<fp32>, transpose_lhs_hint = false} : vector<10000x128xf32>, vector<128x128xf32>, vector<10000x128xf32> -> vector<10000x128xf32>
    %broadcast_in_dim3A = vector.shape_cast %rsqrt3A : vector<10000xf32> to vector<10000x1xf32>
    %mul3A = vector.broadcast %broadcast_in_dim3A : vector<10000x1xf32> to vector<10000x128xf32>
    %mul3A_14 = arith.mulf %dot_general3A_13, %mul3A : vector<10000x128xf32>
    %swap3A = arith.constant 0 : index
    %swap3A_15 = arith.constant 0 : index
    %swap3A_16 = vector.load %arg3[%swap3A, %swap3A_15] : memref<10000x128xf32, #tpu.memory_space<vmem>>, vector<10000x128xf32>
    tpu.vector_store %arg3[%swap3A, %swap3A_15], %mul3A_14 {strides = array<i32>} : memref<10000x128xf32, #tpu.memory_space<vmem>>, vector<10000x128xf32>,
    return
  }
}

module attributes {stable_mosaic.version = 14 : i64} {
  func.func @_layer2_body(%arg0: memref<2x10000xf32, #tpu.memory_space<vmem>>, %arg1: memref<20000x128xf32, #tpu.memory_space<vmem>>, %arg2: memref<10000x128xf32, #tpu.memory_space<vmem>>, %arg3: memref<128xf32, #tpu.memory_space<vmem>>, %arg4: memref<10000x128xf32, #tpu.memory_space<vmem>>) attributes {dimension_semantics = [], scalar_prefetch = 0 : i64, scratch_operands = 0 : i64, tpu.core_type = #tpu.core_type<tc>} {
    %get3A = arith.constant 0 : index
    %get3A_0 = arith.constant 0 : index
    %get3A_1 = vector.load %arg0[%get3A, %get3A_0] : memref<2x10000xf32, #tpu.memory_space<vmem>>, vector<2x10000xf32>
    %slice3A = vector.extract_strided_slice %get3A_1 {offsets = [0, 0], sizes = [1, 10000], strides = [1, 1]} : vector<2x10000xf32> to vector<1x10000xf32>
    %squeeze3A = vector.shape_cast %slice3A : vector<1x10000xf32> to vector<10000xf32>
    %slice3A_2 = vector.extract_strided_slice %get3A_1 {offsets = [1, 0], sizes = [1, 10000], strides = [1, 1]} : vector<2x10000xf32> to vector<1x10000xf32>
    %squeeze3A_3 = vector.shape_cast %slice3A_2 : vector<1x10000xf32> to vector<10000xf32>
    %add3A = arith.addf %squeeze3A, %squeeze3A_3 : vector<10000xf32>
    %add3A_4 = arith.constant 1.000000e+00 : f32
    %add3A_5 = vector.broadcast %add3A_4 : f32 to vector<10000xf32>
    %add3A_6 = arith.addf %add3A, %add3A_5 : vector<10000xf32>
    %rsqrt3A = math.rsqrt %add3A_6 : vector<10000xf32>
    %get3A_7 = arith.constant 0 : index
    %get3A_8 = arith.constant 0 : index
    %get3A_9 = vector.load %arg1[%get3A_7, %get3A_8] : memref<20000x128xf32, #tpu.memory_space<vmem>>, vector<10000x128xf32>
    %get3A_10 = arith.constant 10000 : index
    %get3A_11 = arith.constant 0 : index
    %get3A_12 = vector.load %arg1[%get3A_10, %get3A_11] : memref<20000x128xf32, #tpu.memory_space<vmem>>, vector<10000x128xf32>
    %add3A_13 = arith.addf %get3A_9, %get3A_12 : vector<10000x128xf32>
    %get3A_14 = arith.constant 0 : index
    %get3A_15 = arith.constant 0 : index
    %get3A_16 = vector.load %arg2[%get3A_14, %get3A_15] : memref<10000x128xf32, #tpu.memory_space<vmem>>, vector<10000x128xf32>
    %add3A_17 = arith.addf %add3A_13, %get3A_16 : vector<10000x128xf32>
    %broadcast_in_dim3A = vector.shape_cast %rsqrt3A : vector<10000xf32> to vector<10000x1xf32>
    %mul3A = vector.broadcast %broadcast_in_dim3A : vector<10000x1xf32> to vector<10000x128xf32>
    %mul3A_18 = arith.mulf %mul3A, %add3A_17 : vector<10000x128xf32>
    %get3A_19 = arith.constant 0 : index
    %get3A_20 = vector.load %arg3[%get3A_19] : memref<128xf32, #tpu.memory_space<vmem>>, vector<128xf32>
    %broadcast_in_dim3A_21 = vector.shape_cast %get3A_20 : vector<128xf32> to vector<1x128xf32>
    %add3A_22 = vector.broadcast %broadcast_in_dim3A_21 : vector<1x128xf32> to vector<10000x128xf32>
    %add3A_23 = arith.addf %mul3A_18, %add3A_22 : vector<10000x128xf32>
    %max3A = arith.constant 0.000000e+00 : f32
    %max3A_24 = vector.broadcast %max3A : f32 to vector<10000x128xf32>
    %max3A_25 = arith.maximumf %add3A_23, %max3A_24 : vector<10000x128xf32>
    %broadcast_in_dim3A_26 = vector.shape_cast %rsqrt3A : vector<10000xf32> to vector<10000x1xf32>
    %mul3A_27 = vector.broadcast %broadcast_in_dim3A_26 : vector<10000x1xf32> to vector<10000x128xf32>
    %mul3A_28 = arith.mulf %max3A_25, %mul3A_27 : vector<10000x128xf32>
    %swap3A = arith.constant 0 : index
    %swap3A_29 = arith.constant 0 : index
    %swap3A_30 = vector.load %arg4[%swap3A, %swap3A_29] : memref<10000x128xf32, #tpu.memory_space<vmem>>, vector<10000x128xf32>
    tpu.vector_store %arg4[%swap3A, %swap3A_29], %mul3A_28 {strides = array<i32>} : memref<10000x128xf32, #tpu.memory_space<vmem>>, vector<10000x128xf32>,
    return
  }
}

module attributes {stable_mosaic.version = 14 : i64} {
  func.func @_final_body(%arg0: memref<2x10000xf32, #tpu.memory_space<vmem>>, %arg1: memref<20000x128xf32, #tpu.memory_space<vmem>>, %arg2: memref<10000x128xf32, #tpu.memory_space<vmem>>, %arg3: memref<40xf32, #tpu.memory_space<vmem>>, %arg4: memref<128x40xf32, #tpu.memory_space<vmem>>, %arg5: memref<10000x40xf32, #tpu.memory_space<vmem>>) attributes {dimension_semantics = [], scalar_prefetch = 0 : i64, scratch_operands = 0 : i64, tpu.core_type = #tpu.core_type<tc>} {
    %get3A = arith.constant 0 : index
    %get3A_0 = arith.constant 0 : index
    %get3A_1 = vector.load %arg0[%get3A, %get3A_0] : memref<2x10000xf32, #tpu.memory_space<vmem>>, vector<2x10000xf32>
    %slice3A = vector.extract_strided_slice %get3A_1 {offsets = [0, 0], sizes = [1, 10000], strides = [1, 1]} : vector<2x10000xf32> to vector<1x10000xf32>
    %squeeze3A = vector.shape_cast %slice3A : vector<1x10000xf32> to vector<10000xf32>
    %slice3A_2 = vector.extract_strided_slice %get3A_1 {offsets = [1, 0], sizes = [1, 10000], strides = [1, 1]} : vector<2x10000xf32> to vector<1x10000xf32>
    %squeeze3A_3 = vector.shape_cast %slice3A_2 : vector<1x10000xf32> to vector<10000xf32>
    %add3A = arith.addf %squeeze3A, %squeeze3A_3 : vector<10000xf32>
    %add3A_4 = arith.constant 1.000000e+00 : f32
    %add3A_5 = vector.broadcast %add3A_4 : f32 to vector<10000xf32>
    %add3A_6 = arith.addf %add3A, %add3A_5 : vector<10000xf32>
    %rsqrt3A = math.rsqrt %add3A_6 : vector<10000xf32>
    %get3A_7 = arith.constant 0 : index
    %get3A_8 = arith.constant 0 : index
    %get3A_9 = vector.load %arg1[%get3A_7, %get3A_8] : memref<20000x128xf32, #tpu.memory_space<vmem>>, vector<10000x128xf32>
    %get3A_10 = arith.constant 10000 : index
    %get3A_11 = arith.constant 0 : index
    %get3A_12 = vector.load %arg1[%get3A_10, %get3A_11] : memref<20000x128xf32, #tpu.memory_space<vmem>>, vector<10000x128xf32>
    %add3A_13 = arith.addf %get3A_9, %get3A_12 : vector<10000x128xf32>
    %get3A_14 = arith.constant 0 : index
    %get3A_15 = arith.constant 0 : index
    %get3A_16 = vector.load %arg2[%get3A_14, %get3A_15] : memref<10000x128xf32, #tpu.memory_space<vmem>>, vector<10000x128xf32>
    %add3A_17 = arith.addf %add3A_13, %get3A_16 : vector<10000x128xf32>
    %get3A_18 = arith.constant 0 : index
    %get3A_19 = arith.constant 0 : index
    %get3A_20 = vector.load %arg4[%get3A_18, %get3A_19] : memref<128x40xf32, #tpu.memory_space<vmem>>, vector<128x40xf32>
    %dot_general3A = arith.constant dense<0.000000e+00> : vector<10000x40xf32>
    %dot_general3A_21 = tpu.matmul %add3A_17, %get3A_20, %dot_general3A {dimension_numbers = #tpu.dot_dimension_numbers<[1], [0], [0], [1], [0, 0, 1, 1], [], []>, precision = #tpu.contract_precision<fp32>, transpose_lhs_hint = false} : vector<10000x128xf32>, vector<128x40xf32>, vector<10000x40xf32> -> vector<10000x40xf32>
    %broadcast_in_dim3A = vector.shape_cast %rsqrt3A : vector<10000xf32> to vector<10000x1xf32>
    %mul3A = vector.broadcast %broadcast_in_dim3A : vector<10000x1xf32> to vector<10000x40xf32>
    %mul3A_22 = arith.mulf %mul3A, %dot_general3A_21 : vector<10000x40xf32>
    %get3A_23 = arith.constant 0 : index
    %get3A_24 = vector.load %arg3[%get3A_23] : memref<40xf32, #tpu.memory_space<vmem>>, vector<40xf32>
    %broadcast_in_dim3A_25 = vector.shape_cast %get3A_24 : vector<40xf32> to vector<1x40xf32>
    %add3A_26 = vector.broadcast %broadcast_in_dim3A_25 : vector<1x40xf32> to vector<10000x40xf32>
    %add3A_27 = arith.addf %mul3A_22, %add3A_26 : vector<10000x40xf32>
    %max3A = arith.constant 0.000000e+00 : f32
    %max3A_28 = vector.broadcast %max3A : f32 to vector<10000x40xf32>
    %max3A_29 = arith.maximumf %add3A_27, %max3A_28 : vector<10000x40xf32>
    %reduce_max3A = arith.constant dense<0xFF800000> : vector<10000xf32>
    %reduce_max3A_30 = vector.multi_reduction <maximumf>, %max3A_29, %reduce_max3A [1] : vector<10000x40xf32> to vector<10000xf32>
    %broadcast_in_dim3A_31 = vector.shape_cast %reduce_max3A_30 : vector<10000xf32> to vector<10000x1xf32>
    %sub3A = vector.broadcast %broadcast_in_dim3A_31 : vector<10000x1xf32> to vector<10000x40xf32>
    %sub3A_32 = arith.subf %max3A_29, %sub3A : vector<10000x40xf32>
    %exp3A = math.exp %sub3A_32 : vector<10000x40xf32>
    %reduce_sum3A = arith.constant dense<0.000000e+00> : vector<10000xf32>
    %reduce_sum3A_33 = vector.multi_reduction <add>, %exp3A, %reduce_sum3A [1] : vector<10000x40xf32> to vector<10000xf32>
    %broadcast_in_dim3A_34 = vector.shape_cast %reduce_sum3A_33 : vector<10000xf32> to vector<10000x1xf32>
    %log3A = math.log %broadcast_in_dim3A_34 : vector<10000x1xf32>
    %sub3A_35 = vector.broadcast %log3A : vector<10000x1xf32> to vector<10000x40xf32>
    %sub3A_36 = arith.subf %sub3A_32, %sub3A_35 : vector<10000x40xf32>
    %swap3A = arith.constant 0 : index
    %swap3A_37 = arith.constant 0 : index
    %swap3A_38 = vector.load %arg5[%swap3A, %swap3A_37] : memref<10000x40xf32, #tpu.memory_space<vmem>>, vector<10000x40xf32>
    tpu.vector_store %arg5[%swap3A, %swap3A_37], %sub3A_36 {strides = array<i32>} : memref<10000x40xf32, #tpu.memory_space<vmem>>, vector<10000x40xf32>,
    return
  }
}

</mosaic_0001>

<sc_bundles>
// kernel: kernel.11.cloned.1.call-start
scs
__scs_entry_jumppad:
0x0: {  	(pc) =	sbr.rel $0x88, $3  }
0x1: {  	(tag) =	ssettag $0x0;
	lr =	simm.s32 $0x1  }
0x2: {  	[smem:$0x3F9B] =	sst lr;
	_ =	strace $0xD0000000  }
0x3: {  	_ = 	snop  }
0x4: {  	_ = 	snop  }
0x5: {  	_ = 	snop  }
0x6: {  	_ = 	snop  }
0x7: {  	_ = 	snop  }
__scs_overlays_trampoline_lowered:
0x8: {  	[smem:$0x3FAA] =	sst s0  }
0x9: {  	[smem:$0x3FAB] =	sst s1  }
0xa: {  	[smem:$0x3FAC] =	sst s2  }
0xb: {  	[smem:$0x3FAD] =	sst s3  }
0xc: {  	[smem:$0x3FAE] =	sst s4  }
0xd: {  	[smem:$0x3FAF] =	sst s5  }
0xe: {  	[smem:$0x3FB0] =	sst s6  }
0xf: {  	[smem:$0x3FB1] =	sst s7  }
0x10: {  	[smem:$0x3FB2] =	sst s8  }
0x11: {  	[smem:$0x3FB3] =	sst s9;
	s0 =	simm.s32 @!p0 $0x0  }
0x12: {  	s1 =	sld [smem:$0x3F99];
	s0 =	simm.s32 @p0 $0x1  }
0x13: {  	[smem:$0x3FB4] =	sst s0;
	s0 =	simm.s32 @!p1 $0x0  }
0x14: {  	s2 =	sld [smem:$0x3F98];
	s0 =	simm.s32 @p1 $0x1  }
0x15: {  	[smem:$0x3FB5] =	sst s0;
	s0 =	simm.s32 @!p2 $0x0  }
0x16: {  	s3 =	sld [smem:$0x3FDB];
	s0 =	simm.s32 @p2 $0x1  }
0x17: {  	s4 =	simm.s32 $0x1BF5;
	[smem:$0x3FB7] =	sst s0  }
0x18: {  	s0 =	sld [smem:$0x3F9A];
	_ =	swait.ge [sflag:s4], $0x0  }
0x19: {  	s7 =	sld [smem:$0x3F9B]  }
0x1a: {  	s8 =	sadd.s32 $0xFFFFE003, lr  }
0x1b: {  	s9 =	sadd.s32 $0xFFFFFEF7, lr;
	s5 =	simm.s32 $0xFFFFFFFF;
	p2 =	slt.u32 s8, $0xFFFFF086  }
0x1c: {  	p1 =	slt.u32 s9, $0xF7A;
	s5 =	simm.s32 @!p2 $0x0  }
0x1d: {  	s5 =	simm.s32 @p1 $0x1;
	p0 =	seq.s32 s7, s2  }
0x1e: {  	s7 =	smul.u32 @!p0 $0xF7A, s2;
	p2 =	seq.s32 @!p0 s5, $0x0  }
0x1f: {  	s9 =	smul.u32 $0xF7A, s1;
	s8 =	simm.s32 @!p0 $0x1BF5;
	p2 =	por !p2, p0  }
0x20: {  	[sflag:s8] =	ssyncset.s32 @!p0 $0xFFFFF086;
	s6 =	sadd.s32 @!p0 s3, s7;
	s7 =	simm.s32 @!p0 $0x108  }
0x21: {  	s3 =	sadd.s32 s3, s9;
	s6 =	sadd.s32 @!p0 $0x88, s6;
	s7 =	simm.s32 @p2 $0x1082  }
0x22: {  	[simem:s7], [sflag:s8] =	dma.local @!p0 [hbm:s6], $0xF7A  }
0x23: {  	s9 =	sor.u32 $0xD0000000, s2;
	s6 =	simm.s32 $0x108;
	_ =	swait.ge @!p0 [sflag:s8], $0x0  }
0x24: {  	s3 =	sadd.s32 $0x88, s3;
	s6 =	simm.s32 @!p1 $0x1082;
	[sflag:s4] =	ssyncset.s32 $0xFFFFF086  }
0x25: {  	[simem:s6], [sflag:s4] =	dma.local [hbm:s3], $0xF7A  }
0x26: {  	[smem:$0x3F9B] =	sst s1;
	(tag) =	ssettag s2;
	_ =	strace s9  }
0x27: {  	s1 =	sld [smem:$0x3FAB]  }
0x28: {  	s2 =	sld [smem:$0x3FAC]  }
0x29: {  	s4 =	sld [smem:$0x3FAE]  }
0x2a: {  	p0 =	seq.s32 s5, $0x0;
	s5 =	sld [smem:$0x3FAF]  }
0x2b: {  	s6 =	sld [smem:$0x3FB0]  }
0x2c: {  	s7 =	sld [smem:$0x3FB1]  }
0x2d: {  	s3 =	simm.s32 $0x108;
	s8 =	sld [smem:$0x3FB2]  }
0x2e: {  	s3 =	simm.s32 @!p0 $0x1082;
	s9 =	sld [smem:$0x3FB3]  }
0x2f: {  	lr =	sadd.s32 s0, s3;
	s0 =	sld [smem:$0x3FAA]  }
0x30: {  	s3 =	sld [smem:$0x3FAD]  }
0x31: {  	[smem:$0x3FB6] =	sst s10  }
0x32: {  	s10 =	sld [smem:$0x3FB4];
	_ =	sdelay $0x3  }
0x33: {  	p0 =	seq.s32 s10, $0x1;
	s10 =	sld [smem:$0x3FB6];
	_ =	sdelay $0x3  }
0x34: {  	[smem:$0x3FB6] =	sst s10  }
0x35: {  	s10 =	sld [smem:$0x3FB5];
	_ =	sdelay $0x3  }
0x36: {  	p1 =	seq.s32 s10, $0x1;
	s10 =	sld [smem:$0x3FB6];
	_ =	sdelay $0x3  }
0x37: {  	[smem:$0x3FB6] =	sst s10  }
0x38: {  	s10 =	sld [smem:$0x3FB7]  }
0x39: {  	_ = 	snop;
	(pc) =	sbr.ind lr, $3  }
0x3a: {  	_ = 	snop  }
0x3b: {  	_ = 	snop  }
0x3c: {  	p2 =	seq.s32 s10, $0x1;
	s10 =	sld [smem:$0x3FB6]  }
0x3d: {  	_ =	shalt  }
0x3e: {  	_ =	shalt  }
0x3f: {  	_ =	shalt  }
0x40: {  	_ =	shalt  }
0x41: {  	_ =	shalt  }
0x42: {  	_ =	shalt  }
0x43: {  	_ =	shalt  }
0x44: {  	_ =	shalt  }
0x45: {  	_ =	shalt  }
0x46: {  	_ =	shalt  }
0x47: {  	_ =	shalt  }
0x48: {  	_ =	shalt  }
0x49: {  	_ =	shalt  }
0x4a: {  	_ =	shalt  }
0x4b: {  	_ =	shalt  }
0x4c: {  	_ =	shalt  }
0x4d: {  	_ =	shalt  }
0x4e: {  	_ =	shalt  }
0x4f: {  	_ =	shalt  }
0x50: {  	_ =	shalt  }
0x51: {  	_ =	shalt  }
0x52: {  	_ =	shalt  }
0x53: {  	_ =	shalt  }
0x54: {  	_ =	shalt  }
0x55: {  	_ =	shalt  }
0x56: {  	_ =	shalt  }
0x57: {  	_ =	shalt  }
0x58: {  	_ =	shalt  }
0x59: {  	_ =	shalt  }
0x5a: {  	_ =	shalt  }
0x5b: {  	_ =	shalt  }
0x5c: {  	_ =	shalt  }
0x5d: {  	_ =	shalt  }
0x5e: {  	_ =	shalt  }
0x5f: {  	_ =	shalt  }
0x60: {  	_ =	shalt  }
0x61: {  	_ =	shalt  }
0x62: {  	_ =	shalt  }
0x63: {  	_ =	shalt  }
0x64: {  	_ =	shalt  }
0x65: {  	_ =	shalt  }
0x66: {  	_ =	shalt  }
0x67: {  	_ =	shalt  }
0x68: {  	_ =	shalt  }
0x69: {  	_ =	shalt  }
0x6a: {  	_ =	shalt  }
0x6b: {  	_ =	shalt  }
0x6c: {  	_ =	shalt  }
0x6d: {  	_ =	shalt  }
0x6e: {  	_ =	shalt  }
0x6f: {  	_ =	shalt  }
0x70: {  	_ =	shalt  }
0x71: {  	_ =	shalt  }
0x72: {  	_ =	shalt  }
0x73: {  	_ =	shalt  }
0x74: {  	_ =	shalt  }
0x75: {  	_ =	shalt  }
0x76: {  	_ =	shalt  }
0x77: {  	_ =	shalt  }
0x78: {  	_ =	shalt  }
0x79: {  	_ =	shalt  }
0x7a: {  	_ =	shalt  }
0x7b: {  	_ =	shalt  }
0x7c: {  	_ =	shalt  }
0x7d: {  	_ =	shalt  }
0x7e: {  	_ =	shalt  }
0x7f: {  	_ =	shalt  }
0x80: {  	_ =	shalt  }
0x81: {  	_ =	shalt  }
0x82: {  	_ =	shalt  }
0x83: {  	_ =	shalt  }
0x84: {  	_ =	shalt  }
0x85: {  	_ =	shalt  }
0x86: {  	_ =	shalt  }
0x87: {  	_ =	shalt  }
.Lfunc_end0:
.L_simem_size_0:
called_computation.1_lowered:
.L_overlay_start_0:
0x88: {  	s2 =	sld [smem:$0x3FD9]  }
0x89: {  	s3 =	sld [smem:$0x3FFE];
	_ =	sdelay $0x1  }
0x8a: {  	s1 =	srdreg.scid  }
0x8b: {  	s0 =	sand.u32 $0x1, s1  }
0x8c: {  	s17 =	sshll.u32 s0, $0xA;
	s2 =	sadd.s32 s3, s2  }
0x8d: {  	s2 =	sadd.s32 s2, s17  }
0x8e: {  	[smem:$0x3FC2] =	sst s2  }
0x8f: {  	_ = 	snop  }
0x90: {  	s2 =	sld [smem:$0x3FD0];
	(tm) =	ssettm $0x1  }
0x91: {  	s18 =	sld [smem:$0x3FFB];
	_ =	sdelay $0x3  }
0x92: {  	_ =	strace s18  }
0x93: {  	s3 =	sld [smem:$0x3FFC];
	_ =	sdelay $0x3  }
0x94: {  	_ =	strace s3  }
0x95: {  	s3 =	sld [smem:$0x3FFD];
	_ =	sdelay $0x3  }
0x96: {  	_ =	strace s3  }
0x97: {  	_ =	strace $0x8FFFFFFF  }
0x98: {  	s19 =	sld [smem:$0x3FDB];
	_ =	sdelay $0x1  }
0x99: {  	s4 =	simm.s32 $_scs_section_size  }
0x9a: {  	s5 =	simm.s32 $_size__tile_overlayer_lowered;
	s6 =	simm.s32 $_tile_overlayer_lowered  }
0x9b: {  	s22 =	simm.s32 $0x1BFF;
	s21 =	sshll.u32 s6, $0x1;
	s3 =	sadd.s32 s4, s19  }
0x9c: {  	s7 =	simm.s32 $0x0;
	s20 =	sshll.u32 s5, $0x1;
	s5 =	sadd.s32 s21, s3  }
0x9d: {  	[timem:s7], [sflag:s22] =	dma.local [hbm:s5], s20  }
0x9e: {  	_ =	swait.ge [sflag:s22], s20  }
0x9f: {  	s4 =	ssub.s32 $0x0, s20;
	[sflag:s22] =	ssyncset.done $0x0  }
0xa0: {  	[sflag:s22] =	ssyncadd.s32 s4;
	_ =	sdelay $0x1  }
0xa1: {  	s23 =	simm.s32 $0x1B8B  }
0xa2: {  	_ =	swait.ge [sflag:s23], $0x1  }
0xa3: {  	[sflag:s23] =	ssyncset.done $0x0  }
0xa4: {  	s25 =	simm.s32 $0x1B8E;
	s24 =	sld [smem:$0x3FFE];
	[sflag:s23] =	ssyncadd.s32 $0xFFFFFFFF  }
0xa5: {  	s26 =	simm.s32 $execute0_lowered;
	[smem:$0x3FD2] =	sst s25  }
0xa6: {  	s5 =	sshll.u32 s26, $0x1;
	_ =	strace $0x80000049;
	[dreg:$0x1] =	wrdreg $0xFFFFFFFF  }
0xa7: {  	s28 =	simm.s32 $_size_execute0_lowered;
	s3 =	sadd.s32 s3, s5;
	[dreg:$0x0] =	wrdreg $0x0  }
0xa8: {  	s5 =	sshll.u32 s28, $0x1;
	[dreg:$0x2] =	wrdreg s3  }
0xa9: {  	[dreg:$0x3] =	wrdreg s5  }
0xaa: {  	[dreg:$0x4] =	wrdreg $0xC0  }
0xab: {  	_ =	task [dreg:s7], $0x5FFFF  }
0xac: {  	[dreg:$0x1] =	wrdreg $0xFFFFFFFF  }
0xad: {  	[dreg:$0x0] =	wrdreg $0x60  }
0xae: {  	[dreg:$0x2] =	wrdreg s24  }
0xaf: {  	[dreg:$0x3] =	wrdreg s2  }
0xb0: {  	[dreg:$0x4] =	wrdreg $0xA1000  }
0xb1: {  	[dreg:$0x5] =	wrdreg $0x9  }
0xb2: {  	_ =	task.clear_ibuf [dreg:s7], $0x6FFFF;
	_ =	strace $0x90000049  }
0xb3: {  	s29 =	simm.s32 $0x9;
	_ =	strace $0x8000004B  }
0xb4: {  	_ =	swait.ge [sflag:s29], $0x1  }
0xb5: {  	[sflag:s29] =	ssyncadd.s32 $0xFFFFFFFF  }
0xb6: {  	_ =	strace $0x9000004B  }
0xb7: {  	_ =	sfence  }
0xb8: {  	s30 =	sld [smem:$0x0];
	_ =	sdelay $0x2  }
0xb9: {  	s31 =	sshll.u32 s1, $0xD;
	s1 =	sshrl.u32 s1, $0x2  }
0xba: {  	s3 =	sand.u32 $0x4000, s31;
	s1 =	sadd.s32 s1, s30  }
0xbb: {  	s0 =	sor.u32 s3, s0;
	s1 =	sshll.u32 s1, $0x11  }
0xbc: {  	s0 =	sor.u32 s1, s0  }
0xbd: {  	s0 =	sadd.s32 $0x8F2B, s0  }
0xbe: {  	[sflag:s0] =	ssyncadd.remote.s32 $0x1  }
0xbf: {  	_ =	sfence.sel $0xFFFF  }
0xc0: {  	[dreg:$0x0] =	wrdreg $0xFFFFFFFF;
	(pc) =	sbr.abs _section_cstart, $3  }
0xc1: {  	[dreg:$0x1] =	wrdreg $0xFFFFFFFF  }
0xc2: {  	_ =	task.clear_ibuf [dreg:s7], $0x2FFFF;
	_ =	strace $0x9FFFFFFF  }
0xc3: {  	(tm) =	ssettm $0x7FFFFFFF  }
tec
execute0_lowered:
.L_overlay_start_1:
0x0: {  	(tag) =	ssettag $0x1  }
0x1: {  	s0 =	rddreg [dreg:$0x0]  }
0x2: {  	s2 =	rddreg [dreg:$0x1]  }
0x3: {  	s1 =	rddreg [dreg:$0x2]  }
0x4: {  	s3 =	srdreg.scid;
	s20 =	stileid.u32  }
0x5: {  	s29 =	simm.s32 $0x6;
	s4 =	sand.u32 $0x1, s3;
	s9 =	smul.u32 $0x500, s20  }
0x6: {  	s28 =	simm.s32 $0x0;
	s8 =	sor.u32 $0x10, s20;
	s6 =	smul.u32 $0x27100, s4  }
0x7: {  	s3 =	simm.s32 $0x0;
	s10 =	sor.u32 $0x20, s20;
	s11 =	smul.u32 $0x500, s8  }
0x8: {  	s14 =	sor.u32 $0x30, s20;
	s15 =	sor.u32 $0x40, s20;
	s13 =	smul.u32 $0x500, s10  }
0x9: {  	s16 =	sor.u32 $0x50, s20;
	s18 =	sor.u32 $0x60, s20;
	s24 =	smul.u32 $0x500, s14  }
0xa: {  	s22 =	sor.u32 $0x70, s20;
	p1 =	sgt.u32 s20, $0xC;
	s17 =	smul.u32 $0x500, s15  }
0xb: {  	s5 =	sshll.u32 s4, $0x4;
	[smem:$0x7FF] =	sst s3;
	s19 =	smul.u32 $0x500, s16  }
0xc: {  	s4 =	ssub.s32 $0x2, s4;
	s21 =	smul.u32 $0x500, s22;
	p0 =	sgt.u32 s22, $0x7C  }
0xd: {  	s5 =	sor.u32 s20, s5;
	_ =	strace $0x8000004A;
	s12 =	sshrl.u32 s4, $0x1  }
0xe: {  	s5 =	smul.u32 $0x2710, s5;
	s7 =	sadd.s32 s6, s0;
	s4 =	ssub.s32 s4, s12  }
0xf: {  	s12 =	sadd.s32 $0xC400, s0;
	s7 =	sadd.s32 $0x33600, s7;
	s4 =	smax.u32 s4, $0x1  }
0x10: {  	s9 =	sadd.s32 s7, s9;
	s25 =	sadd.s32 s7, s11;
	s26 =	sadd.s32 s7, s13  }
0x11: {  	s13 =	sadd.s32 s7, s24;
	s11 =	smul.u32 $0xA000, s8;
	[dreg:$0xe] =	wrdreg s4  }
0x12: {  	s24 =	sadd.s32 s7, s19;
	s19 =	smul.u32 $0xA000, s10;
	[dreg:$0x4] =	wrdreg s9  }
0x13: {  	s23 =	sadd.s32 s7, s17;
	s10 =	smul.u32 $0xA000, s18;
	[dreg:$0x5] =	wrdreg s25  }
0x14: {  	s5 =	sshrl.u32 s5, $0x3;
	s9 =	smul.u32 $0x500, s18;
	[dreg:$0x6] =	wrdreg s26  }
0x15: {  	s4 =	simm.s32 $0x2780;
	[dreg:$0x7] =	wrdreg s13;
	s25 =	smul.u32 $0x2710, s20  }
0x16: {  	[dreg:$0x8] =	wrdreg s23;
	s26 =	smul.u32 $0xA000, s20;
	s13 =	sadd.s32 $0x2600, s0  }
0x17: {  	[dreg:$0x9] =	wrdreg s24;
	s23 =	smul.u32 $0xA000, s14;
	s8 =	sadd.s32 s13, s5  }
0x18: {  	s0 =	sshrl.u32 s11, $0x2;
	s24 =	sshrl.u32 s19, $0x2;
	s14 =	sshrl.u32 s10, $0x2  }
0x19: {  	s10 =	simm.s32 $0x1;
	s9 =	sadd.s32 s7, s9;
	s7 =	sadd.s32 s7, s21  }
0x1a: {  	s6 =	sadd.s32 s25, s6;
	s17 =	sshrl.u32 s26, $0x2;
	s26 =	smul.u32 $0xA000, s15  }
0x1b: {  	s25 =	sadd.s32 s0, s1;
	s30 =	sadd.s32 s24, s1;
	[dreg:$0xd] =	wrdreg s8  }
0x1c: {  	s15 =	smul.u32 $0xA000, s22;
	s24 =	sadd.s32 $0xA, s8;
	[dreg:$0xa] =	wrdreg s9  }
0x1d: {  	[dreg:$0xb] =	wrdreg s7;
	s9 =	sadd.s32 s2, s5;
	s21 =	sadd.s32 s17, s1  }
0x1e: {  	s7 =	smul.u32 $0xA000, s16;
	s2 =	sshrl.u32 s23, $0x2;
	s16 =	sadd.s32 s14, s1  }
0x1f: {  	s17 =	sadd.s32 $0x140, s6;
	s19 =	sadd.s32 $0x190, s6;
	s23 =	sadd.s32 $0xF0, s6  }
0x20: {  	[dreg:$0x17] =	wrdreg s24;
	s5 =	simm.s32 $0x50;
	s6 =	simm.s32 $0x2800  }
0x21: {  	s14 =	simm.s32 $0x5;
	[dreg:$0xc] =	wrdreg s9;
	s9 =	sshrl.u32 s26, $0x2  }
0x22: {  	s31 =	sadd.s32 s2, s1;
	[dreg:$0x12] =	wrdreg s16;
	s18 =	sshrl.u32 s15, $0x2  }
0x23: {  	s22 =	sshrl.u32 s19, $0x3;
	[dreg:$0x16] =	wrdreg s23;
	s26 =	sadd.s32 $0x14, s8  }
0x24: {  	s8 =	simm.s32 $0x2880;
	s16 =	simm.s32 $0x7;
	s15 =	simm.s32 $0x8  }
0x25: {  	s11 =	sadd.s32 s9, s1;
	s0 =	sshrl.u32 s7, $0x2;
	[dreg:$0x18] =	wrdreg s26  }
0x26: {  	s2 =	sadd.s32 s18, s1;
	s7 =	simm.s32 $0x5100;
	[dreg:$0xf] =	wrdreg s31  }
.Ltmp0:
0x27: {  	[dreg:$0x10] =	wrdreg s11;
	s0 =	sadd.s32 s0, s1;
	(pc) =	sbr.rel .LBB2_1-.Ltmp0, $4  }
0x28: {  	s9 =	simm.s32 $0x7900;
	[dreg:$0x11] =	wrdreg s0;
	s0 =	sshrl.u32 s17, $0x3  }
0x29: {  	s26 =	simm.s32 $0x3;
	[dreg:$0x13] =	wrdreg s2;
	s0 =	sadd.s32 s0, s13  }
0x2a: {  	s2 =	simm.s32 $0x4;
	[dreg:$0x14] =	wrdreg s0;
	s0 =	sadd.s32 s22, s13  }
0x2b: {  	v0 =	vimm.f32 $0.0e+00;
	s11 =	simm.s32 $0x2;
	[dreg:$0x15] =	wrdreg s0;
	s0 =	simm.s32 $0x2900  }
.LBB2_8:
0x2c: {  	_ =	swait.ge [sflag:s11], $0x50  }
0x2d: {  	[sflag:s11] =	ssyncset.done $0x0  }
0x2e: {  	[sflag:s11] =	ssyncadd.s32 $0xFFFFFFB0  }
0x2f: {  	_ =	swait.ge [sflag:s14], $0x2800  }
0x30: {  	[sflag:s14] =	ssyncset.done $0x0  }
0x31: {  	[sflag:s14] =	ssyncadd.s32 $0xFFFFD800  }
0x32: {  	[spmem:s1] =	stream.indirect.scatter.add.f32 [tilespmem:s7], [sflag:$0x8], $0x80, s6, s5, $0xb8;
	[tilespmem:$0x1D980] =	vst v63  }
.LBB2_6:
0x33: {  	_ =	swait.ge [sflag:s16], $0x2800  }
0x34: {  	[sflag:s16] =	ssyncset.done $0x0  }
0x35: {  	[sflag:s16] =	ssyncadd.s32 $0xFFFFD800  }
0x36: {  	_ =	swait.ge [sflag:s15], $0x2800  }
0x37: {  	[sflag:s15] =	ssyncset.done $0x0  }
0x38: {  	s17 =	simm.s32 $0x9;
	[sflag:s15] =	ssyncadd.s32 $0xFFFFD800  }
0x39: {  	_ =	swait.ge [sflag:s17], $0x2800  }
0x3a: {  	[sflag:s17] =	ssyncset.done $0x0  }
0x3b: {  	s19 =	stileid.u32;
	[sflag:s17] =	ssyncadd.s32 $0xFFFFD800  }
0x3c: {  	s17 =	sshll.u32 s19, $0x6;
	[bflag:$0x0] =	sbarrier.arrive $0xFFFF  }
0x3d: {  	s18 =	sshrl.u32 s22, $0x3;
	s17 =	sor.u32 $0x1C04, s17;
	s19 =	rddreg [dreg:$0x4]  }
0x3e: {  	[hbm:s19], [sflag:s17] =	dma.local [spmem:s18], $0x500  }
0x3f: {  	s20 =	sshrl.u32 s23, $0x3;
	s19 =	rddreg [dreg:$0x5]  }
0x40: {  	[hbm:s19], [sflag:s17] =	dma.local [spmem:s20], $0x500  }
0x41: {  	s21 =	smov.u32 s22;
	s22 =	sshrl.u32 s24, $0x3;
	s19 =	rddreg [dreg:$0x6]  }
0x42: {  	[hbm:s19], [sflag:s17] =	dma.local [spmem:s22], $0x500  }
0x43: {  	s31 =	rddreg [dreg:$0xf]  }
0x44: {  	s25 =	smov.u32 s23;
	s19 =	rddreg [dreg:$0x7];
	s23 =	sshrl.u32 s31, $0x3  }
0x45: {  	[hbm:s19], [sflag:s17] =	dma.local [spmem:s23], $0x500  }
0x46: {  	s18 =	rddreg [dreg:$0x10]  }
0x47: {  	s19 =	rddreg [dreg:$0x8];
	s18 =	sshrl.u32 s18, $0x3  }
0x48: {  	[hbm:s19], [sflag:s17] =	dma.local [spmem:s18], $0x500  }
0x49: {  	s18 =	rddreg [dreg:$0x11]  }
0x4a: {  	s19 =	rddreg [dreg:$0x9];
	s18 =	sshrl.u32 s18, $0x3  }
0x4b: {  	[hbm:s19], [sflag:s17] =	dma.local [spmem:s18], $0x500  }
0x4c: {  	s18 =	rddreg [dreg:$0x12]  }
0x4d: {  	s19 =	rddreg [dreg:$0xa];
	s18 =	sshrl.u32 s18, $0x3  }
0x4e: {  	[hbm:s19], [sflag:s17] =	dma.local [spmem:s18], $0x500  }
0x4f: {  	s18 =	rddreg [dreg:$0x13]  }
0x50: {  	s19 =	rddreg [dreg:$0xb];
	s18 =	sshrl.u32 @!p0 s18, $0x3  }
0x51: {  	[hbm:s19], [sflag:s17] =	dma.local @!p0 [spmem:s18], $0x500  }
0x52: {  	_ =	swait.ge [sflag:s2], $0x500  }
0x53: {  	[sflag:s2] =	ssyncset.done $0x0  }
0x54: {  	[sflag:s2] =	ssyncadd.s32 $0xFFFFFB00  }
0x55: {  	_ =	swait.ge [sflag:s2], $0x500  }
0x56: {  	[sflag:s2] =	ssyncset.done $0x0  }
0x57: {  	[sflag:s2] =	ssyncadd.s32 $0xFFFFFB00  }
0x58: {  	_ =	swait.ge [sflag:s2], $0x500  }
0x59: {  	[sflag:s2] =	ssyncset.done $0x0  }
0x5a: {  	[sflag:s2] =	ssyncadd.s32 $0xFFFFFB00  }
0x5b: {  	_ =	swait.ge [sflag:s2], $0x500  }
0x5c: {  	[sflag:s2] =	ssyncset.done $0x0  }
0x5d: {  	[sflag:s2] =	ssyncadd.s32 $0xFFFFFB00  }
0x5e: {  	_ =	swait.ge [sflag:s2], $0x500  }
0x5f: {  	[sflag:s2] =	ssyncset.done $0x0  }
0x60: {  	[sflag:s2] =	ssyncadd.s32 $0xFFFFFB00  }
0x61: {  	_ =	swait.ge [sflag:s2], $0x500  }
0x62: {  	[sflag:s2] =	ssyncset.done $0x0  }
0x63: {  	[sflag:s2] =	ssyncadd.s32 $0xFFFFFB00  }
0x64: {  	_ =	swait.ge [sflag:s2], $0x500  }
0x65: {  	[sflag:s2] =	ssyncset.done $0x0  }
0x66: {  	s17 =	simm.s32 @!p1 $0x4;
	[sflag:s2] =	ssyncadd.s32 $0xFFFFFB00  }
0x67: {  	_ =	swait.ge @!p1 [sflag:s17], $0x500  }
0x68: {  	s30 =	smov.u32 s24;
	s28 =	sadd.s32 $0x1, s28;
	s24 =	rddreg [dreg:$0xe]  }
0x69: {  	p2 =	sne.s32 s28, s24  }
.Ltmp1:
0x6a: {  	_ = 	snop;
	(pc) =	sbr.rel @!p2 .LBB2_7-.Ltmp1, $3  }
0x6b: {  	_ =	sdelay $0x1  }
0x6c: {  	[sflag:s17] =	ssyncset.done @!p1 $0x0  }
0x6d: {  	[sflag:s17] =	ssyncadd.s32 @!p1 $0xFFFFFB00  }
.LBB2_1:
0x6e: {  	s17 =	rddreg [dreg:$0xc];
	s24 =	simm.s32 $0xA  }
0x6f: {  	[tilespmem:s3], [sflag:$0xA] =	stream.linear.gather [hbm4b:s17+s3], $0x2710, $0x38;
	[tilespmem:$0x1D980] =	vst v63  }
0x70: {  	_ =	swait.ge [sflag:s24], $0x2710  }
0x71: {  	[sflag:s24] =	ssyncset.done $0x0  }
0x72: {  	s18 =	simm.s32 $0x200;
	s17 =	simm.s32 $0x0;
	[sflag:s24] =	ssyncadd.s32 $0xFFFFD8F0  }
.LBB2_2:
0x73: {  	p2 =	sne.s32 s18, $0x9E00;
	[tilespmem:s17+$0x2970] =	vst v0  }
0x74: {  	[tilespmem:s17+$0x2900] =	vst v0  }
0x75: {  	[tilespmem:s17+$0x2910] =	vst v0  }
.Ltmp2:
0x76: {  	[tilespmem:s17+$0x2920] =	vst v0;
	(pc) =	sbr.rel @p2 .LBB2_2-.Ltmp2, $4  }
0x77: {  	[tilespmem:s17+$0x2930] =	vst v0  }
0x78: {  	[tilespmem:s17+$0x2940] =	vst v0  }
0x79: {  	[tilespmem:s17+$0x2950] =	vst v0  }
0x7a: {  	[tilespmem:s17+$0x2960] =	vst v0;
	s17 =	sshra.s32 s18, $0x2;
	s18 =	sadd.s32 $0x200, s18  }
0x7b: {  	[tilespmem:s17+$0x2970] =	vst v0  }
0x7c: {  	[tilespmem:s17+$0x2900] =	vst v0  }
0x7d: {  	[tilespmem:s17+$0x2910] =	vst v0  }
0x7e: {  	[tilespmem:s17+$0x2920] =	vst v0  }
0x7f: {  	[tilespmem:s17+$0x2930] =	vst v0  }
0x80: {  	[tilespmem:s17+$0x2940] =	vst v0  }
0x81: {  	[tilespmem:s17+$0x2950] =	vst v0  }
0x82: {  	[tilespmem:s17+$0x2960] =	vst v0  }
0x83: {  	[spmem:s21] =	stream.linear.scatter [tilespmem:s0], [sflag:$0x4], $0x2800, $0x38;
	[tilespmem:$0x1D980] =	vst v63  }
0x84: {  	_ = 	snop  }
0x85: {  	[spmem:s25] =	stream.linear.scatter [tilespmem:s0], [sflag:$0x4], $0x2800, $0x38;
	[tilespmem:$0x1D980] =	vst v63  }
0x86: {  	_ = 	snop  }
0x87: {  	[spmem:s30] =	stream.linear.scatter [tilespmem:s0], [sflag:$0x4], $0x2800, $0x38;
	[tilespmem:$0x1D980] =	vst v63  }
0x88: {  	_ = 	snop  }
0x89: {  	[spmem:s31] =	stream.linear.scatter [tilespmem:s0], [sflag:$0x4], $0x2800, $0x38;
	[tilespmem:$0x1D980] =	vst v63  }
0x8a: {  	s22 =	smov.u32 s21;
	s21 =	rddreg [dreg:$0x10]  }
0x8b: {  	[spmem:s21] =	stream.linear.scatter [tilespmem:s0], [sflag:$0x4], $0x2800, $0x38;
	[tilespmem:$0x1D980] =	vst v63  }
0x8c: {  	s23 =	smov.u32 s25;
	s25 =	rddreg [dreg:$0x11]  }
0x8d: {  	[spmem:s25] =	stream.linear.scatter [tilespmem:s0], [sflag:$0x4], $0x2800, $0x38;
	[tilespmem:$0x1D980] =	vst v63  }
0x8e: {  	s18 =	rddreg [dreg:$0x12]  }
0x8f: {  	[spmem:s18] =	stream.linear.scatter [tilespmem:s0], [sflag:$0x4], $0x2800, $0x38;
	[tilespmem:$0x1D980] =	vst v63  }
0x90: {  	s17 =	simm.s32 @!p0 $0x2900;
	s18 =	rddreg [dreg:$0x13]  }
0x91: {  	[spmem:s18] =	stream.linear.scatter @!p0 [tilespmem:s17], [sflag:$0x4], $0x2800, $0x38;
	[tilespmem:$0x1D980] =	vst v63  }
0x92: {  	_ =	swait.ge [sflag:s2], $0x2800  }
0x93: {  	[sflag:s2] =	ssyncset.done $0x0  }
0x94: {  	[sflag:s2] =	ssyncadd.s32 $0xFFFFD800  }
0x95: {  	_ =	swait.ge [sflag:s2], $0x2800  }
0x96: {  	[sflag:s2] =	ssyncset.done $0x0  }
0x97: {  	[sflag:s2] =	ssyncadd.s32 $0xFFFFD800  }
0x98: {  	_ =	swait.ge [sflag:s2], $0x2800  }
0x99: {  	[sflag:s2] =	ssyncset.done $0x0  }
0x9a: {  	[sflag:s2] =	ssyncadd.s32 $0xFFFFD800  }
0x9b: {  	_ =	swait.ge [sflag:s2], $0x2800  }
0x9c: {  	[sflag:s2] =	ssyncset.done $0x0  }
0x9d: {  	[sflag:s2] =	ssyncadd.s32 $0xFFFFD800  }
0x9e: {  	_ =	swait.ge [sflag:s2], $0x2800  }
0x9f: {  	[sflag:s2] =	ssyncset.done $0x0  }
0xa0: {  	[sflag:s2] =	ssyncadd.s32 $0xFFFFD800  }
0xa1: {  	_ =	swait.ge [sflag:s2], $0x2800  }
0xa2: {  	[sflag:s2] =	ssyncset.done $0x0  }
0xa3: {  	[sflag:s2] =	ssyncadd.s32 $0xFFFFD800  }
0xa4: {  	_ =	swait.ge [sflag:s2], $0x2800  }
0xa5: {  	[sflag:s2] =	ssyncset.done $0x0  }
0xa6: {  	s17 =	simm.s32 @!p1 $0x4;
	[sflag:s2] =	ssyncadd.s32 $0xFFFFD800  }
0xa7: {  	_ =	swait.ge @!p1 [sflag:s17], $0x2800  }
0xa8: {  	s24 =	smov.u32 s30;
	[sflag:s17] =	ssyncset.done @!p1 $0x0  }
0xa9: {  	s30 =	simm.s32 $0x0;
	s19 =	rddreg [dreg:$0xd];
	[sflag:s17] =	ssyncadd.s32 @!p1 $0xFFFFD800  }
0xaa: {  	[tilespmem:s4], [sflag:$0x1] =	stream.linear.gather [hbm4b:s19+s30], $0x50, $0x38;
	[tilespmem:$0x1D980] =	vst v63  }
0xab: {  	_ = 	snop  }
0xac: {  	[tilespmem:s0], [sflag:$0x4] =	stream.indirect.gather [hbm4b:s12+s5], $0x80, s30, s5, $0xb8;
	[tilespmem:$0x1D980] =	vst v63  }
0xad: {  	s20 =	rddreg [dreg:$0x17]  }
0xae: {  	[tilespmem:s6], [sflag:$0x2] =	stream.linear.gather [hbm4b:s20+s30], $0x50, $0x38;
	[tilespmem:$0x1D980] =	vst v63  }
0xaf: {  	_ = 	snop  }
0xb0: {  	[tilespmem:s7], [sflag:$0x5] =	stream.indirect.gather [hbm4b:s12+s5], $0x80, s5, s5, $0xb8;
	[tilespmem:$0x1D980] =	vst v63  }
0xb1: {  	s21 =	rddreg [dreg:$0x18]  }
0xb2: {  	[tilespmem:s8], [sflag:$0x3] =	stream.linear.gather [hbm4b:s21+s30], $0x50, $0x38;
	[tilespmem:$0x1D980] =	vst v63  }
0xb3: {  	s25 =	simm.s32 $0xA0  }
0xb4: {  	[tilespmem:s9], [sflag:$0x6] =	stream.indirect.gather [hbm4b:s12+s5], $0x80, s25, s5, $0xb8;
	[tilespmem:$0x1D980] =	vst v63  }
0xb5: {  	[bflag:$0x0] =	sbarrier.arrive $0xFFFF  }
0xb6: {  	s31 =	rddreg [dreg:$0x16]  }
0xb7: {  	s25 =	rddreg [dreg:$0x15]  }
0xb8: {  	s18 =	simm.s32 $0x0;
	s17 =	rddreg [dreg:$0x14]  }
.LBB2_4:
0xb9: {  	_ =	swait.ge [sflag:s10], $0x50  }
0xba: {  	p2 =	seq.s32 s30, $0x99C0;
	[sflag:s10] =	ssyncset.done $0x0  }
.Ltmp3:
0xbb: {  	[sflag:s10] =	ssyncadd.s32 $0xFFFFFFB0;
	(pc) =	sbr.rel @p2 .LBB2_8-.Ltmp3, $4  }
0xbc: {  	_ =	swait.ge [sflag:s2], $0x2800  }
0xbd: {  	[sflag:s2] =	ssyncset.done $0x0  }
0xbe: {  	[sflag:s2] =	ssyncadd.s32 $0xFFFFD800  }
0xbf: {  	[spmem:s1] =	stream.indirect.scatter.add.f32 [tilespmem:s0], [sflag:$0x7], $0x80, s4, s5, $0xb8;
	[tilespmem:$0x1D980] =	vst v63  }
0xc0: {  	_ =	swait.ge [sflag:s16], $0x2800  }
0xc1: {  	s19 =	sshrl.u32 s31, $0x3;
	[sflag:s16] =	ssyncset.done $0x0  }
0xc2: {  	s21 =	sshra.s32 s30, $0x2;
	s19 =	sadd.s32 s13, s19;
	[sflag:s16] =	ssyncadd.s32 $0xFFFFD800  }
0xc3: {  	[tilespmem:s4], [sflag:$0x1] =	stream.linear.gather [hbm4b:s19+s3], $0x50, $0x38;
	[tilespmem:$0x1D980] =	vst v63  }
0xc4: {  	s20 =	sadd.s32 $0xF0, s21  }
0xc5: {  	[tilespmem:s0], [sflag:$0x4] =	stream.indirect.gather [hbm4b:s12+s5], $0x80, s20, s5, $0xb8;
	[tilespmem:$0x1D980] =	vst v63  }
0xc6: {  	_ =	swait.ge [sflag:s11], $0x50  }
0xc7: {  	[sflag:s11] =	ssyncset.done $0x0  }
0xc8: {  	[sflag:s11] =	ssyncadd.s32 $0xFFFFFFB0  }
0xc9: {  	_ =	swait.ge [sflag:s14], $0x2800  }
0xca: {  	[sflag:s14] =	ssyncset.done $0x0  }
0xcb: {  	[sflag:s14] =	ssyncadd.s32 $0xFFFFD800  }
0xcc: {  	[spmem:s1] =	stream.indirect.scatter.add.f32 [tilespmem:s7], [sflag:$0x8], $0x80, s6, s5, $0xb8;
	[tilespmem:$0x1D980] =	vst v63  }
0xcd: {  	_ =	swait.ge [sflag:s15], $0x2800  }
0xce: {  	[sflag:s15] =	ssyncset.done $0x0  }
0xcf: {  	[sflag:s15] =	ssyncadd.s32 $0xFFFFD800  }
0xd0: {  	[tilespmem:s6], [sflag:$0x2] =	stream.linear.gather [hbm4b:s17+s3], $0x50, $0x38;
	[tilespmem:$0x1D980] =	vst v63  }
0xd1: {  	s19 =	sadd.s32 $0x140, s21  }
0xd2: {  	[tilespmem:s7], [sflag:$0x5] =	stream.indirect.gather [hbm4b:s12+s5], $0x80, s19, s5, $0xb8;
	[tilespmem:$0x1D980] =	vst v63  }
0xd3: {  	_ =	swait.ge [sflag:s26], $0x50  }
0xd4: {  	[sflag:s26] =	ssyncset.done $0x0  }
0xd5: {  	[sflag:s26] =	ssyncadd.s32 $0xFFFFFFB0  }
0xd6: {  	_ =	swait.ge [sflag:s29], $0x2800  }
0xd7: {  	p2 =	sgt.u32 s18, $0x27;
	[sflag:s29] =	ssyncset.done $0x0  }
0xd8: {  	s19 =	simm.s32 @!p2 $0x9;
	[sflag:s29] =	ssyncadd.s32 $0xFFFFD800  }
0xd9: {  	[spmem:s1] =	stream.indirect.scatter.add.f32 [tilespmem:s9], [sflag:$0x9], $0x80, s8, s5, $0xb8;
	[tilespmem:$0x1D980] =	vst v63  }
0xda: {  	_ =	swait.ge @!p2 [sflag:s19], $0x2800  }
0xdb: {  	[sflag:s19] =	ssyncset.done @!p2 $0x0  }
0xdc: {  	s20 =	simm.s32 @!p2 $0x2880;
	[sflag:s19] =	ssyncadd.s32 @!p2 $0xFFFFD800;
	s19 =	simm.s32 @!p2 $0x0  }
0xdd: {  	[tilespmem:s20], [sflag:$0x3] =	stream.linear.gather @!p2 [hbm4b:s25+s19], $0x50, $0x38;
	[tilespmem:$0x1D980] =	vst v63  }
0xde: {  	s21 =	simm.s32 @!p2 $0x7900;
	s19 =	sshra.s32 @!p2 s30, $0x2  }
0xdf: {  	s20 =	simm.s32 @!p2 $0x50;
	s30 =	sadd.s32 $0x3C0, s30;
	s19 =	sadd.s32 @!p2 $0x190, s19  }
0xe0: {  	[tilespmem:s21], [sflag:$0x6] =	stream.indirect.gather @!p2 [hbm4b:s12+s20], $0x80, s19, s20, $0xb8;
	[tilespmem:$0x1D980] =	vst v63  }
0xe1: {  	p2 =	sne.s32 s30, $0x9D80  }
.Ltmp4:
0xe2: {  	_ = 	snop;
	(pc) =	sbr.rel @p2 .LBB2_4-.Ltmp4, $4  }
.Ltmp5:
0xe3: {  	_ = 	snop;
	(pc) =	sbr.rel @!p2 .LBB2_6-.Ltmp5, $4  }
0xe4: {  	_ = 	snop  }
0xe5: {  	s18 =	sadd.s32 $0x1, s18  }
0xe6: {  	s31 =	sadd.s32 $0xF0, s31;
	s17 =	sadd.s32 $0x1E, s17;
	s25 =	sadd.s32 $0x1E, s25  }
0xe7: {  	_ = 	snop  }
.LBB2_7:
0xe8: {  	_ =	sfence.sel $0x180000  }
0xe9: {  	[bflag:$0x0] =	sbarrier.arrive $0xFFFF  }
0xea: {  	_ =	strace $0x9000004A  }
0xeb: {  	s0 =	stileid.u32;
	[bflag:$0x2] =	sbarrier.arrive $0xFFFF  }
0xec: {  	p0 =	sne.s32 s0, $0x0;
	s0 =	rddreg [dreg:$0x3]  }
0xed: {  	s0 =	sadd.s32 @!p0 $0x100000, s0  }
0xee: {  	[sflag:s0] =	ssyncadd.tile.s32 @!p0 $0x1;
	_ =	shalt  }
.Lfunc_end2:
_tile_overlayer_lowered:
.L_overlay_start_2:
0xef: {  	(tag) =	ssettag $0x2  }
0xf0: {  	s0 =	rddreg [dreg:$0x0];
	s2 =	stileid.u32  }
0xf1: {  	s1 =	rddreg [dreg:$0x1];
	p0 =	sne.s32 s2, $0x0  }
0xf2: {  	s3 =	rddreg [dreg:$0x2];
	[bflag:$0x3] =	sbarrier.arrive $0xFFFF;
	s2 =	simm.s32 @!p0 $0x1C0A  }
0xf3: {  	[timem:s3], [sflag:s2] =	dma.local @!p0 [hbm:s0], s1  }
0xf4: {  	s0 =	simm.s32 @!p0 $0xA  }
0xf5: {  	_ =	swait.ge @!p0 [sflag:s0], s1  }
0xf6: {  	s1 =	ssub.s32 @!p0 $0x0, s1;
	[sflag:s0] =	ssyncset.done @!p0 $0x0  }
0xf7: {  	[sflag:s0] =	ssyncadd.s32 @!p0 s1  }
0xf8: {  	[bflag:$0x3] =	sbarrier.arrive $0xFFFF  }
0xf9: {  	_ =	shalt  }

// kernel: kernel.14.cloned.1.call-start
scs
__scs_entry_jumppad:
0x0: {  	(pc) =	sbr.rel $0x88, $3  }
0x1: {  	(tag) =	ssettag $0x0;
	lr =	simm.s32 $0x1  }
0x2: {  	[smem:$0x3F9B] =	sst lr;
	_ =	strace $0xD0000000  }
0x3: {  	_ = 	snop  }
0x4: {  	_ = 	snop  }
0x5: {  	_ = 	snop  }
0x6: {  	_ = 	snop  }
0x7: {  	_ = 	snop  }
__scs_overlays_trampoline_lowered:
0x8: {  	[smem:$0x3FAA] =	sst s0  }
0x9: {  	[smem:$0x3FAB] =	sst s1  }
0xa: {  	[smem:$0x3FAC] =	sst s2  }
0xb: {  	[smem:$0x3FAD] =	sst s3  }
0xc: {  	[smem:$0x3FAE] =	sst s4  }
0xd: {  	[smem:$0x3FAF] =	sst s5  }
0xe: {  	[smem:$0x3FB0] =	sst s6  }
0xf: {  	[smem:$0x3FB1] =	sst s7  }
0x10: {  	[smem:$0x3FB2] =	sst s8  }
0x11: {  	[smem:$0x3FB3] =	sst s9;
	s0 =	simm.s32 @!p0 $0x0  }
0x12: {  	s1 =	sld [smem:$0x3F99];
	s0 =	simm.s32 @p0 $0x1  }
0x13: {  	[smem:$0x3FB4] =	sst s0;
	s0 =	simm.s32 @!p1 $0x0  }
0x14: {  	s2 =	sld [smem:$0x3F98];
	s0 =	simm.s32 @p1 $0x1  }
0x15: {  	[smem:$0x3FB5] =	sst s0;
	s0 =	simm.s32 @!p2 $0x0  }
0x16: {  	s3 =	sld [smem:$0x3FDB];
	s0 =	simm.s32 @p2 $0x1  }
0x17: {  	s4 =	simm.s32 $0x1BF5;
	[smem:$0x3FB7] =	sst s0  }
0x18: {  	s0 =	sld [smem:$0x3F9A];
	_ =	swait.ge [sflag:s4], $0x0  }
0x19: {  	s7 =	sld [smem:$0x3F9B]  }
0x1a: {  	s8 =	sadd.s32 $0xFFFFE003, lr  }
0x1b: {  	s9 =	sadd.s32 $0xFFFFFEF7, lr;
	s5 =	simm.s32 $0xFFFFFFFF;
	p2 =	slt.u32 s8, $0xFFFFF086  }
0x1c: {  	p1 =	slt.u32 s9, $0xF7A;
	s5 =	simm.s32 @!p2 $0x0  }
0x1d: {  	s5 =	simm.s32 @p1 $0x1;
	p0 =	seq.s32 s7, s2  }
0x1e: {  	s7 =	smul.u32 @!p0 $0xF7A, s2;
	p2 =	seq.s32 @!p0 s5, $0x0  }
0x1f: {  	s9 =	smul.u32 $0xF7A, s1;
	s8 =	simm.s32 @!p0 $0x1BF5;
	p2 =	por !p2, p0  }
0x20: {  	[sflag:s8] =	ssyncset.s32 @!p0 $0xFFFFF086;
	s6 =	sadd.s32 @!p0 s3, s7;
	s7 =	simm.s32 @!p0 $0x108  }
0x21: {  	s3 =	sadd.s32 s3, s9;
	s6 =	sadd.s32 @!p0 $0x88, s6;
	s7 =	simm.s32 @p2 $0x1082  }
0x22: {  	[simem:s7], [sflag:s8] =	dma.local @!p0 [hbm:s6], $0xF7A  }
0x23: {  	s9 =	sor.u32 $0xD0000000, s2;
	s6 =	simm.s32 $0x108;
	_ =	swait.ge @!p0 [sflag:s8], $0x0  }
0x24: {  	s3 =	sadd.s32 $0x88, s3;
	s6 =	simm.s32 @!p1 $0x1082;
	[sflag:s4] =	ssyncset.s32 $0xFFFFF086  }
0x25: {  	[simem:s6], [sflag:s4] =	dma.local [hbm:s3], $0xF7A  }
0x26: {  	[smem:$0x3F9B] =	sst s1;
	(tag) =	ssettag s2;
	_ =	strace s9  }
0x27: {  	s1 =	sld [smem:$0x3FAB]  }
0x28: {  	s2 =	sld [smem:$0x3FAC]  }
0x29: {  	s4 =	sld [smem:$0x3FAE]  }
0x2a: {  	p0 =	seq.s32 s5, $0x0;
	s5 =	sld [smem:$0x3FAF]  }
0x2b: {  	s6 =	sld [smem:$0x3FB0]  }
0x2c: {  	s7 =	sld [smem:$0x3FB1]  }
0x2d: {  	s3 =	simm.s32 $0x108;
	s8 =	sld [smem:$0x3FB2]  }
0x2e: {  	s3 =	simm.s32 @!p0 $0x1082;
	s9 =	sld [smem:$0x3FB3]  }
0x2f: {  	lr =	sadd.s32 s0, s3;
	s0 =	sld [smem:$0x3FAA]  }
0x30: {  	s3 =	sld [smem:$0x3FAD]  }
0x31: {  	[smem:$0x3FB6] =	sst s10  }
0x32: {  	s10 =	sld [smem:$0x3FB4];
	_ =	sdelay $0x3  }
0x33: {  	p0 =	seq.s32 s10, $0x1;
	s10 =	sld [smem:$0x3FB6];
	_ =	sdelay $0x3  }
0x34: {  	[smem:$0x3FB6] =	sst s10  }
0x35: {  	s10 =	sld [smem:$0x3FB5];
	_ =	sdelay $0x3  }
0x36: {  	p1 =	seq.s32 s10, $0x1;
	s10 =	sld [smem:$0x3FB6];
	_ =	sdelay $0x3  }
0x37: {  	[smem:$0x3FB6] =	sst s10  }
0x38: {  	s10 =	sld [smem:$0x3FB7]  }
0x39: {  	_ = 	snop;
	(pc) =	sbr.ind lr, $3  }
0x3a: {  	_ = 	snop  }
0x3b: {  	_ = 	snop  }
0x3c: {  	p2 =	seq.s32 s10, $0x1;
	s10 =	sld [smem:$0x3FB6]  }
0x3d: {  	_ =	shalt  }
0x3e: {  	_ =	shalt  }
0x3f: {  	_ =	shalt  }
0x40: {  	_ =	shalt  }
0x41: {  	_ =	shalt  }
0x42: {  	_ =	shalt  }
0x43: {  	_ =	shalt  }
0x44: {  	_ =	shalt  }
0x45: {  	_ =	shalt  }
0x46: {  	_ =	shalt  }
0x47: {  	_ =	shalt  }
0x48: {  	_ =	shalt  }
0x49: {  	_ =	shalt  }
0x4a: {  	_ =	shalt  }
0x4b: {  	_ =	shalt  }
0x4c: {  	_ =	shalt  }
0x4d: {  	_ =	shalt  }
0x4e: {  	_ =	shalt  }
0x4f: {  	_ =	shalt  }
0x50: {  	_ =	shalt  }
0x51: {  	_ =	shalt  }
0x52: {  	_ =	shalt  }
0x53: {  	_ =	shalt  }
0x54: {  	_ =	shalt  }
0x55: {  	_ =	shalt  }
0x56: {  	_ =	shalt  }
0x57: {  	_ =	shalt  }
0x58: {  	_ =	shalt  }
0x59: {  	_ =	shalt  }
0x5a: {  	_ =	shalt  }
0x5b: {  	_ =	shalt  }
0x5c: {  	_ =	shalt  }
0x5d: {  	_ =	shalt  }
0x5e: {  	_ =	shalt  }
0x5f: {  	_ =	shalt  }
0x60: {  	_ =	shalt  }
0x61: {  	_ =	shalt  }
0x62: {  	_ =	shalt  }
0x63: {  	_ =	shalt  }
0x64: {  	_ =	shalt  }
0x65: {  	_ =	shalt  }
0x66: {  	_ =	shalt  }
0x67: {  	_ =	shalt  }
0x68: {  	_ =	shalt  }
0x69: {  	_ =	shalt  }
0x6a: {  	_ =	shalt  }
0x6b: {  	_ =	shalt  }
0x6c: {  	_ =	shalt  }
0x6d: {  	_ =	shalt  }
0x6e: {  	_ =	shalt  }
0x6f: {  	_ =	shalt  }
0x70: {  	_ =	shalt  }
0x71: {  	_ =	shalt  }
0x72: {  	_ =	shalt  }
0x73: {  	_ =	shalt  }
0x74: {  	_ =	shalt  }
0x75: {  	_ =	shalt  }
0x76: {  	_ =	shalt  }
0x77: {  	_ =	shalt  }
0x78: {  	_ =	shalt  }
0x79: {  	_ =	shalt  }
0x7a: {  	_ =	shalt  }
0x7b: {  	_ =	shalt  }
0x7c: {  	_ =	shalt  }
0x7d: {  	_ =	shalt  }
0x7e: {  	_ =	shalt  }
0x7f: {  	_ =	shalt  }
0x80: {  	_ =	shalt  }
0x81: {  	_ =	shalt  }
0x82: {  	_ =	shalt  }
0x83: {  	_ =	shalt  }
0x84: {  	_ =	shalt  }
0x85: {  	_ =	shalt  }
0x86: {  	_ =	shalt  }
0x87: {  	_ =	shalt  }
.Lfunc_end0:
.L_simem_size_0:
called_computation.2_lowered:
.L_overlay_start_0:
0x88: {  	s2 =	sld [smem:$0x3FD9]  }
0x89: {  	s3 =	sld [smem:$0x3FFE];
	_ =	sdelay $0x1  }
0x8a: {  	s1 =	srdreg.scid  }
0x8b: {  	s0 =	sand.u32 $0x1, s1  }
0x8c: {  	s17 =	sshll.u32 s0, $0xA;
	s2 =	sadd.s32 s3, s2  }
0x8d: {  	s2 =	sadd.s32 s2, s17  }
0x8e: {  	[smem:$0x3FC2] =	sst s2  }
0x8f: {  	_ = 	snop  }
0x90: {  	s2 =	sld [smem:$0x3FD0];
	(tm) =	ssettm $0x1  }
0x91: {  	s18 =	sld [smem:$0x3FFB];
	_ =	sdelay $0x3  }
0x92: {  	_ =	strace s18  }
0x93: {  	s3 =	sld [smem:$0x3FFC];
	_ =	sdelay $0x3  }
0x94: {  	_ =	strace s3  }
0x95: {  	s3 =	sld [smem:$0x3FFD];
	_ =	sdelay $0x3  }
0x96: {  	_ =	strace s3  }
0x97: {  	_ =	strace $0x8FFFFFFF  }
0x98: {  	s19 =	sld [smem:$0x3FDB];
	_ =	sdelay $0x1  }
0x99: {  	s4 =	simm.s32 $_scs_section_size  }
0x9a: {  	s5 =	simm.s32 $_size__tile_overlayer_lowered;
	s6 =	simm.s32 $_tile_overlayer_lowered  }
0x9b: {  	s22 =	simm.s32 $0x1BFF;
	s21 =	sshll.u32 s6, $0x1;
	s3 =	sadd.s32 s4, s19  }
0x9c: {  	s7 =	simm.s32 $0x0;
	s20 =	sshll.u32 s5, $0x1;
	s5 =	sadd.s32 s21, s3  }
0x9d: {  	[timem:s7], [sflag:s22] =	dma.local [hbm:s5], s20  }
0x9e: {  	_ =	swait.ge [sflag:s22], s20  }
0x9f: {  	s4 =	ssub.s32 $0x0, s20;
	[sflag:s22] =	ssyncset.done $0x0  }
0xa0: {  	[sflag:s22] =	ssyncadd.s32 s4;
	_ =	sdelay $0x1  }
0xa1: {  	s23 =	simm.s32 $0x1B8B  }
0xa2: {  	_ =	swait.ge [sflag:s23], $0x1  }
0xa3: {  	[sflag:s23] =	ssyncset.done $0x0  }
0xa4: {  	s25 =	simm.s32 $0x1B8E;
	s24 =	sld [smem:$0x3FFE];
	[sflag:s23] =	ssyncadd.s32 $0xFFFFFFFF  }
0xa5: {  	s26 =	simm.s32 $execute0_lowered;
	[smem:$0x3FD2] =	sst s25  }
0xa6: {  	s5 =	sshll.u32 s26, $0x1;
	_ =	strace $0x8000004C;
	[dreg:$0x1] =	wrdreg $0xFFFFFFFF  }
0xa7: {  	s28 =	simm.s32 $_size_execute0_lowered;
	s3 =	sadd.s32 s3, s5;
	[dreg:$0x0] =	wrdreg $0x0  }
0xa8: {  	s5 =	sshll.u32 s28, $0x1;
	[dreg:$0x2] =	wrdreg s3  }
0xa9: {  	[dreg:$0x3] =	wrdreg s5  }
0xaa: {  	[dreg:$0x4] =	wrdreg $0xC0  }
0xab: {  	_ =	task [dreg:s7], $0x5FFFF  }
0xac: {  	[dreg:$0x1] =	wrdreg $0xFFFFFFFF  }
0xad: {  	[dreg:$0x0] =	wrdreg $0x60  }
0xae: {  	[dreg:$0x2] =	wrdreg s24  }
0xaf: {  	[dreg:$0x3] =	wrdreg s2  }
0xb0: {  	[dreg:$0x4] =	wrdreg $0xA1000  }
0xb1: {  	[dreg:$0x5] =	wrdreg $0x9  }
0xb2: {  	_ =	task.clear_ibuf [dreg:s7], $0x6FFFF;
	_ =	strace $0x9000004C  }
0xb3: {  	s29 =	simm.s32 $0x9;
	_ =	strace $0x8000004E  }
0xb4: {  	_ =	swait.ge [sflag:s29], $0x1  }
0xb5: {  	[sflag:s29] =	ssyncadd.s32 $0xFFFFFFFF  }
0xb6: {  	_ =	strace $0x9000004E  }
0xb7: {  	_ =	sfence  }
0xb8: {  	s30 =	sld [smem:$0x0];
	_ =	sdelay $0x2  }
0xb9: {  	s31 =	sshll.u32 s1, $0xD;
	s1 =	sshrl.u32 s1, $0x2  }
0xba: {  	s3 =	sand.u32 $0x4000, s31;
	s1 =	sadd.s32 s1, s30  }
0xbb: {  	s0 =	sor.u32 s3, s0;
	s1 =	sshll.u32 s1, $0x11  }
0xbc: {  	s0 =	sor.u32 s1, s0  }
0xbd: {  	s0 =	sadd.s32 $0x8F2B, s0  }
0xbe: {  	[sflag:s0] =	ssyncadd.remote.s32 $0x1  }
0xbf: {  	_ =	sfence.sel $0xFFFF  }
0xc0: {  	[dreg:$0x0] =	wrdreg $0xFFFFFFFF;
	(pc) =	sbr.abs _section_cstart, $3  }
0xc1: {  	[dreg:$0x1] =	wrdreg $0xFFFFFFFF  }
0xc2: {  	_ =	task.clear_ibuf [dreg:s7], $0x2FFFF;
	_ =	strace $0x9FFFFFFF  }
0xc3: {  	(tm) =	ssettm $0x7FFFFFFF  }
tec
execute0_lowered:
.L_overlay_start_1:
0x0: {  	(tag) =	ssettag $0x1  }
0x1: {  	s0 =	rddreg [dreg:$0x0]  }
0x2: {  	s2 =	rddreg [dreg:$0x1]  }
0x3: {  	s1 =	rddreg [dreg:$0x2]  }
0x4: {  	s3 =	srdreg.scid;
	s20 =	stileid.u32  }
0x5: {  	s29 =	simm.s32 $0x6;
	s4 =	sand.u32 $0x1, s3;
	s9 =	smul.u32 $0x500, s20  }
0x6: {  	s28 =	simm.s32 $0x0;
	s8 =	sor.u32 $0x10, s20;
	s6 =	smul.u32 $0x27100, s4  }
0x7: {  	s3 =	simm.s32 $0x0;
	s10 =	sor.u32 $0x20, s20;
	s11 =	smul.u32 $0x500, s8  }
0x8: {  	s14 =	sor.u32 $0x30, s20;
	s15 =	sor.u32 $0x40, s20;
	s13 =	smul.u32 $0x500, s10  }
0x9: {  	s16 =	sor.u32 $0x50, s20;
	s18 =	sor.u32 $0x60, s20;
	s24 =	smul.u32 $0x500, s14  }
0xa: {  	s22 =	sor.u32 $0x70, s20;
	p1 =	sgt.u32 s20, $0xC;
	s17 =	smul.u32 $0x500, s15  }
0xb: {  	s5 =	sshll.u32 s4, $0x4;
	[smem:$0x7FF] =	sst s3;
	s19 =	smul.u32 $0x500, s16  }
0xc: {  	s4 =	ssub.s32 $0x2, s4;
	s21 =	smul.u32 $0x500, s22;
	p0 =	sgt.u32 s22, $0x7C  }
0xd: {  	s5 =	sor.u32 s20, s5;
	_ =	strace $0x8000004D;
	s12 =	sshrl.u32 s4, $0x1  }
0xe: {  	s5 =	smul.u32 $0x2710, s5;
	s7 =	sadd.s32 s6, s0;
	s4 =	ssub.s32 s4, s12  }
0xf: {  	s12 =	sadd.s32 $0xC400, s0;
	s7 =	sadd.s32 $0x33600, s7;
	s4 =	smax.u32 s4, $0x1  }
0x10: {  	s9 =	sadd.s32 s7, s9;
	s25 =	sadd.s32 s7, s11;
	s26 =	sadd.s32 s7, s13  }
0x11: {  	s13 =	sadd.s32 s7, s24;
	s11 =	smul.u32 $0xA000, s8;
	[dreg:$0xe] =	wrdreg s4  }
0x12: {  	s24 =	sadd.s32 s7, s19;
	s19 =	smul.u32 $0xA000, s10;
	[dreg:$0x4] =	wrdreg s9  }
0x13: {  	s23 =	sadd.s32 s7, s17;
	s10 =	smul.u32 $0xA000, s18;
	[dreg:$0x5] =	wrdreg s25  }
0x14: {  	s5 =	sshrl.u32 s5, $0x3;
	s9 =	smul.u32 $0x500, s18;
	[dreg:$0x6] =	wrdreg s26  }
0x15: {  	s4 =	simm.s32 $0x2780;
	[dreg:$0x7] =	wrdreg s13;
	s25 =	smul.u32 $0x2710, s20  }
0x16: {  	[dreg:$0x8] =	wrdreg s23;
	s26 =	smul.u32 $0xA000, s20;
	s13 =	sadd.s32 $0x2600, s0  }
0x17: {  	[dreg:$0x9] =	wrdreg s24;
	s23 =	smul.u32 $0xA000, s14;
	s8 =	sadd.s32 s13, s5  }
0x18: {  	s0 =	sshrl.u32 s11, $0x2;
	s24 =	sshrl.u32 s19, $0x2;
	s14 =	sshrl.u32 s10, $0x2  }
0x19: {  	s10 =	simm.s32 $0x1;
	s9 =	sadd.s32 s7, s9;
	s7 =	sadd.s32 s7, s21  }
0x1a: {  	s6 =	sadd.s32 s25, s6;
	s17 =	sshrl.u32 s26, $0x2;
	s26 =	smul.u32 $0xA000, s15  }
0x1b: {  	s25 =	sadd.s32 s0, s1;
	s30 =	sadd.s32 s24, s1;
	[dreg:$0xd] =	wrdreg s8  }
0x1c: {  	s15 =	smul.u32 $0xA000, s22;
	s24 =	sadd.s32 $0xA, s8;
	[dreg:$0xa] =	wrdreg s9  }
0x1d: {  	[dreg:$0xb] =	wrdreg s7;
	s9 =	sadd.s32 s2, s5;
	s21 =	sadd.s32 s17, s1  }
0x1e: {  	s7 =	smul.u32 $0xA000, s16;
	s2 =	sshrl.u32 s23, $0x2;
	s16 =	sadd.s32 s14, s1  }
0x1f: {  	s17 =	sadd.s32 $0x140, s6;
	s19 =	sadd.s32 $0x190, s6;
	s23 =	sadd.s32 $0xF0, s6  }
0x20: {  	[dreg:$0x17] =	wrdreg s24;
	s5 =	simm.s32 $0x50;
	s6 =	simm.s32 $0x2800  }
0x21: {  	s14 =	simm.s32 $0x5;
	[dreg:$0xc] =	wrdreg s9;
	s9 =	sshrl.u32 s26, $0x2  }
0x22: {  	s31 =	sadd.s32 s2, s1;
	[dreg:$0x12] =	wrdreg s16;
	s18 =	sshrl.u32 s15, $0x2  }
0x23: {  	s22 =	sshrl.u32 s19, $0x3;
	[dreg:$0x16] =	wrdreg s23;
	s26 =	sadd.s32 $0x14, s8  }
0x24: {  	s8 =	simm.s32 $0x2880;
	s16 =	simm.s32 $0x7;
	s15 =	simm.s32 $0x8  }
0x25: {  	s11 =	sadd.s32 s9, s1;
	s0 =	sshrl.u32 s7, $0x2;
	[dreg:$0x18] =	wrdreg s26  }
0x26: {  	s2 =	sadd.s32 s18, s1;
	s7 =	simm.s32 $0x5100;
	[dreg:$0xf] =	wrdreg s31  }
.Ltmp0:
0x27: {  	[dreg:$0x10] =	wrdreg s11;
	s0 =	sadd.s32 s0, s1;
	(pc) =	sbr.rel .LBB2_1-.Ltmp0, $4  }
0x28: {  	s9 =	simm.s32 $0x7900;
	[dreg:$0x11] =	wrdreg s0;
	s0 =	sshrl.u32 s17, $0x3  }
0x29: {  	s26 =	simm.s32 $0x3;
	[dreg:$0x13] =	wrdreg s2;
	s0 =	sadd.s32 s0, s13  }
0x2a: {  	s2 =	simm.s32 $0x4;
	[dreg:$0x14] =	wrdreg s0;
	s0 =	sadd.s32 s22, s13  }
0x2b: {  	v0 =	vimm.f32 $0.0e+00;
	s11 =	simm.s32 $0x2;
	[dreg:$0x15] =	wrdreg s0;
	s0 =	simm.s32 $0x2900  }
.LBB2_8:
0x2c: {  	_ =	swait.ge [sflag:s11], $0x50  }
0x2d: {  	[sflag:s11] =	ssyncset.done $0x0  }
0x2e: {  	[sflag:s11] =	ssyncadd.s32 $0xFFFFFFB0  }
0x2f: {  	_ =	swait.ge [sflag:s14], $0x2800  }
0x30: {  	[sflag:s14] =	ssyncset.done $0x0  }
0x31: {  	[sflag:s14] =	ssyncadd.s32 $0xFFFFD800  }
0x32: {  	[spmem:s1] =	stream.indirect.scatter.add.f32 [tilespmem:s7], [sflag:$0x8], $0x80, s6, s5, $0xb8;
	[tilespmem:$0x1D980] =	vst v63  }
.LBB2_6:
0x33: {  	_ =	swait.ge [sflag:s16], $0x2800  }
0x34: {  	[sflag:s16] =	ssyncset.done $0x0  }
0x35: {  	[sflag:s16] =	ssyncadd.s32 $0xFFFFD800  }
0x36: {  	_ =	swait.ge [sflag:s15], $0x2800  }
0x37: {  	[sflag:s15] =	ssyncset.done $0x0  }
0x38: {  	s17 =	simm.s32 $0x9;
	[sflag:s15] =	ssyncadd.s32 $0xFFFFD800  }
0x39: {  	_ =	swait.ge [sflag:s17], $0x2800  }
0x3a: {  	[sflag:s17] =	ssyncset.done $0x0  }
0x3b: {  	s19 =	stileid.u32;
	[sflag:s17] =	ssyncadd.s32 $0xFFFFD800  }
0x3c: {  	s17 =	sshll.u32 s19, $0x6;
	[bflag:$0x0] =	sbarrier.arrive $0xFFFF  }
0x3d: {  	s18 =	sshrl.u32 s22, $0x3;
	s17 =	sor.u32 $0x1C04, s17;
	s19 =	rddreg [dreg:$0x4]  }
0x3e: {  	[hbm:s19], [sflag:s17] =	dma.local [spmem:s18], $0x500  }
0x3f: {  	s20 =	sshrl.u32 s23, $0x3;
	s19 =	rddreg [dreg:$0x5]  }
0x40: {  	[hbm:s19], [sflag:s17] =	dma.local [spmem:s20], $0x500  }
0x41: {  	s21 =	smov.u32 s22;
	s22 =	sshrl.u32 s24, $0x3;
	s19 =	rddreg [dreg:$0x6]  }
0x42: {  	[hbm:s19], [sflag:s17] =	dma.local [spmem:s22], $0x500  }
0x43: {  	s31 =	rddreg [dreg:$0xf]  }
0x44: {  	s25 =	smov.u32 s23;
	s19 =	rddreg [dreg:$0x7];
	s23 =	sshrl.u32 s31, $0x3  }
0x45: {  	[hbm:s19], [sflag:s17] =	dma.local [spmem:s23], $0x500  }
0x46: {  	s18 =	rddreg [dreg:$0x10]  }
0x47: {  	s19 =	rddreg [dreg:$0x8];
	s18 =	sshrl.u32 s18, $0x3  }
0x48: {  	[hbm:s19], [sflag:s17] =	dma.local [spmem:s18], $0x500  }
0x49: {  	s18 =	rddreg [dreg:$0x11]  }
0x4a: {  	s19 =	rddreg [dreg:$0x9];
	s18 =	sshrl.u32 s18, $0x3  }
0x4b: {  	[hbm:s19], [sflag:s17] =	dma.local [spmem:s18], $0x500  }
0x4c: {  	s18 =	rddreg [dreg:$0x12]  }
0x4d: {  	s19 =	rddreg [dreg:$0xa];
	s18 =	sshrl.u32 s18, $0x3  }
0x4e: {  	[hbm:s19], [sflag:s17] =	dma.local [spmem:s18], $0x500  }
0x4f: {  	s18 =	rddreg [dreg:$0x13]  }
0x50: {  	s19 =	rddreg [dreg:$0xb];
	s18 =	sshrl.u32 @!p0 s18, $0x3  }
0x51: {  	[hbm:s19], [sflag:s17] =	dma.local @!p0 [spmem:s18], $0x500  }
0x52: {  	_ =	swait.ge [sflag:s2], $0x500  }
0x53: {  	[sflag:s2] =	ssyncset.done $0x0  }
0x54: {  	[sflag:s2] =	ssyncadd.s32 $0xFFFFFB00  }
0x55: {  	_ =	swait.ge [sflag:s2], $0x500  }
0x56: {  	[sflag:s2] =	ssyncset.done $0x0  }
0x57: {  	[sflag:s2] =	ssyncadd.s32 $0xFFFFFB00  }
0x58: {  	_ =	swait.ge [sflag:s2], $0x500  }
0x59: {  	[sflag:s2] =	ssyncset.done $0x0  }
0x5a: {  	[sflag:s2] =	ssyncadd.s32 $0xFFFFFB00  }
0x5b: {  	_ =	swait.ge [sflag:s2], $0x500  }
0x5c: {  	[sflag:s2] =	ssyncset.done $0x0  }
0x5d: {  	[sflag:s2] =	ssyncadd.s32 $0xFFFFFB00  }
0x5e: {  	_ =	swait.ge [sflag:s2], $0x500  }
0x5f: {  	[sflag:s2] =	ssyncset.done $0x0  }
0x60: {  	[sflag:s2] =	ssyncadd.s32 $0xFFFFFB00  }
0x61: {  	_ =	swait.ge [sflag:s2], $0x500  }
0x62: {  	[sflag:s2] =	ssyncset.done $0x0  }
0x63: {  	[sflag:s2] =	ssyncadd.s32 $0xFFFFFB00  }
0x64: {  	_ =	swait.ge [sflag:s2], $0x500  }
0x65: {  	[sflag:s2] =	ssyncset.done $0x0  }
0x66: {  	s17 =	simm.s32 @!p1 $0x4;
	[sflag:s2] =	ssyncadd.s32 $0xFFFFFB00  }
0x67: {  	_ =	swait.ge @!p1 [sflag:s17], $0x500  }
0x68: {  	s30 =	smov.u32 s24;
	s28 =	sadd.s32 $0x1, s28;
	s24 =	rddreg [dreg:$0xe]  }
0x69: {  	p2 =	sne.s32 s28, s24  }
.Ltmp1:
0x6a: {  	_ = 	snop;
	(pc) =	sbr.rel @!p2 .LBB2_7-.Ltmp1, $3  }
0x6b: {  	_ =	sdelay $0x1  }
0x6c: {  	[sflag:s17] =	ssyncset.done @!p1 $0x0  }
0x6d: {  	[sflag:s17] =	ssyncadd.s32 @!p1 $0xFFFFFB00  }
.LBB2_1:
0x6e: {  	s17 =	rddreg [dreg:$0xc];
	s24 =	simm.s32 $0xA  }
0x6f: {  	[tilespmem:s3], [sflag:$0xA] =	stream.linear.gather [hbm4b:s17+s3], $0x2710, $0x38;
	[tilespmem:$0x1D980] =	vst v63  }
0x70: {  	_ =	swait.ge [sflag:s24], $0x2710  }
0x71: {  	[sflag:s24] =	ssyncset.done $0x0  }
0x72: {  	s18 =	simm.s32 $0x200;
	s17 =	simm.s32 $0x0;
	[sflag:s24] =	ssyncadd.s32 $0xFFFFD8F0  }
.LBB2_2:
0x73: {  	p2 =	sne.s32 s18, $0x9E00;
	[tilespmem:s17+$0x2970] =	vst v0  }
0x74: {  	[tilespmem:s17+$0x2900] =	vst v0  }
0x75: {  	[tilespmem:s17+$0x2910] =	vst v0  }
.Ltmp2:
0x76: {  	[tilespmem:s17+$0x2920] =	vst v0;
	(pc) =	sbr.rel @p2 .LBB2_2-.Ltmp2, $4  }
0x77: {  	[tilespmem:s17+$0x2930] =	vst v0  }
0x78: {  	[tilespmem:s17+$0x2940] =	vst v0  }
0x79: {  	[tilespmem:s17+$0x2950] =	vst v0  }
0x7a: {  	[tilespmem:s17+$0x2960] =	vst v0;
	s17 =	sshra.s32 s18, $0x2;
	s18 =	sadd.s32 $0x200, s18  }
0x7b: {  	[tilespmem:s17+$0x2970] =	vst v0  }
0x7c: {  	[tilespmem:s17+$0x2900] =	vst v0  }
0x7d: {  	[tilespmem:s17+$0x2910] =	vst v0  }
0x7e: {  	[tilespmem:s17+$0x2920] =	vst v0  }
0x7f: {  	[tilespmem:s17+$0x2930] =	vst v0  }
0x80: {  	[tilespmem:s17+$0x2940] =	vst v0  }
0x81: {  	[tilespmem:s17+$0x2950] =	vst v0  }
0x82: {  	[tilespmem:s17+$0x2960] =	vst v0  }
0x83: {  	[spmem:s21] =	stream.linear.scatter [tilespmem:s0], [sflag:$0x4], $0x2800, $0x38;
	[tilespmem:$0x1D980] =	vst v63  }
0x84: {  	_ = 	snop  }
0x85: {  	[spmem:s25] =	stream.linear.scatter [tilespmem:s0], [sflag:$0x4], $0x2800, $0x38;
	[tilespmem:$0x1D980] =	vst v63  }
0x86: {  	_ = 	snop  }
0x87: {  	[spmem:s30] =	stream.linear.scatter [tilespmem:s0], [sflag:$0x4], $0x2800, $0x38;
	[tilespmem:$0x1D980] =	vst v63  }
0x88: {  	_ = 	snop  }
0x89: {  	[spmem:s31] =	stream.linear.scatter [tilespmem:s0], [sflag:$0x4], $0x2800, $0x38;
	[tilespmem:$0x1D980] =	vst v63  }
0x8a: {  	s22 =	smov.u32 s21;
	s21 =	rddreg [dreg:$0x10]  }
0x8b: {  	[spmem:s21] =	stream.linear.scatter [tilespmem:s0], [sflag:$0x4], $0x2800, $0x38;
	[tilespmem:$0x1D980] =	vst v63  }
0x8c: {  	s23 =	smov.u32 s25;
	s25 =	rddreg [dreg:$0x11]  }
0x8d: {  	[spmem:s25] =	stream.linear.scatter [tilespmem:s0], [sflag:$0x4], $0x2800, $0x38;
	[tilespmem:$0x1D980] =	vst v63  }
0x8e: {  	s18 =	rddreg [dreg:$0x12]  }
0x8f: {  	[spmem:s18] =	stream.linear.scatter [tilespmem:s0], [sflag:$0x4], $0x2800, $0x38;
	[tilespmem:$0x1D980] =	vst v63  }
0x90: {  	s17 =	simm.s32 @!p0 $0x2900;
	s18 =	rddreg [dreg:$0x13]  }
0x91: {  	[spmem:s18] =	stream.linear.scatter @!p0 [tilespmem:s17], [sflag:$0x4], $0x2800, $0x38;
	[tilespmem:$0x1D980] =	vst v63  }
0x92: {  	_ =	swait.ge [sflag:s2], $0x2800  }
0x93: {  	[sflag:s2] =	ssyncset.done $0x0  }
0x94: {  	[sflag:s2] =	ssyncadd.s32 $0xFFFFD800  }
0x95: {  	_ =	swait.ge [sflag:s2], $0x2800  }
0x96: {  	[sflag:s2] =	ssyncset.done $0x0  }
0x97: {  	[sflag:s2] =	ssyncadd.s32 $0xFFFFD800  }
0x98: {  	_ =	swait.ge [sflag:s2], $0x2800  }
0x99: {  	[sflag:s2] =	ssyncset.done $0x0  }
0x9a: {  	[sflag:s2] =	ssyncadd.s32 $0xFFFFD800  }
0x9b: {  	_ =	swait.ge [sflag:s2], $0x2800  }
0x9c: {  	[sflag:s2] =	ssyncset.done $0x0  }
0x9d: {  	[sflag:s2] =	ssyncadd.s32 $0xFFFFD800  }
0x9e: {  	_ =	swait.ge [sflag:s2], $0x2800  }
0x9f: {  	[sflag:s2] =	ssyncset.done $0x0  }
0xa0: {  	[sflag:s2] =	ssyncadd.s32 $0xFFFFD800  }
0xa1: {  	_ =	swait.ge [sflag:s2], $0x2800  }
0xa2: {  	[sflag:s2] =	ssyncset.done $0x0  }
0xa3: {  	[sflag:s2] =	ssyncadd.s32 $0xFFFFD800  }
0xa4: {  	_ =	swait.ge [sflag:s2], $0x2800  }
0xa5: {  	[sflag:s2] =	ssyncset.done $0x0  }
0xa6: {  	s17 =	simm.s32 @!p1 $0x4;
	[sflag:s2] =	ssyncadd.s32 $0xFFFFD800  }
0xa7: {  	_ =	swait.ge @!p1 [sflag:s17], $0x2800  }
0xa8: {  	s24 =	smov.u32 s30;
	[sflag:s17] =	ssyncset.done @!p1 $0x0  }
0xa9: {  	s30 =	simm.s32 $0x0;
	s19 =	rddreg [dreg:$0xd];
	[sflag:s17] =	ssyncadd.s32 @!p1 $0xFFFFD800  }
0xaa: {  	[tilespmem:s4], [sflag:$0x1] =	stream.linear.gather [hbm4b:s19+s30], $0x50, $0x38;
	[tilespmem:$0x1D980] =	vst v63  }
0xab: {  	_ = 	snop  }
0xac: {  	[tilespmem:s0], [sflag:$0x4] =	stream.indirect.gather [hbm4b:s12+s5], $0x80, s30, s5, $0xb8;
	[tilespmem:$0x1D980] =	vst v63  }
0xad: {  	s20 =	rddreg [dreg:$0x17]  }
0xae: {  	[tilespmem:s6], [sflag:$0x2] =	stream.linear.gather [hbm4b:s20+s30], $0x50, $0x38;
	[tilespmem:$0x1D980] =	vst v63  }
0xaf: {  	_ = 	snop  }
0xb0: {  	[tilespmem:s7], [sflag:$0x5] =	stream.indirect.gather [hbm4b:s12+s5], $0x80, s5, s5, $0xb8;
	[tilespmem:$0x1D980] =	vst v63  }
0xb1: {  	s21 =	rddreg [dreg:$0x18]  }
0xb2: {  	[tilespmem:s8], [sflag:$0x3] =	stream.linear.gather [hbm4b:s21+s30], $0x50, $0x38;
	[tilespmem:$0x1D980] =	vst v63  }
0xb3: {  	s25 =	simm.s32 $0xA0  }
0xb4: {  	[tilespmem:s9], [sflag:$0x6] =	stream.indirect.gather [hbm4b:s12+s5], $0x80, s25, s5, $0xb8;
	[tilespmem:$0x1D980] =	vst v63  }
0xb5: {  	[bflag:$0x0] =	sbarrier.arrive $0xFFFF  }
0xb6: {  	s31 =	rddreg [dreg:$0x16]  }
0xb7: {  	s25 =	rddreg [dreg:$0x15]  }
0xb8: {  	s18 =	simm.s32 $0x0;
	s17 =	rddreg [dreg:$0x14]  }
.LBB2_4:
0xb9: {  	_ =	swait.ge [sflag:s10], $0x50  }
0xba: {  	p2 =	seq.s32 s30, $0x99C0;
	[sflag:s10] =	ssyncset.done $0x0  }
.Ltmp3:
0xbb: {  	[sflag:s10] =	ssyncadd.s32 $0xFFFFFFB0;
	(pc) =	sbr.rel @p2 .LBB2_8-.Ltmp3, $4  }
0xbc: {  	_ =	swait.ge [sflag:s2], $0x2800  }
0xbd: {  	[sflag:s2] =	ssyncset.done $0x0  }
0xbe: {  	[sflag:s2] =	ssyncadd.s32 $0xFFFFD800  }
0xbf: {  	[spmem:s1] =	stream.indirect.scatter.add.f32 [tilespmem:s0], [sflag:$0x7], $0x80, s4, s5, $0xb8;
	[tilespmem:$0x1D980] =	vst v63  }
0xc0: {  	_ =	swait.ge [sflag:s16], $0x2800  }
0xc1: {  	s19 =	sshrl.u32 s31, $0x3;
	[sflag:s16] =	ssyncset.done $0x0  }
0xc2: {  	s21 =	sshra.s32 s30, $0x2;
	s19 =	sadd.s32 s13, s19;
	[sflag:s16] =	ssyncadd.s32 $0xFFFFD800  }
0xc3: {  	[tilespmem:s4], [sflag:$0x1] =	stream.linear.gather [hbm4b:s19+s3], $0x50, $0x38;
	[tilespmem:$0x1D980] =	vst v63  }
0xc4: {  	s20 =	sadd.s32 $0xF0, s21  }
0xc5: {  	[tilespmem:s0], [sflag:$0x4] =	stream.indirect.gather [hbm4b:s12+s5], $0x80, s20, s5, $0xb8;
	[tilespmem:$0x1D980] =	vst v63  }
0xc6: {  	_ =	swait.ge [sflag:s11], $0x50  }
0xc7: {  	[sflag:s11] =	ssyncset.done $0x0  }
0xc8: {  	[sflag:s11] =	ssyncadd.s32 $0xFFFFFFB0  }
0xc9: {  	_ =	swait.ge [sflag:s14], $0x2800  }
0xca: {  	[sflag:s14] =	ssyncset.done $0x0  }
0xcb: {  	[sflag:s14] =	ssyncadd.s32 $0xFFFFD800  }
0xcc: {  	[spmem:s1] =	stream.indirect.scatter.add.f32 [tilespmem:s7], [sflag:$0x8], $0x80, s6, s5, $0xb8;
	[tilespmem:$0x1D980] =	vst v63  }
0xcd: {  	_ =	swait.ge [sflag:s15], $0x2800  }
0xce: {  	[sflag:s15] =	ssyncset.done $0x0  }
0xcf: {  	[sflag:s15] =	ssyncadd.s32 $0xFFFFD800  }
0xd0: {  	[tilespmem:s6], [sflag:$0x2] =	stream.linear.gather [hbm4b:s17+s3], $0x50, $0x38;
	[tilespmem:$0x1D980] =	vst v63  }
0xd1: {  	s19 =	sadd.s32 $0x140, s21  }
0xd2: {  	[tilespmem:s7], [sflag:$0x5] =	stream.indirect.gather [hbm4b:s12+s5], $0x80, s19, s5, $0xb8;
	[tilespmem:$0x1D980] =	vst v63  }
0xd3: {  	_ =	swait.ge [sflag:s26], $0x50  }
0xd4: {  	[sflag:s26] =	ssyncset.done $0x0  }
0xd5: {  	[sflag:s26] =	ssyncadd.s32 $0xFFFFFFB0  }
0xd6: {  	_ =	swait.ge [sflag:s29], $0x2800  }
0xd7: {  	p2 =	sgt.u32 s18, $0x27;
	[sflag:s29] =	ssyncset.done $0x0  }
0xd8: {  	s19 =	simm.s32 @!p2 $0x9;
	[sflag:s29] =	ssyncadd.s32 $0xFFFFD800  }
0xd9: {  	[spmem:s1] =	stream.indirect.scatter.add.f32 [tilespmem:s9], [sflag:$0x9], $0x80, s8, s5, $0xb8;
	[tilespmem:$0x1D980] =	vst v63  }
0xda: {  	_ =	swait.ge @!p2 [sflag:s19], $0x2800  }
0xdb: {  	[sflag:s19] =	ssyncset.done @!p2 $0x0  }
0xdc: {  	s20 =	simm.s32 @!p2 $0x2880;
	[sflag:s19] =	ssyncadd.s32 @!p2 $0xFFFFD800;
	s19 =	simm.s32 @!p2 $0x0  }
0xdd: {  	[tilespmem:s20], [sflag:$0x3] =	stream.linear.gather @!p2 [hbm4b:s25+s19], $0x50, $0x38;
	[tilespmem:$0x1D980] =	vst v63  }
0xde: {  	s21 =	simm.s32 @!p2 $0x7900;
	s19 =	sshra.s32 @!p2 s30, $0x2  }
0xdf: {  	s20 =	simm.s32 @!p2 $0x50;
	s30 =	sadd.s32 $0x3C0, s30;
	s19 =	sadd.s32 @!p2 $0x190, s19  }
0xe0: {  	[tilespmem:s21], [sflag:$0x6] =	stream.indirect.gather @!p2 [hbm4b:s12+s20], $0x80, s19, s20, $0xb8;
	[tilespmem:$0x1D980] =	vst v63  }
0xe1: {  	p2 =	sne.s32 s30, $0x9D80  }
.Ltmp4:
0xe2: {  	_ = 	snop;
	(pc) =	sbr.rel @p2 .LBB2_4-.Ltmp4, $4  }
.Ltmp5:
0xe3: {  	_ = 	snop;
	(pc) =	sbr.rel @!p2 .LBB2_6-.Ltmp5, $4  }
0xe4: {  	_ = 	snop  }
0xe5: {  	s18 =	sadd.s32 $0x1, s18  }
0xe6: {  	s31 =	sadd.s32 $0xF0, s31;
	s17 =	sadd.s32 $0x1E, s17;
	s25 =	sadd.s32 $0x1E, s25  }
0xe7: {  	_ = 	snop  }
.LBB2_7:
0xe8: {  	_ =	sfence.sel $0x180000  }
0xe9: {  	[bflag:$0x0] =	sbarrier.arrive $0xFFFF  }
0xea: {  	_ =	strace $0x9000004D  }
0xeb: {  	s0 =	stileid.u32;
	[bflag:$0x2] =	sbarrier.arrive $0xFFFF  }
0xec: {  	p0 =	sne.s32 s0, $0x0;
	s0 =	rddreg [dreg:$0x3]  }
0xed: {  	s0 =	sadd.s32 @!p0 $0x100000, s0  }
0xee: {  	[sflag:s0] =	ssyncadd.tile.s32 @!p0 $0x1;
	_ =	shalt  }
.Lfunc_end2:
_tile_overlayer_lowered:
.L_overlay_start_2:
0xef: {  	(tag) =	ssettag $0x2  }
0xf0: {  	s0 =	rddreg [dreg:$0x0];
	s2 =	stileid.u32  }
0xf1: {  	s1 =	rddreg [dreg:$0x1];
	p0 =	sne.s32 s2, $0x0  }
0xf2: {  	s3 =	rddreg [dreg:$0x2];
	[bflag:$0x3] =	sbarrier.arrive $0xFFFF;
	s2 =	simm.s32 @!p0 $0x1C0A  }
0xf3: {  	[timem:s3], [sflag:s2] =	dma.local @!p0 [hbm:s0], s1  }
0xf4: {  	s0 =	simm.s32 @!p0 $0xA  }
0xf5: {  	_ =	swait.ge @!p0 [sflag:s0], s1  }
0xf6: {  	s1 =	ssub.s32 @!p0 $0x0, s1;
	[sflag:s0] =	ssyncset.done @!p0 $0x0  }
0xf7: {  	[sflag:s0] =	ssyncadd.s32 @!p0 s1  }
0xf8: {  	[bflag:$0x3] =	sbarrier.arrive $0xFFFF  }
0xf9: {  	_ =	shalt  }

// kernel: kernel.8.cloned.1.call-start
scs
__scs_entry_jumppad:
0x0: {  	(pc) =	sbr.rel $0x88, $3  }
0x1: {  	(tag) =	ssettag $0x0;
	lr =	simm.s32 $0x1  }
0x2: {  	[smem:$0x3F9B] =	sst lr;
	_ =	strace $0xD0000000  }
0x3: {  	_ = 	snop  }
0x4: {  	_ = 	snop  }
0x5: {  	_ = 	snop  }
0x6: {  	_ = 	snop  }
0x7: {  	_ = 	snop  }
__scs_overlays_trampoline_lowered:
0x8: {  	[smem:$0x3FAA] =	sst s0  }
0x9: {  	[smem:$0x3FAB] =	sst s1  }
0xa: {  	[smem:$0x3FAC] =	sst s2  }
0xb: {  	[smem:$0x3FAD] =	sst s3  }
0xc: {  	[smem:$0x3FAE] =	sst s4  }
0xd: {  	[smem:$0x3FAF] =	sst s5  }
0xe: {  	[smem:$0x3FB0] =	sst s6  }
0xf: {  	[smem:$0x3FB1] =	sst s7  }
0x10: {  	[smem:$0x3FB2] =	sst s8  }
0x11: {  	[smem:$0x3FB3] =	sst s9;
	s0 =	simm.s32 @!p0 $0x0  }
0x12: {  	s1 =	sld [smem:$0x3F99];
	s0 =	simm.s32 @p0 $0x1  }
0x13: {  	[smem:$0x3FB4] =	sst s0;
	s0 =	simm.s32 @!p1 $0x0  }
0x14: {  	s2 =	sld [smem:$0x3F98];
	s0 =	simm.s32 @p1 $0x1  }
0x15: {  	[smem:$0x3FB5] =	sst s0;
	s0 =	simm.s32 @!p2 $0x0  }
0x16: {  	s3 =	sld [smem:$0x3FDB];
	s0 =	simm.s32 @p2 $0x1  }
0x17: {  	s4 =	simm.s32 $0x1BF5;
	[smem:$0x3FB7] =	sst s0  }
0x18: {  	s0 =	sld [smem:$0x3F9A];
	_ =	swait.ge [sflag:s4], $0x0  }
0x19: {  	s7 =	sld [smem:$0x3F9B]  }
0x1a: {  	s8 =	sadd.s32 $0xFFFFE003, lr  }
0x1b: {  	s9 =	sadd.s32 $0xFFFFFEF7, lr;
	s5 =	simm.s32 $0xFFFFFFFF;
	p2 =	slt.u32 s8, $0xFFFFF086  }
0x1c: {  	p1 =	slt.u32 s9, $0xF7A;
	s5 =	simm.s32 @!p2 $0x0  }
0x1d: {  	s5 =	simm.s32 @p1 $0x1;
	p0 =	seq.s32 s7, s2  }
0x1e: {  	s7 =	smul.u32 @!p0 $0xF7A, s2;
	p2 =	seq.s32 @!p0 s5, $0x0  }
0x1f: {  	s9 =	smul.u32 $0xF7A, s1;
	s8 =	simm.s32 @!p0 $0x1BF5;
	p2 =	por !p2, p0  }
0x20: {  	[sflag:s8] =	ssyncset.s32 @!p0 $0xFFFFF086;
	s6 =	sadd.s32 @!p0 s3, s7;
	s7 =	simm.s32 @!p0 $0x108  }
0x21: {  	s3 =	sadd.s32 s3, s9;
	s6 =	sadd.s32 @!p0 $0x88, s6;
	s7 =	simm.s32 @p2 $0x1082  }
0x22: {  	[simem:s7], [sflag:s8] =	dma.local @!p0 [hbm:s6], $0xF7A  }
0x23: {  	s9 =	sor.u32 $0xD0000000, s2;
	s6 =	simm.s32 $0x108;
	_ =	swait.ge @!p0 [sflag:s8], $0x0  }
0x24: {  	s3 =	sadd.s32 $0x88, s3;
	s6 =	simm.s32 @!p1 $0x1082;
	[sflag:s4] =	ssyncset.s32 $0xFFFFF086  }
0x25: {  	[simem:s6], [sflag:s4] =	dma.local [hbm:s3], $0xF7A  }
0x26: {  	[smem:$0x3F9B] =	sst s1;
	(tag) =	ssettag s2;
	_ =	strace s9  }
0x27: {  	s1 =	sld [smem:$0x3FAB]  }
0x28: {  	s2 =	sld [smem:$0x3FAC]  }
0x29: {  	s4 =	sld [smem:$0x3FAE]  }
0x2a: {  	p0 =	seq.s32 s5, $0x0;
	s5 =	sld [smem:$0x3FAF]  }
0x2b: {  	s6 =	sld [smem:$0x3FB0]  }
0x2c: {  	s7 =	sld [smem:$0x3FB1]  }
0x2d: {  	s3 =	simm.s32 $0x108;
	s8 =	sld [smem:$0x3FB2]  }
0x2e: {  	s3 =	simm.s32 @!p0 $0x1082;
	s9 =	sld [smem:$0x3FB3]  }
0x2f: {  	lr =	sadd.s32 s0, s3;
	s0 =	sld [smem:$0x3FAA]  }
0x30: {  	s3 =	sld [smem:$0x3FAD]  }
0x31: {  	[smem:$0x3FB6] =	sst s10  }
0x32: {  	s10 =	sld [smem:$0x3FB4];
	_ =	sdelay $0x3  }
0x33: {  	p0 =	seq.s32 s10, $0x1;
	s10 =	sld [smem:$0x3FB6];
	_ =	sdelay $0x3  }
0x34: {  	[smem:$0x3FB6] =	sst s10  }
0x35: {  	s10 =	sld [smem:$0x3FB5];
	_ =	sdelay $0x3  }
0x36: {  	p1 =	seq.s32 s10, $0x1;
	s10 =	sld [smem:$0x3FB6];
	_ =	sdelay $0x3  }
0x37: {  	[smem:$0x3FB6] =	sst s10  }
0x38: {  	s10 =	sld [smem:$0x3FB7]  }
0x39: {  	_ = 	snop;
	(pc) =	sbr.ind lr, $3  }
0x3a: {  	_ = 	snop  }
0x3b: {  	_ = 	snop  }
0x3c: {  	p2 =	seq.s32 s10, $0x1;
	s10 =	sld [smem:$0x3FB6]  }
0x3d: {  	_ =	shalt  }
0x3e: {  	_ =	shalt  }
0x3f: {  	_ =	shalt  }
0x40: {  	_ =	shalt  }
0x41: {  	_ =	shalt  }
0x42: {  	_ =	shalt  }
0x43: {  	_ =	shalt  }
0x44: {  	_ =	shalt  }
0x45: {  	_ =	shalt  }
0x46: {  	_ =	shalt  }
0x47: {  	_ =	shalt  }
0x48: {  	_ =	shalt  }
0x49: {  	_ =	shalt  }
0x4a: {  	_ =	shalt  }
0x4b: {  	_ =	shalt  }
0x4c: {  	_ =	shalt  }
0x4d: {  	_ =	shalt  }
0x4e: {  	_ =	shalt  }
0x4f: {  	_ =	shalt  }
0x50: {  	_ =	shalt  }
0x51: {  	_ =	shalt  }
0x52: {  	_ =	shalt  }
0x53: {  	_ =	shalt  }
0x54: {  	_ =	shalt  }
0x55: {  	_ =	shalt  }
0x56: {  	_ =	shalt  }
0x57: {  	_ =	shalt  }
0x58: {  	_ =	shalt  }
0x59: {  	_ =	shalt  }
0x5a: {  	_ =	shalt  }
0x5b: {  	_ =	shalt  }
0x5c: {  	_ =	shalt  }
0x5d: {  	_ =	shalt  }
0x5e: {  	_ =	shalt  }
0x5f: {  	_ =	shalt  }
0x60: {  	_ =	shalt  }
0x61: {  	_ =	shalt  }
0x62: {  	_ =	shalt  }
0x63: {  	_ =	shalt  }
0x64: {  	_ =	shalt  }
0x65: {  	_ =	shalt  }
0x66: {  	_ =	shalt  }
0x67: {  	_ =	shalt  }
0x68: {  	_ =	shalt  }
0x69: {  	_ =	shalt  }
0x6a: {  	_ =	shalt  }
0x6b: {  	_ =	shalt  }
0x6c: {  	_ =	shalt  }
0x6d: {  	_ =	shalt  }
0x6e: {  	_ =	shalt  }
0x6f: {  	_ =	shalt  }
0x70: {  	_ =	shalt  }
0x71: {  	_ =	shalt  }
0x72: {  	_ =	shalt  }
0x73: {  	_ =	shalt  }
0x74: {  	_ =	shalt  }
0x75: {  	_ =	shalt  }
0x76: {  	_ =	shalt  }
0x77: {  	_ =	shalt  }
0x78: {  	_ =	shalt  }
0x79: {  	_ =	shalt  }
0x7a: {  	_ =	shalt  }
0x7b: {  	_ =	shalt  }
0x7c: {  	_ =	shalt  }
0x7d: {  	_ =	shalt  }
0x7e: {  	_ =	shalt  }
0x7f: {  	_ =	shalt  }
0x80: {  	_ =	shalt  }
0x81: {  	_ =	shalt  }
0x82: {  	_ =	shalt  }
0x83: {  	_ =	shalt  }
0x84: {  	_ =	shalt  }
0x85: {  	_ =	shalt  }
0x86: {  	_ =	shalt  }
0x87: {  	_ =	shalt  }
.Lfunc_end0:
.L_simem_size_0:
called_computation_lowered:
.L_overlay_start_0:
0x88: {  	s2 =	sld [smem:$0x3FD9]  }
0x89: {  	s3 =	sld [smem:$0x3FFE];
	_ =	sdelay $0x1  }
0x8a: {  	s1 =	srdreg.scid  }
0x8b: {  	s0 =	sand.u32 $0x1, s1  }
0x8c: {  	s16 =	sshll.u32 s0, $0xA;
	s2 =	sadd.s32 s3, s2  }
0x8d: {  	s2 =	sadd.s32 s2, s16  }
0x8e: {  	[smem:$0x3FC2] =	sst s2  }
0x8f: {  	_ = 	snop  }
0x90: {  	(tm) =	ssettm $0x1  }
0x91: {  	s17 =	sld [smem:$0x3FFB];
	_ =	sdelay $0x3  }
0x92: {  	_ =	strace s17  }
0x93: {  	s2 =	sld [smem:$0x3FFC];
	_ =	sdelay $0x3  }
0x94: {  	_ =	strace s2  }
0x95: {  	s2 =	sld [smem:$0x3FFD];
	_ =	sdelay $0x3  }
0x96: {  	_ =	strace s2  }
0x97: {  	_ =	strace $0x8FFFFFFF  }
0x98: {  	s18 =	sld [smem:$0x3FDB];
	_ =	sdelay $0x1  }
0x99: {  	s19 =	simm.s32 $_scs_section_size  }
0x9a: {  	s4 =	simm.s32 $_size__tile_overlayer_lowered;
	s5 =	simm.s32 $_tile_overlayer_lowered  }
0x9b: {  	s22 =	simm.s32 $0x1BFF;
	s21 =	sshll.u32 s5, $0x1;
	s2 =	sadd.s32 s19, s18  }
0x9c: {  	s6 =	simm.s32 $0x0;
	s20 =	sshll.u32 s4, $0x1;
	s4 =	sadd.s32 s21, s2  }
0x9d: {  	[timem:s6], [sflag:s22] =	dma.local [hbm:s4], s20  }
0x9e: {  	_ =	swait.ge [sflag:s22], s20  }
0x9f: {  	s3 =	ssub.s32 $0x0, s20;
	[sflag:s22] =	ssyncset.done $0x0  }
0xa0: {  	[sflag:s22] =	ssyncadd.s32 s3;
	_ =	sdelay $0x1  }
0xa1: {  	s23 =	simm.s32 $0x1B8B  }
0xa2: {  	_ =	swait.ge [sflag:s23], $0x1  }
0xa3: {  	[sflag:s23] =	ssyncset.done $0x0  }
0xa4: {  	s25 =	simm.s32 $0x1B8E;
	s24 =	sld [smem:$0x3FFE];
	[sflag:s23] =	ssyncadd.s32 $0xFFFFFFFF  }
0xa5: {  	s26 =	simm.s32 $execute0_lowered;
	[smem:$0x3FD2] =	sst s25  }
0xa6: {  	s4 =	sshll.u32 s26, $0x1;
	_ =	strace $0x80000046;
	[dreg:$0x1] =	wrdreg $0xFFFFFFFF  }
0xa7: {  	s28 =	simm.s32 $_size_execute0_lowered;
	s2 =	sadd.s32 s2, s4;
	[dreg:$0x0] =	wrdreg $0x0  }
0xa8: {  	s4 =	sshll.u32 s28, $0x1;
	[dreg:$0x2] =	wrdreg s2  }
0xa9: {  	[dreg:$0x3] =	wrdreg s4  }
0xaa: {  	[dreg:$0x4] =	wrdreg $0xC0  }
0xab: {  	_ =	task [dreg:s6], $0x5FFFF  }
0xac: {  	[dreg:$0x1] =	wrdreg $0xFFFFFFFF  }
0xad: {  	[dreg:$0x0] =	wrdreg $0x60  }
0xae: {  	[dreg:$0x2] =	wrdreg s24  }
0xaf: {  	[dreg:$0x3] =	wrdreg $0x5000  }
0xb0: {  	[dreg:$0x4] =	wrdreg $0x9  }
0xb1: {  	_ =	task.clear_ibuf [dreg:s6], $0x5FFFF;
	_ =	strace $0x90000046  }
0xb2: {  	s29 =	simm.s32 $0x9;
	_ =	strace $0x80000048  }
0xb3: {  	_ =	swait.ge [sflag:s29], $0x1  }
0xb4: {  	[sflag:s29] =	ssyncadd.s32 $0xFFFFFFFF  }
0xb5: {  	_ =	strace $0x90000048  }
0xb6: {  	_ =	sfence  }
0xb7: {  	s30 =	sld [smem:$0x0];
	_ =	sdelay $0x2  }
0xb8: {  	s31 =	sshll.u32 s1, $0xD;
	s1 =	sshrl.u32 s1, $0x2  }
0xb9: {  	s3 =	sand.u32 $0x4000, s31;
	s1 =	sadd.s32 s1, s30  }
0xba: {  	s0 =	sor.u32 s3, s0;
	s1 =	sshll.u32 s1, $0x11  }
0xbb: {  	s0 =	sor.u32 s1, s0  }
0xbc: {  	s0 =	sadd.s32 $0x8F2B, s0  }
0xbd: {  	[sflag:s0] =	ssyncadd.remote.s32 $0x1  }
0xbe: {  	_ =	sfence.sel $0xFFFF  }
0xbf: {  	[dreg:$0x0] =	wrdreg $0xFFFFFFFF;
	(pc) =	sbr.abs _section_cstart, $3  }
0xc0: {  	[dreg:$0x1] =	wrdreg $0xFFFFFFFF  }
0xc1: {  	_ =	task.clear_ibuf [dreg:s6], $0x2FFFF;
	_ =	strace $0x9FFFFFFF  }
0xc2: {  	(tm) =	ssettm $0x7FFFFFFF  }
0xc3: {  	_ =	shalt  }
tec
execute0_lowered:
.L_overlay_start_1:
0x0: {  	(tag) =	ssettag $0x1  }
0x1: {  	s0 =	srdreg.scid  }
0x2: {  	s5 =	rddreg [dreg:$0x0];
	s23 =	stileid.u32;
	s28 =	simm.s32 $0x400  }
0x3: {  	s29 =	simm.s32 $0x3;
	s30 =	simm.s32 $0x5;
	s31 =	simm.s32 $0x8  }
0x4: {  	s6 =	sand.u32 $0x1, s0;
	s7 =	sadd.s32 $0xC400, s5;
	s12 =	sor.u32 $0x10, s23  }
0x5: {  	s16 =	sor.u32 $0x50, s23;
	s0 =	ssub.s32 $0x2, s6;
	s8 =	smul.u32 $0x2710, s6  }
0x6: {  	s13 =	sor.u32 $0x20, s23;
	s19 =	smul.u32 $0x50, s16;
	s1 =	sshrl.u32 s0, $0x1  }
0x7: {  	s14 =	sor.u32 $0x30, s23;
	s10 =	ssub.s32 s0, s1;
	s0 =	smul.u32 $0x50, s23  }
0x8: {  	s15 =	sor.u32 $0x40, s23;
	s17 =	sor.u32 $0x60, s23;
	s1 =	smul.u32 $0x50, s12  }
0x9: {  	s18 =	sor.u32 $0x70, s23;
	p1 =	sgt.u32 s23, $0xC;
	s20 =	smul.u32 $0x50, s17  }
0xa: {  	p0 =	sgt.u32 s18, $0x7C;
	s2 =	sadd.s32 s8, s0;
	s21 =	sadd.s32 s8, s1  }
0xb: {  	s3 =	sshrl.u32 s2, $0x3;
	s2 =	smul.u32 $0x50, s13;
	s4 =	sshrl.u32 s21, $0x3  }
0xc: {  	s25 =	sadd.s32 s8, s19;
	s3 =	sadd.s32 s7, s3;
	s4 =	sadd.s32 s7, s4  }
0xd: {  	[dreg:$0x3] =	wrdreg s3;
	s9 =	sadd.s32 s8, s2;
	s3 =	smul.u32 $0x50, s14  }
0xe: {  	[dreg:$0x4] =	wrdreg s4;
	s4 =	smul.u32 $0x50, s15;
	s9 =	sshrl.u32 s9, $0x3  }
0xf: {  	s10 =	smax.u32 s10, $0x1;
	s21 =	sadd.s32 s8, s20;
	s9 =	sadd.s32 s7, s9  }
0x10: {  	s22 =	sadd.s32 s8, s3;
	s11 =	sadd.s32 s8, s4;
	[dreg:$0x5] =	wrdreg s9  }
0x11: {  	s9 =	sshrl.u32 s22, $0x3;
	s24 =	sshrl.u32 s11, $0x3;
	s11 =	sshrl.u32 s25, $0x3  }
0x12: {  	s22 =	smul.u32 $0x50, s18;
	s9 =	sadd.s32 s7, s9;
	s26 =	sadd.s32 s7, s11  }
0x13: {  	s11 =	sshrl.u32 s21, $0x3;
	s21 =	sshll.u32 s6, $0x4;
	s6 =	smul.u32 $0x27100, s6  }
0x14: {  	[dreg:$0x6] =	wrdreg s9;
	s9 =	sadd.s32 s7, s24;
	s24 =	smul.u32 $0x2710, s23  }
0x15: {  	[dreg:$0x8] =	wrdreg s26;
	s8 =	sadd.s32 s8, s22;
	s26 =	smul.u32 $0x140, s23  }
0x16: {  	[dreg:$0x7] =	wrdreg s9;
	s9 =	sadd.s32 s7, s11;
	s8 =	sshrl.u32 s8, $0x3  }
0x17: {  	s11 =	sadd.s32 $0x2600, s5;
	s5 =	smul.u32 $0x140, s12;
	s12 =	rddreg [dreg:$0x1]  }
0x18: {  	[dreg:$0x9] =	wrdreg s9;
	s6 =	sadd.s32 s24, s6;
	s24 =	smul.u32 $0x140, s13  }
0x19: {  	s7 =	sadd.s32 s7, s8;
	s8 =	sshrl.u32 s26, $0x2;
	s26 =	smul.u32 $0x140, s15  }
0x1a: {  	s9 =	simm.s32 $0x0;
	s13 =	smul.u32 $0x140, s16;
	[dreg:$0xa] =	wrdreg s7  }
0x1b: {  	s25 =	sor.u32 s23, s21;
	s15 =	smul.u32 $0x140, s17;
	[smem:$0x7FF] =	sst s9  }
0x1c: {  	s8 =	sadd.s32 s8, s12;
	_ =	strace $0x80000047;
	[dreg:$0xc] =	wrdreg s10  }
0x1d: {  	s16 =	smul.u32 $0x140, s18;
	s0 =	sadd.s32 s0, s12;
	[dreg:$0xd] =	wrdreg s8  }
0x1e: {  	s1 =	sadd.s32 s1, s12;
	s2 =	sadd.s32 s2, s12;
	[dreg:$0x15] =	wrdreg s0  }
0x1f: {  	s3 =	sadd.s32 s3, s12;
	s4 =	sadd.s32 s4, s12;
	[dreg:$0x16] =	wrdreg s1  }
0x20: {  	s7 =	smul.u32 $0x2710, s25;
	s5 =	sshrl.u32 s5, $0x2;
	[dreg:$0x17] =	wrdreg s2  }
0x21: {  	s25 =	smul.u32 $0x140, s14;
	s5 =	sadd.s32 s5, s12;
	[dreg:$0x18] =	wrdreg s3  }
0x22: {  	s8 =	sshrl.u32 s26, $0x2;
	s18 =	sshrl.u32 s13, $0x2;
	[dreg:$0x19] =	wrdreg s4  }
0x23: {  	s10 =	sadd.s32 s22, s12;
	s13 =	sadd.s32 $0x460, s6;
	s7 =	sshrl.u32 s7, $0x3  }
0x24: {  	[dreg:$0xe] =	wrdreg s5;
	s14 =	sshrl.u32 s25, $0x2;
	s17 =	sadd.s32 s8, s12  }
0x25: {  	s25 =	sshrl.u32 s16, $0x2;
	s8 =	sadd.s32 s20, s12;
	[dreg:$0x1c] =	wrdreg s10  }
0x26: {  	s16 =	sadd.s32 $0x370, s6;
	s21 =	sadd.s32 s11, s7;
	s7 =	sshrl.u32 s24, $0x2  }
0x27: {  	[dreg:$0x11] =	wrdreg s17;
	s24 =	sshrl.u32 s15, $0x2;
	s26 =	sadd.s32 s25, s12  }
0x28: {  	[dreg:$0x1b] =	wrdreg s8;
	s15 =	sadd.s32 $0x3C0, s6;
	s17 =	sadd.s32 $0x320, s6  }
0x29: {  	s3 =	sshrl.u32 s16, $0x3;
	s16 =	simm.s32 $0x9;
	s5 =	sadd.s32 s7, s12  }
0x2a: {  	[dreg:$0x14] =	wrdreg s26;
	s7 =	sadd.s32 $0x4B0, s6;
	s2 =	sshrl.u32 s15, $0x3  }
0x2b: {  	s4 =	sshrl.u32 s17, $0x3;
	s3 =	sadd.s32 s3, s11;
	[dreg:$0xb] =	wrdreg s21  }
0x2c: {  	s20 =	sadd.s32 $0x14, s21;
	s22 =	sadd.s32 $0x1E, s21;
	[dreg:$0xf] =	wrdreg s5  }
0x2d: {  	s23 =	sadd.s32 $0x28, s21;
	s25 =	sadd.s32 $0x3C, s21;
	[dreg:$0x1f] =	wrdreg s20  }
0x2e: {  	s26 =	sadd.s32 $0x46, s21;
	s15 =	simm.s32 $0x480;
	[smem:$0x7F9] =	sst s22  }
0x2f: {  	s5 =	sadd.s32 s14, s12;
	s0 =	sshrl.u32 s7, $0x3;
	[smem:$0x7FA] =	sst s23  }
0x30: {  	s14 =	sadd.s32 $0x410, s6;
	s2 =	sadd.s32 s2, s11;
	[smem:$0x7FC] =	sst s25  }
0x31: {  	s4 =	sadd.s32 s4, s11;
	[smem:$0x7FD] =	sst s26;
	s20 =	simm.s32 $0x200  }
0x32: {  	s22 =	simm.s32 $0x380;
	s25 =	simm.s32 $0x1;
	s26 =	simm.s32 $0x50  }
0x33: {  	[dreg:$0x10] =	wrdreg s5;
	s5 =	sadd.s32 s18, s12;
	s10 =	sadd.s32 s0, s11  }
0x34: {  	s0 =	sshrl.u32 s13, $0x3;
	s1 =	sshrl.u32 s14, $0x3;
	s18 =	sadd.s32 $0x2D0, s6  }
0x35: {  	s6 =	sadd.s32 $0x280, s6;
	s13 =	simm.s32 $0x6;
	s14 =	simm.s32 $0x0  }
0x36: {  	[dreg:$0x12] =	wrdreg s5;
	s5 =	sadd.s32 s24, s12;
	s0 =	sadd.s32 s0, s11  }
.Ltmp0:
0x37: {  	s1 =	sadd.s32 s1, s11;
	[dreg:$0x1d] =	wrdreg s6;
	(pc) =	sbr.rel .LBB2_1-.Ltmp0, $4  }
0x38: {  	s24 =	sadd.s32 $0x32, s21;
	s6 =	simm.s32 $0xD;
	[dreg:$0x13] =	wrdreg s5  }
0x39: {  	s5 =	sadd.s32 s19, s12;
	s19 =	sadd.s32 $0xA, s21;
	[smem:$0x7FB] =	sst s24  }
0x3a: {  	s21 =	simm.s32 $0x280;
	[dreg:$0x1a] =	wrdreg s5;
	s5 =	sshrl.u32 s18, $0x3  }
0x3b: {  	v0 =	vimm.f32 $1.000000000e+00;
	v1 =	vimm.f32 $0.0e+00;
	[dreg:$0x1e] =	wrdreg s19;
	s19 =	simm.s32 $0x100;
	s5 =	sadd.s32 s5, s11  }
.LBB2_4:
0x3c: {  	s16 =	simm.s32 $0x9  }
0x3d: {  	_ =	swait.ge [sflag:s16], $0x50  }
0x3e: {  	[sflag:s16] =	ssyncset.done $0x0  }
0x3f: {  	s7 =	simm.s32 $0xA;
	[sflag:s16] =	ssyncadd.s32 $0xFFFFFFB0  }
0x40: {  	_ =	swait.ge [sflag:s7], $0x50  }
0x41: {  	[sflag:s7] =	ssyncset.done $0x0  }
0x42: {  	s23 =	simm.s32 $0xB;
	[sflag:s7] =	ssyncadd.s32 $0xFFFFFFB0  }
0x43: {  	_ =	swait.ge [sflag:s23], $0x50  }
0x44: {  	[sflag:s23] =	ssyncset.done $0x0  }
0x45: {  	s24 =	simm.s32 $0xC;
	[sflag:s23] =	ssyncadd.s32 $0xFFFFFFB0  }
0x46: {  	_ =	swait.ge [sflag:s24], $0x50  }
0x47: {  	[sflag:s24] =	ssyncset.done $0x0  }
0x48: {  	[sflag:s24] =	ssyncadd.s32 $0xFFFFFFB0  }
0x49: {  	_ =	swait.ge [sflag:s6], $0x50  }
0x4a: {  	[sflag:s6] =	ssyncset.done $0x0  }
0x4b: {  	s8 =	simm.s32 $0xE;
	[sflag:s6] =	ssyncadd.s32 $0xFFFFFFB0  }
0x4c: {  	_ =	swait.ge [sflag:s8], $0x50  }
0x4d: {  	[sflag:s8] =	ssyncset.done $0x0  }
0x4e: {  	s14 =	simm.s32 $0xF;
	[sflag:s8] =	ssyncadd.s32 $0xFFFFFFB0  }
0x4f: {  	_ =	swait.ge [sflag:s14], $0x50  }
0x50: {  	[sflag:s14] =	ssyncset.done $0x0  }
0x51: {  	s15 =	simm.s32 $0x10;
	[sflag:s14] =	ssyncadd.s32 $0xFFFFFFB0  }
0x52: {  	_ =	swait.ge [sflag:s15], $0x50  }
0x53: {  	[sflag:s15] =	ssyncset.done $0x0  }
0x54: {  	[sflag:s15] =	ssyncadd.s32 $0xFFFFFFB0  }
0x55: {  	[bflag:$0x0] =	sbarrier.arrive $0xFFFF  }
0x56: {  	s8 =	simm.s32 $0x12;
	s15 =	simm.s32 $0x480;
	s17 =	rddreg [dreg:$0x15]  }
0x57: {  	[tilespmem:s15], [sflag:$0x12] =	stream.linear.gather [spmem:s17], $0x50, $0x38;
	[tilespmem:$0x778] =	vst v63  }
0x58: {  	_ =	swait.ge [sflag:s8], $0x50  }
0x59: {  	[sflag:s8] =	ssyncset.done $0x0  }
0x5a: {  	s14 =	simm.s32 $0x11;
	s18 =	rddreg [dreg:$0x3];
	[sflag:s8] =	ssyncadd.s32 $0xFFFFFFB0  }
0x5b: {  	[hbm4b:s18+s9] =	stream.linear.scatter [tilespmem:s15], [sflag:$0x11], $0x50, $0x38;
	[tilespmem:$0x778] =	vst v63  }
0x5c: {  	_ =	swait.ge [sflag:s14], $0x50  }
0x5d: {  	[sflag:s14] =	ssyncset.done $0x0  }
0x5e: {  	s23 =	rddreg [dreg:$0x16];
	[sflag:s14] =	ssyncadd.s32 $0xFFFFFFB0  }
0x5f: {  	[tilespmem:s15], [sflag:$0x12] =	stream.linear.gather [spmem:s23], $0x50, $0x38;
	[tilespmem:$0x778] =	vst v63  }
0x60: {  	_ =	swait.ge [sflag:s8], $0x50  }
0x61: {  	[sflag:s8] =	ssyncset.done $0x0  }
0x62: {  	s24 =	rddreg [dreg:$0x4];
	[sflag:s8] =	ssyncadd.s32 $0xFFFFFFB0  }
0x63: {  	[hbm4b:s24+s9] =	stream.linear.scatter [tilespmem:s15], [sflag:$0x11], $0x50, $0x38;
	[tilespmem:$0x778] =	vst v63  }
0x64: {  	_ =	swait.ge [sflag:s14], $0x50  }
0x65: {  	[sflag:s14] =	ssyncset.done $0x0  }
0x66: {  	s17 =	rddreg [dreg:$0x17];
	[sflag:s14] =	ssyncadd.s32 $0xFFFFFFB0  }
0x67: {  	[tilespmem:s15], [sflag:$0x12] =	stream.linear.gather [spmem:s17], $0x50, $0x38;
	[tilespmem:$0x778] =	vst v63  }
0x68: {  	_ =	swait.ge [sflag:s8], $0x50  }
0x69: {  	[sflag:s8] =	ssyncset.done $0x0  }
0x6a: {  	s18 =	rddreg [dreg:$0x5];
	[sflag:s8] =	ssyncadd.s32 $0xFFFFFFB0  }
0x6b: {  	[hbm4b:s18+s9] =	stream.linear.scatter [tilespmem:s15], [sflag:$0x11], $0x50, $0x38;
	[tilespmem:$0x778] =	vst v63  }
0x6c: {  	_ =	swait.ge [sflag:s14], $0x50  }
0x6d: {  	[sflag:s14] =	ssyncset.done $0x0  }
0x6e: {  	s23 =	rddreg [dreg:$0x18];
	[sflag:s14] =	ssyncadd.s32 $0xFFFFFFB0  }
0x6f: {  	[tilespmem:s15], [sflag:$0x12] =	stream.linear.gather [spmem:s23], $0x50, $0x38;
	[tilespmem:$0x778] =	vst v63  }
0x70: {  	_ =	swait.ge [sflag:s8], $0x50  }
0x71: {  	[sflag:s8] =	ssyncset.done $0x0  }
0x72: {  	s24 =	rddreg [dreg:$0x6];
	[sflag:s8] =	ssyncadd.s32 $0xFFFFFFB0  }
0x73: {  	[hbm4b:s24+s9] =	stream.linear.scatter [tilespmem:s15], [sflag:$0x11], $0x50, $0x38;
	[tilespmem:$0x778] =	vst v63  }
0x74: {  	_ =	swait.ge [sflag:s14], $0x50  }
0x75: {  	[sflag:s14] =	ssyncset.done $0x0  }
0x76: {  	s17 =	rddreg [dreg:$0x19];
	[sflag:s14] =	ssyncadd.s32 $0xFFFFFFB0  }
0x77: {  	[tilespmem:s15], [sflag:$0x12] =	stream.linear.gather [spmem:s17], $0x50, $0x38;
	[tilespmem:$0x778] =	vst v63  }
0x78: {  	_ =	swait.ge [sflag:s8], $0x50  }
0x79: {  	[sflag:s8] =	ssyncset.done $0x0  }
0x7a: {  	s18 =	rddreg [dreg:$0x7];
	[sflag:s8] =	ssyncadd.s32 $0xFFFFFFB0  }
0x7b: {  	[hbm4b:s18+s9] =	stream.linear.scatter [tilespmem:s15], [sflag:$0x11], $0x50, $0x38;
	[tilespmem:$0x778] =	vst v63  }
0x7c: {  	_ =	swait.ge [sflag:s14], $0x50  }
0x7d: {  	[sflag:s14] =	ssyncset.done $0x0  }
0x7e: {  	s23 =	rddreg [dreg:$0x1a];
	[sflag:s14] =	ssyncadd.s32 $0xFFFFFFB0  }
0x7f: {  	[tilespmem:s15], [sflag:$0x12] =	stream.linear.gather [spmem:s23], $0x50, $0x38;
	[tilespmem:$0x778] =	vst v63  }
0x80: {  	_ =	swait.ge [sflag:s8], $0x50  }
0x81: {  	[sflag:s8] =	ssyncset.done $0x0  }
0x82: {  	s24 =	rddreg [dreg:$0x8];
	[sflag:s8] =	ssyncadd.s32 $0xFFFFFFB0  }
0x83: {  	[hbm4b:s24+s9] =	stream.linear.scatter [tilespmem:s15], [sflag:$0x11], $0x50, $0x38;
	[tilespmem:$0x778] =	vst v63  }
0x84: {  	_ =	swait.ge [sflag:s14], $0x50  }
0x85: {  	[sflag:s14] =	ssyncset.done $0x0  }
0x86: {  	s17 =	rddreg [dreg:$0x1b];
	[sflag:s14] =	ssyncadd.s32 $0xFFFFFFB0  }
0x87: {  	[tilespmem:s15], [sflag:$0x12] =	stream.linear.gather [spmem:s17], $0x50, $0x38;
	[tilespmem:$0x778] =	vst v63  }
0x88: {  	_ =	swait.ge [sflag:s8], $0x50  }
0x89: {  	[sflag:s8] =	ssyncset.done $0x0  }
0x8a: {  	s18 =	rddreg [dreg:$0x9];
	[sflag:s8] =	ssyncadd.s32 $0xFFFFFFB0  }
0x8b: {  	[hbm4b:s18+s9] =	stream.linear.scatter [tilespmem:s15], [sflag:$0x11], $0x50, $0x38;
	[tilespmem:$0x778] =	vst v63  }
0x8c: {  	_ =	swait.ge [sflag:s14], $0x50  }
0x8d: {  	[sflag:s14] =	ssyncset.done $0x0  }
0x8e: {  	s7 =	simm.s32 @!p0 $0x480;
	s8 =	rddreg [dreg:$0x1c];
	[sflag:s14] =	ssyncadd.s32 $0xFFFFFFB0  }
0x8f: {  	[tilespmem:s7], [sflag:$0x12] =	stream.linear.gather @!p0 [spmem:s8], $0x50, $0x38;
	[tilespmem:$0x778] =	vst v63  }
0x90: {  	s8 =	simm.s32 @!p0 $0x12  }
0x91: {  	_ =	swait.ge @!p0 [sflag:s8], $0x50  }
0x92: {  	[sflag:s8] =	ssyncset.done @!p0 $0x0  }
0x93: {  	s14 =	rddreg [dreg:$0xa];
	[sflag:s8] =	ssyncadd.s32 @!p0 $0xFFFFFFB0;
	s8 =	simm.s32 @!p0 $0x0  }
0x94: {  	[hbm4b:s14+s8] =	stream.linear.scatter @!p0 [tilespmem:s7], [sflag:$0x11], $0x50, $0x38;
	[tilespmem:$0x778] =	vst v63  }
0x95: {  	s7 =	simm.s32 @!p0 $0x11  }
0x96: {  	_ =	swait.ge @!p0 [sflag:s7], $0x50  }
0x97: {  	s23 =	sld [smem:$0x7F8];
	_ =	sdelay $0x2  }
0x98: {  	s24 =	rddreg [dreg:$0xc];
	s14 =	sadd.s32 $0x1, s23  }
0x99: {  	p2 =	sne.s32 s14, s24  }
.Ltmp1:
0x9a: {  	_ = 	snop;
	(pc) =	sbr.rel @!p2 .LBB2_5-.Ltmp1, $3  }
0x9b: {  	_ =	sdelay $0x1  }
0x9c: {  	[sflag:s7] =	ssyncset.done @!p0 $0x0  }
0x9d: {  	[sflag:s7] =	ssyncadd.s32 @!p0 $0xFFFFFFB0  }
.LBB2_1:
0x9e: {  	[tilespmem:$0x400] =	vst v0  }
0x9f: {  	[tilespmem:$0x480] =	vst v1  }
0xa0: {  	[tilespmem:$0x410] =	vst v0  }
0xa1: {  	[tilespmem:$0x490] =	vst v1  }
0xa2: {  	[tilespmem:$0x420] =	vst v0  }
0xa3: {  	[tilespmem:$0x4A0] =	vst v1  }
0xa4: {  	[tilespmem:$0x430] =	vst v0  }
0xa5: {  	[smem:$0x7F8] =	sst s14;
	[tilespmem:$0x4B0] =	vst v1  }
0xa6: {  	[tilespmem:$0x440] =	vst v0;
	s7 =	rddreg [dreg:$0xb]  }
0xa7: {  	[tilespmem:$0x4C0] =	vst v1;
	s17 =	rddreg [dreg:$0x1e]  }
0xa8: {  	[tilespmem:s9], [sflag:$0x1] =	stream.linear.gather [hbm4b:s7+s9], $0x50, $0x38;
	[tilespmem:$0x778] =	vst v63  }
0xa9: {  	s8 =	simm.s32 $0x80;
	s18 =	rddreg [dreg:$0x1f]  }
0xaa: {  	[tilespmem:s8], [sflag:$0x2] =	stream.linear.gather [hbm4b:s17+s9], $0x50, $0x38;
	[tilespmem:$0x778] =	vst v63  }
0xab: {  	s23 =	sld [smem:$0x7F9]  }
0xac: {  	[tilespmem:s19], [sflag:$0x3] =	stream.linear.gather [hbm4b:s18+s9], $0x50, $0x38;
	[tilespmem:$0x778] =	vst v63  }
0xad: {  	s24 =	simm.s32 $0x180;
	s8 =	sld [smem:$0x7FA]  }
0xae: {  	[tilespmem:s24], [sflag:$0x4] =	stream.linear.gather [hbm4b:s23+s9], $0x50, $0x38;
	[tilespmem:$0x778] =	vst v63  }
0xaf: {  	s14 =	sld [smem:$0x7FB]  }
0xb0: {  	[tilespmem:s20], [sflag:$0x5] =	stream.linear.gather [hbm4b:s8+s9], $0x50, $0x38;
	[tilespmem:$0x778] =	vst v63  }
0xb1: {  	s17 =	sld [smem:$0x7FC]  }
0xb2: {  	[tilespmem:s21], [sflag:$0x6] =	stream.linear.gather [hbm4b:s14+s9], $0x50, $0x38;
	[tilespmem:$0x778] =	vst v63  }
0xb3: {  	s18 =	simm.s32 $0x300;
	s23 =	sld [smem:$0x7FD]  }
0xb4: {  	[tilespmem:s18], [sflag:$0x7] =	stream.linear.gather [hbm4b:s17+s9], $0x50, $0x38;
	[tilespmem:$0x778] =	vst v63  }
0xb5: {  	_ = 	snop  }
0xb6: {  	[tilespmem:s22], [sflag:$0x8] =	stream.linear.gather [hbm4b:s23+s9], $0x50, $0x38;
	[tilespmem:$0x778] =	vst v63  }
0xb7: {  	s24 =	rddreg [dreg:$0xd]  }
0xb8: {  	[spmem:s24] =	stream.linear.scatter [tilespmem:s15], [sflag:$0x9], $0x50, $0x38;
	[tilespmem:$0x778] =	vst v63  }
0xb9: {  	s8 =	rddreg [dreg:$0xe]  }
0xba: {  	[spmem:s8] =	stream.linear.scatter [tilespmem:s15], [sflag:$0x9], $0x50, $0x38;
	[tilespmem:$0x778] =	vst v63  }
0xbb: {  	s14 =	rddreg [dreg:$0xf]  }
0xbc: {  	[spmem:s14] =	stream.linear.scatter [tilespmem:s15], [sflag:$0x9], $0x50, $0x38;
	[tilespmem:$0x778] =	vst v63  }
0xbd: {  	s17 =	rddreg [dreg:$0x10]  }
0xbe: {  	[spmem:s17] =	stream.linear.scatter [tilespmem:s15], [sflag:$0x9], $0x50, $0x38;
	[tilespmem:$0x778] =	vst v63  }
0xbf: {  	s18 =	rddreg [dreg:$0x11]  }
0xc0: {  	[spmem:s18] =	stream.linear.scatter [tilespmem:s15], [sflag:$0x9], $0x50, $0x38;
	[tilespmem:$0x778] =	vst v63  }
0xc1: {  	s23 =	rddreg [dreg:$0x12]  }
0xc2: {  	[spmem:s23] =	stream.linear.scatter [tilespmem:s15], [sflag:$0x9], $0x50, $0x38;
	[tilespmem:$0x778] =	vst v63  }
0xc3: {  	s24 =	rddreg [dreg:$0x13]  }
0xc4: {  	[spmem:s24] =	stream.linear.scatter [tilespmem:s15], [sflag:$0x9], $0x50, $0x38;
	[tilespmem:$0x778] =	vst v63  }
0xc5: {  	s7 =	rddreg [dreg:$0x14];
	s8 =	simm.s32 @!p0 $0x480  }
0xc6: {  	[spmem:s7] =	stream.linear.scatter @!p0 [tilespmem:s8], [sflag:$0x9], $0x50, $0x38;
	[tilespmem:$0x778] =	vst v63  }
0xc7: {  	_ =	swait.ge [sflag:s16], $0x50  }
0xc8: {  	[sflag:s16] =	ssyncset.done $0x0  }
0xc9: {  	[sflag:s16] =	ssyncadd.s32 $0xFFFFFFB0  }
0xca: {  	_ =	swait.ge [sflag:s16], $0x50  }
0xcb: {  	[sflag:s16] =	ssyncset.done $0x0  }
0xcc: {  	[sflag:s16] =	ssyncadd.s32 $0xFFFFFFB0  }
0xcd: {  	_ =	swait.ge [sflag:s16], $0x50  }
0xce: {  	[sflag:s16] =	ssyncset.done $0x0  }
0xcf: {  	[sflag:s16] =	ssyncadd.s32 $0xFFFFFFB0  }
0xd0: {  	_ =	swait.ge [sflag:s16], $0x50  }
0xd1: {  	[sflag:s16] =	ssyncset.done $0x0  }
0xd2: {  	[sflag:s16] =	ssyncadd.s32 $0xFFFFFFB0  }
0xd3: {  	_ =	swait.ge [sflag:s16], $0x50  }
0xd4: {  	[sflag:s16] =	ssyncset.done $0x0  }
0xd5: {  	[sflag:s16] =	ssyncadd.s32 $0xFFFFFFB0  }
0xd6: {  	_ =	swait.ge [sflag:s16], $0x50  }
0xd7: {  	[sflag:s16] =	ssyncset.done $0x0  }
0xd8: {  	[sflag:s16] =	ssyncadd.s32 $0xFFFFFFB0  }
0xd9: {  	_ =	swait.ge [sflag:s16], $0x50  }
0xda: {  	[sflag:s16] =	ssyncset.done $0x0  }
0xdb: {  	s8 =	simm.s32 @!p1 $0x9;
	[sflag:s16] =	ssyncadd.s32 $0xFFFFFFB0  }
0xdc: {  	_ =	swait.ge @!p1 [sflag:s8], $0x50  }
0xdd: {  	[sflag:s8] =	ssyncset.done @!p1 $0x0  }
0xde: {  	[sflag:s8] =	ssyncadd.s32 @!p1 $0xFFFFFFB0  }
0xdf: {  	[bflag:$0x0] =	sbarrier.arrive $0xFFFF  }
0xe0: {  	s14 =	simm.s32 $0x0;
	s8 =	rddreg [dreg:$0x1d]  }
.LBB2_2:
0xe1: {  	_ =	swait.ge [sflag:s25], $0x50  }
0xe2: {  	p2 =	seq.s32 s14, $0x4B0;
	[sflag:s25] =	ssyncset.done $0x0  }
0xe3: {  	s15 =	simm.s32 @p2 $0x2;
	[sflag:s25] =	ssyncadd.s32 $0xFFFFFFB0  }
0xe4: {  	[spmem:s12] =	stream.indirect.scatter.add.f32 [tilespmem:s28], [sflag:$0x9], $0x1, s9, s26, $0xb8;
	[tilespmem:$0x778] =	vst v63  }
0xe5: {  	_ =	swait.ge @p2 [sflag:s15], $0x50  }
0xe6: {  	s16 =	simm.s32 @p2 $0x80;
	[sflag:s15] =	ssyncset.done @p2 $0x0  }
0xe7: {  	s7 =	simm.s32 @p2 $0x400;
	[sflag:s15] =	ssyncadd.s32 @p2 $0xFFFFFFB0;
	s15 =	simm.s32 @p2 $0x50  }
0xe8: {  	[spmem:s12] =	stream.indirect.scatter.add.f32 @p2 [tilespmem:s7], [sflag:$0xA], $0x1, s16, s15, $0xb8;
	[tilespmem:$0x778] =	vst v63  }
0xe9: {  	s16 =	simm.s32 @!p2 $0x9  }
0xea: {  	_ =	swait.ge @!p2 [sflag:s16], $0x50  }
0xeb: {  	s23 =	sshrl.u32 @!p2 s8, $0x3;
	[sflag:s16] =	ssyncset.done @!p2 $0x0  }
0xec: {  	[sflag:s16] =	ssyncadd.s32 @!p2 $0xFFFFFFB0;
	s16 =	sadd.s32 @!p2 s11, s23;
	s23 =	simm.s32 @!p2 $0x0  }
0xed: {  	[tilespmem:s23], [sflag:$0x1] =	stream.linear.gather @!p2 [hbm4b:s16+s23], $0x50, $0x38;
	[tilespmem:$0x778] =	vst v63  }
0xee: {  	s16 =	simm.s32 @!p2 $0x2  }
0xef: {  	_ =	swait.ge @!p2 [sflag:s16], $0x50  }
0xf0: {  	s17 =	simm.s32 @!p2 $0x80;
	s18 =	simm.s32 @!p2 $0x400;
	[sflag:s16] =	ssyncset.done @!p2 $0x0  }
0xf1: {  	s24 =	simm.s32 @!p2 $0xA;
	[sflag:s16] =	ssyncadd.s32 @!p2 $0xFFFFFFB0;
	s16 =	simm.s32 @!p2 $0x50  }
0xf2: {  	[spmem:s12] =	stream.indirect.scatter.add.f32 @!p2 [tilespmem:s18], [sflag:$0xA], $0x1, s17, s16, $0xb8;
	[tilespmem:$0x778] =	vst v63  }
0xf3: {  	_ =	swait.ge @!p2 [sflag:s24], $0x50  }
0xf4: {  	[sflag:s24] =	ssyncset.done @!p2 $0x0  }
0xf5: {  	[sflag:s24] =	ssyncadd.s32 @!p2 $0xFFFFFFB0;
	s24 =	sadd.s32 @!p2 s14, s5  }
0xf6: {  	[tilespmem:s17], [sflag:$0x2] =	stream.linear.gather @!p2 [hbm4b:s24+s23], $0x50, $0x38;
	[tilespmem:$0x778] =	vst v63  }
0xf7: {  	_ =	swait.ge [sflag:s29], $0x50  }
0xf8: {  	[sflag:s29] =	ssyncset.done $0x0  }
0xf9: {  	s17 =	simm.s32 @p2 $0x4;
	[sflag:s29] =	ssyncadd.s32 $0xFFFFFFB0  }
0xfa: {  	[spmem:s12] =	stream.indirect.scatter.add.f32 [tilespmem:s28], [sflag:$0xB], $0x1, s19, s26, $0xb8;
	[tilespmem:$0x778] =	vst v63  }
0xfb: {  	_ =	swait.ge @p2 [sflag:s17], $0x50  }
0xfc: {  	[sflag:s17] =	ssyncset.done @p2 $0x0  }
0xfd: {  	[sflag:s17] =	ssyncadd.s32 @p2 $0xFFFFFFB0;
	s17 =	simm.s32 @p2 $0x180  }
0xfe: {  	[spmem:s12] =	stream.indirect.scatter.add.f32 @p2 [tilespmem:s7], [sflag:$0xC], $0x1, s17, s15, $0xb8;
	[tilespmem:$0x778] =	vst v63  }
0xff: {  	s7 =	simm.s32 @!p2 $0xB  }
0x100: {  	_ =	swait.ge @!p2 [sflag:s7], $0x50  }
0x101: {  	[sflag:s7] =	ssyncset.done @!p2 $0x0  }
0x102: {  	s15 =	simm.s32 @!p2 $0x100;
	[sflag:s7] =	ssyncadd.s32 @!p2 $0xFFFFFFB0;
	s7 =	sadd.s32 @!p2 s14, s4  }
0x103: {  	[tilespmem:s15], [sflag:$0x3] =	stream.linear.gather @!p2 [hbm4b:s7+s23], $0x50, $0x38;
	[tilespmem:$0x778] =	vst v63  }
0x104: {  	s7 =	simm.s32 @!p2 $0x4  }
0x105: {  	_ =	swait.ge @!p2 [sflag:s7], $0x50  }
0x106: {  	[sflag:s7] =	ssyncset.done @!p2 $0x0  }
0x107: {  	s15 =	simm.s32 @!p2 $0xC;
	[sflag:s7] =	ssyncadd.s32 @!p2 $0xFFFFFFB0;
	s7 =	simm.s32 @!p2 $0x180  }
0x108: {  	[spmem:s12] =	stream.indirect.scatter.add.f32 @!p2 [tilespmem:s18], [sflag:$0xC], $0x1, s7, s16, $0xb8;
	[tilespmem:$0x778] =	vst v63  }
0x109: {  	_ =	swait.ge @!p2 [sflag:s15], $0x50  }
0x10a: {  	[sflag:s15] =	ssyncset.done @!p2 $0x0  }
0x10b: {  	[sflag:s15] =	ssyncadd.s32 @!p2 $0xFFFFFFB0;
	s15 =	sadd.s32 @!p2 s14, s3  }
0x10c: {  	[tilespmem:s7], [sflag:$0x4] =	stream.linear.gather @!p2 [hbm4b:s15+s23], $0x50, $0x38;
	[tilespmem:$0x778] =	vst v63  }
.Ltmp2:
0x10d: {  	_ = 	snop;
	(pc) =	sbr.rel @p2 .LBB2_4-.Ltmp2, $4  }
0x10e: {  	_ =	swait.ge [sflag:s30], $0x50  }
0x10f: {  	[sflag:s30] =	ssyncset.done $0x0  }
0x110: {  	[sflag:s30] =	ssyncadd.s32 $0xFFFFFFB0  }
0x111: {  	[spmem:s12] =	stream.indirect.scatter.add.f32 [tilespmem:s28], [sflag:$0xD], $0x1, s20, s26, $0xb8;
	[tilespmem:$0x778] =	vst v63  }
0x112: {  	_ =	swait.ge [sflag:s6], $0x50  }
0x113: {  	[sflag:s6] =	ssyncset.done $0x0  }
0x114: {  	s7 =	sadd.s32 s14, s2;
	[sflag:s6] =	ssyncadd.s32 $0xFFFFFFB0  }
0x115: {  	[tilespmem:s20], [sflag:$0x5] =	stream.linear.gather [hbm4b:s7+s9], $0x50, $0x38;
	[tilespmem:$0x778] =	vst v63  }
0x116: {  	_ =	swait.ge [sflag:s13], $0x50  }
0x117: {  	p2 =	seq.s32 s14, $0x460;
	[sflag:s13] =	ssyncset.done $0x0  }
0x118: {  	s7 =	simm.s32 @p2 $0x7;
	[sflag:s13] =	ssyncadd.s32 $0xFFFFFFB0  }
0x119: {  	[spmem:s12] =	stream.indirect.scatter.add.f32 [tilespmem:s28], [sflag:$0xE], $0x1, s21, s26, $0xb8;
	[tilespmem:$0x778] =	vst v63  }
0x11a: {  	_ =	swait.ge @p2 [sflag:s7], $0x50  }
0x11b: {  	s15 =	simm.s32 @p2 $0x300;
	[sflag:s7] =	ssyncset.done @p2 $0x0  }
0x11c: {  	s16 =	simm.s32 @p2 $0x400;
	[sflag:s7] =	ssyncadd.s32 @p2 $0xFFFFFFB0;
	s7 =	simm.s32 @p2 $0x50  }
0x11d: {  	[spmem:s12] =	stream.indirect.scatter.add.f32 @p2 [tilespmem:s16], [sflag:$0xF], $0x1, s15, s7, $0xb8;
	[tilespmem:$0x778] =	vst v63  }
0x11e: {  	s7 =	simm.s32 @!p2 $0xE  }
0x11f: {  	_ =	swait.ge @!p2 [sflag:s7], $0x50  }
0x120: {  	s15 =	simm.s32 @!p2 $0x0;
	[sflag:s7] =	ssyncset.done @!p2 $0x0  }
0x121: {  	s16 =	simm.s32 @!p2 $0x280;
	[sflag:s7] =	ssyncadd.s32 @!p2 $0xFFFFFFB0;
	s7 =	sadd.s32 @!p2 s14, s1  }
0x122: {  	[tilespmem:s16], [sflag:$0x6] =	stream.linear.gather @!p2 [hbm4b:s7+s15], $0x50, $0x38;
	[tilespmem:$0x778] =	vst v63  }
0x123: {  	s7 =	simm.s32 @!p2 $0x7  }
0x124: {  	_ =	swait.ge @!p2 [sflag:s7], $0x50  }
0x125: {  	s17 =	simm.s32 @!p2 $0x400;
	[sflag:s7] =	ssyncset.done @!p2 $0x0  }
0x126: {  	s16 =	simm.s32 @!p2 $0x300;
	[sflag:s7] =	ssyncadd.s32 @!p2 $0xFFFFFFB0;
	s7 =	simm.s32 @!p2 $0x50  }
0x127: {  	[spmem:s12] =	stream.indirect.scatter.add.f32 @!p2 [tilespmem:s17], [sflag:$0xF], $0x1, s16, s7, $0xb8;
	[tilespmem:$0x778] =	vst v63  }
0x128: {  	s7 =	simm.s32 @!p2 $0xF  }
0x129: {  	_ =	swait.ge @!p2 [sflag:s7], $0x50  }
0x12a: {  	[sflag:s7] =	ssyncset.done @!p2 $0x0  }
0x12b: {  	[sflag:s7] =	ssyncadd.s32 @!p2 $0xFFFFFFB0;
	s7 =	sadd.s32 @!p2 s14, s0  }
0x12c: {  	[tilespmem:s16], [sflag:$0x7] =	stream.linear.gather @!p2 [hbm4b:s7+s15], $0x50, $0x38;
	[tilespmem:$0x778] =	vst v63  }
0x12d: {  	_ =	swait.ge [sflag:s31], $0x50  }
0x12e: {  	[sflag:s31] =	ssyncset.done $0x0  }
0x12f: {  	[sflag:s31] =	ssyncadd.s32 $0xFFFFFFB0  }
0x130: {  	[spmem:s12] =	stream.indirect.scatter.add.f32 [tilespmem:s28], [sflag:$0x10], $0x1, s22, s26, $0xb8;
	[tilespmem:$0x778] =	vst v63  }
.Ltmp3:
0x131: {  	s7 =	simm.s32 @!p2 $0x10;
	(pc) =	sbr.rel .LBB2_2-.Ltmp3, $4  }
0x132: {  	_ =	swait.ge @!p2 [sflag:s7], $0x50  }
0x133: {  	s8 =	sadd.s32 $0x280, s8;
	s16 =	simm.s32 @!p2 $0x380;
	[sflag:s7] =	ssyncset.done @!p2 $0x0  }
0x134: {  	[sflag:s7] =	ssyncadd.s32 @!p2 $0xFFFFFFB0;
	s7 =	sadd.s32 @!p2 s14, s10;
	s14 =	sadd.s32 $0x50, s14  }
0x135: {  	[tilespmem:s16], [sflag:$0x8] =	stream.linear.gather @!p2 [hbm4b:s7+s15], $0x50, $0x38;
	[tilespmem:$0x778] =	vst v63  }
.LBB2_5:
0x136: {  	_ =	sfence.sel $0x180000  }
0x137: {  	[bflag:$0x0] =	sbarrier.arrive $0xFFFF  }
0x138: {  	_ =	strace $0x90000047  }
0x139: {  	s0 =	stileid.u32;
	[bflag:$0x2] =	sbarrier.arrive $0xFFFF  }
0x13a: {  	p0 =	sne.s32 s0, $0x0;
	s0 =	rddreg [dreg:$0x2]  }
0x13b: {  	s0 =	sadd.s32 @!p0 $0x100000, s0  }
0x13c: {  	[sflag:s0] =	ssyncadd.tile.s32 @!p0 $0x1;
	_ =	shalt  }
.Lfunc_end2:
_tile_overlayer_lowered:
.L_overlay_start_2:
0x13d: {  	(tag) =	ssettag $0x2  }
0x13e: {  	s0 =	rddreg [dreg:$0x0];
	s2 =	stileid.u32  }
0x13f: {  	s1 =	rddreg [dreg:$0x1];
	p0 =	sne.s32 s2, $0x0  }
0x140: {  	s3 =	rddreg [dreg:$0x2];
	[bflag:$0x3] =	sbarrier.arrive $0xFFFF;
	s2 =	simm.s32 @!p0 $0x1C11  }
0x141: {  	[timem:s3], [sflag:s2] =	dma.local @!p0 [hbm:s0], s1  }
0x142: {  	s0 =	simm.s32 @!p0 $0x11  }
0x143: {  	_ =	swait.ge @!p0 [sflag:s0], s1  }
0x144: {  	s1 =	ssub.s32 @!p0 $0x0, s1;
	[sflag:s0] =	ssyncset.done @!p0 $0x0  }
0x145: {  	[sflag:s0] =	ssyncadd.s32 @!p0 s1  }
0x146: {  	[bflag:$0x3] =	sbarrier.arrive $0xFFFF  }
0x147: {  	_ =	shalt  }

</sc_bundles>
